<compile_context>
chip_gen: v7x
topology: tpu7x:2x2x1
jax: 0.10.2.dev20260603
libtpu: 0.0.44.dev20260713+nightly
codegen_flags: <defaults>
</compile_context>

<pallas_src>
import functools

import jax
import jax.numpy as jnp
from jax import lax
from jax.experimental import pallas as pl
from jax.experimental.pallas import tpu as pltpu
from jax.experimental.pallas import tpu_sc as plsc

L = 16
NC = 2
NS = 16
NW = NC * NS

ROWS = 16384
COLS = 200
D = 3
VOCAB = 10
RPW = ROWS // NW
CI = 128
NCH = RPW // CI
NG = CI // L
SLABS = ((0, 64), (64, 64), (128, 72))


def _make_kernel():
    mesh = plsc.VectorSubcoreMesh(core_axis_name="c", subcore_axis_name="s")

    @functools.partial(
        pl.kernel,
        out_type=jax.ShapeDtypeStruct((D, COLS, ROWS), jnp.float32),
        mesh=mesh,
        scratch_types=[
            [pltpu.VMEM((L,), jnp.float32) for _ in range(D)],
            [pltpu.VMEM((COLS, CI), jnp.int32) for _ in range(2)],
            [pltpu.VMEM((COLS, CI), jnp.float32) for _ in range(D)],
            [[pltpu.SemaphoreType.DMA] for _ in range(2)],
            [pltpu.SemaphoreType.DMA for _ in range(len(SLABS))],
            pltpu.SemaphoreType.DMA,
        ],
        compiler_params=pltpu.CompilerParams(needs_layout_passes=False),
    )
    def emb_kernel(xt_hbm, tab_hbm, out_hbm, tab_v, xb, ob, in_sem, out_sem,
                   tab_sem):
        wid = lax.axis_index("s") * NC + lax.axis_index("c")
        base = wid * RPW

        def in_slice(ch):
            return xt_hbm.at[:, pl.ds(base + ch * CI, CI)]

        def copy_in(ch, b):
            pltpu.async_copy(in_slice(ch), xb[b], in_sem[b][0])

        def wait_in(ch, b):
            pltpu.make_async_copy(in_slice(ch), xb[b], in_sem[b][0]).wait()

        def out_slab(ch, k, s):
            j0, jn = SLABS[s]
            return out_hbm.at[k, pl.ds(j0, jn), pl.ds(base + ch * CI, CI)]

        def ob_slab(k, s):
            j0, jn = SLABS[s]
            return ob[k].at[pl.ds(j0, jn), :]

        def compute_slab(b, s):
            j0, jn = SLABS[s]

            @plsc.parallel_loop(j0 * NG, (j0 + jn) * NG, unroll=2)
            def group_loop(t):
                j = t // NG
                sl = pl.ds((t - j * NG) * L, L)
                idx = xb[b][j, sl]
                for k in range(D):
                    vals = plsc.load_gather(tab_v[k], [idx])
                    ob[k][j, sl] = vals

        copy_in(0, 0)
        if NCH > 1:
            copy_in(1, 1)
        for k in range(D):
            pltpu.async_copy(tab_hbm.at[pl.ds(k * L, L)], tab_v[k], tab_sem)
        for k in range(D):
            pltpu.make_async_copy(
                tab_hbm.at[pl.ds(k * L, L)], tab_v[k], tab_sem
            ).wait()
        for ch in range(NCH):
            b = ch % 2
            wait_in(ch, b)
            for s in range(len(SLABS)):
                if ch >= 1:
                    for k in range(D):
                        pltpu.make_async_copy(
                            ob_slab(k, s), out_slab(ch - 1, k, s), out_sem[s]
                        ).wait()
                compute_slab(b, s)
                for k in range(D):
                    pltpu.async_copy(ob_slab(k, s), out_slab(ch, k, s), out_sem[s])
            if ch + 2 < NCH:
                copy_in(ch + 2, b)
        for s in range(len(SLABS)):
            for k in range(D):
                pltpu.make_async_copy(
                    ob_slab(k, s), out_slab(NCH - 1, k, s), out_sem[s]
                ).wait()

    return emb_kernel


_emb = _make_kernel()


def kernel(x, table):
    tab_p = (
        jnp.zeros((D, L), jnp.float32).at[:, :VOCAB].set(table.T).reshape(D * L)
    )
    out = _emb(x.T, tab_p)
    return out.transpose(2, 1, 0)

# --- scband reference (transcript-rebuilt; emitter-appended) ---
"""Pipeline reference for scband-embedding-model-44057774522532 (READ-ONLY COPY).

The authoritative reference and input builder live on the scoring server;
editing this copy changes nothing except your own understanding.
"""

import jax, jax.numpy as jnp
import numpy as np


def setup_inputs(seed: int = 0) -> dict:
    key = jax.random.key(seed)
    k_idx, k_tab = jax.random.split(key)
    x = jax.random.randint(k_idx, (16384, 200), 0, 10, dtype=jnp.int64 if jax.config.jax_enable_x64 else jnp.int32)
    table = jax.random.normal(k_tab, (10, 3), dtype=jnp.float32)
    return {"x": x, "table": table}


def reference(x, table):
    # torch.nn.Embedding(10, 3) forward: gather rows of the table by index
    return jnp.take(table, x, axis=0)

if __name__ == "__main__":
    import jax
    _d = setup_inputs()
    print(jax.jit(kernel)(*tuple(_d.values())))

</pallas_src>

<mosaic_0001>
#map = affine_map<(d0, d1) -> (0, 0)>
#map1 = affine_map<(d0, d1) -> (0)>
#map2 = affine_map<(d0, d1) -> (0, 0, 0)>
module attributes {stable_mosaic.version = 14 : i64} {
  func.func @emb_kernel(%arg0: i32, %arg1: i32, %arg2: memref<200x16384xi32, #tpu.memory_space<hbm>>, %arg3: memref<48xf32, #tpu.memory_space<hbm>>, %arg4: memref<3x200x16384xf32, #tpu.memory_space<hbm>>, %arg5: memref<16xf32, #tpu.memory_space<vmem>>, %arg6: memref<16xf32, #tpu.memory_space<vmem>>, %arg7: memref<16xf32, #tpu.memory_space<vmem>>, %arg8: memref<200x128xi32, #tpu.memory_space<vmem>>, %arg9: memref<200x128xi32, #tpu.memory_space<vmem>>, %arg10: memref<200x128xf32, #tpu.memory_space<vmem>>, %arg11: memref<200x128xf32, #tpu.memory_space<vmem>>, %arg12: memref<200x128xf32, #tpu.memory_space<vmem>>, %arg13: memref<!tpu.dma_semaphore, #tpu.memory_space<semaphore_mem>>, %arg14: memref<!tpu.dma_semaphore, #tpu.memory_space<semaphore_mem>>, %arg15: memref<!tpu.dma_semaphore, #tpu.memory_space<semaphore_mem>>, %arg16: memref<!tpu.dma_semaphore, #tpu.memory_space<semaphore_mem>>, %arg17: memref<!tpu.dma_semaphore, #tpu.memory_space<semaphore_mem>>, %arg18: memref<!tpu.dma_semaphore, #tpu.memory_space<semaphore_mem>>) attributes {dimension_semantics = [#tpu.dimension_semantics<core_parallel>, #tpu.dimension_semantics<subcore_parallel>], iteration_bounds = array<i64: 2, 16>, scalar_prefetch = 0 : i64, scratch_operands = 14 : i64, tpu.core_type = #tpu.core_type<sc_vector_subcore>, window_params = [{transform_indices = #map}, {transform_indices = #map1}, {transform_indices = #map2}]} {
    %mul3A = arith.constant 2 : i32
    %mul3A_0 = arith.muli %arg1, %mul3A : i32
    %add3A = arith.addi %mul3A_0, %arg0 : i32
    %mul3A_1 = arith.constant 512 : i32
    %mul3A_2 = arith.muli %add3A, %mul3A_1 : i32
    %add3A_3 = arith.constant 0 : i32
    %add3A_4 = arith.addi %mul3A_2, %add3A_3 : i32
    %dma_start3A = arith.constant 0 : i32
    %dma_start3A_5 = tpu.memref_slice %arg2[%dma_start3A, %add3A_4] : memref<200x16384xi32, #tpu.memory_space<hbm>> -> memref<200x128xi32, #tpu.memory_space<hbm>>
    %dma_start3A_6 = arith.constant 0 : i32
    %dma_start3A_7 = tpu.memref_slice %arg2[%dma_start3A_6, %add3A_4] : memref<200x16384xi32, #tpu.memory_space<hbm>> -> memref<200x128xi32, #tpu.memory_space<hbm>>
    tpu.enqueue_dma source(%dma_start3A_7 : memref<200x128xi32, #tpu.memory_space<hbm>>) target(%arg8 : memref<200x128xi32, #tpu.memory_space<vmem>>) target_semaphore(%arg13 : memref<!tpu.dma_semaphore, #tpu.memory_space<semaphore_mem>>)
    %add3A_8 = arith.constant 128 : i32
    %add3A_9 = arith.addi %mul3A_2, %add3A_8 : i32
    %dma_start3A_10 = arith.constant 0 : i32
    %dma_start3A_11 = tpu.memref_slice %arg2[%dma_start3A_10, %add3A_9] : memref<200x16384xi32, #tpu.memory_space<hbm>> -> memref<200x128xi32, #tpu.memory_space<hbm>>
    %dma_start3A_12 = arith.constant 0 : i32
    %dma_start3A_13 = tpu.memref_slice %arg2[%dma_start3A_12, %add3A_9] : memref<200x16384xi32, #tpu.memory_space<hbm>> -> memref<200x128xi32, #tpu.memory_space<hbm>>
    tpu.enqueue_dma source(%dma_start3A_13 : memref<200x128xi32, #tpu.memory_space<hbm>>) target(%arg9 : memref<200x128xi32, #tpu.memory_space<vmem>>) target_semaphore(%arg14 : memref<!tpu.dma_semaphore, #tpu.memory_space<semaphore_mem>>)
    %dma_start3A_14 = arith.constant 0 : i32
    %dma_start3A_15 = tpu.memref_slice %arg3[%dma_start3A_14] : memref<48xf32, #tpu.memory_space<hbm>> -> memref<16xf32, #tpu.memory_space<hbm>>
    %dma_start3A_16 = arith.constant 0 : i32
    %dma_start3A_17 = tpu.memref_slice %arg3[%dma_start3A_16] : memref<48xf32, #tpu.memory_space<hbm>> -> memref<16xf32, #tpu.memory_space<hbm>>
    tpu.enqueue_dma source(%dma_start3A_17 : memref<16xf32, #tpu.memory_space<hbm>>) target(%arg5 : memref<16xf32, #tpu.memory_space<vmem>>) target_semaphore(%arg18 : memref<!tpu.dma_semaphore, #tpu.memory_space<semaphore_mem>>)
    %dma_start3A_18 = arith.constant 16 : i32
    %dma_start3A_19 = tpu.memref_slice %arg3[%dma_start3A_18] : memref<48xf32, #tpu.memory_space<hbm>> -> memref<16xf32, #tpu.memory_space<hbm>>
    %dma_start3A_20 = arith.constant 16 : i32
    %dma_start3A_21 = tpu.memref_slice %arg3[%dma_start3A_20] : memref<48xf32, #tpu.memory_space<hbm>> -> memref<16xf32, #tpu.memory_space<hbm>>
    tpu.enqueue_dma source(%dma_start3A_21 : memref<16xf32, #tpu.memory_space<hbm>>) target(%arg6 : memref<16xf32, #tpu.memory_space<vmem>>) target_semaphore(%arg18 : memref<!tpu.dma_semaphore, #tpu.memory_space<semaphore_mem>>)
    %dma_start3A_22 = arith.constant 32 : i32
    %dma_start3A_23 = tpu.memref_slice %arg3[%dma_start3A_22] : memref<48xf32, #tpu.memory_space<hbm>> -> memref<16xf32, #tpu.memory_space<hbm>>
    %dma_start3A_24 = arith.constant 32 : i32
    %dma_start3A_25 = tpu.memref_slice %arg3[%dma_start3A_24] : memref<48xf32, #tpu.memory_space<hbm>> -> memref<16xf32, #tpu.memory_space<hbm>>
    tpu.enqueue_dma source(%dma_start3A_25 : memref<16xf32, #tpu.memory_space<hbm>>) target(%arg7 : memref<16xf32, #tpu.memory_space<vmem>>) target_semaphore(%arg18 : memref<!tpu.dma_semaphore, #tpu.memory_space<semaphore_mem>>)
    %dma_wait3A = arith.constant 0 : i32
    %dma_wait3A_26 = tpu.memref_slice %arg3[%dma_wait3A] : memref<48xf32, #tpu.memory_space<hbm>> -> memref<16xf32, #tpu.memory_space<hbm>>
    %dma_wait3A_27 = arith.constant 0 : i32
    %dma_wait3A_28 = tpu.memref_slice %arg3[%dma_wait3A_27] : memref<48xf32, #tpu.memory_space<hbm>> -> memref<16xf32, #tpu.memory_space<hbm>>
    tpu.wait_dma2 semaphore(%arg18 : memref<!tpu.dma_semaphore, #tpu.memory_space<semaphore_mem>>) src(%dma_wait3A_28 : memref<16xf32, #tpu.memory_space<hbm>>) dst(%arg5 : memref<16xf32, #tpu.memory_space<vmem>>)
    %dma_wait3A_29 = arith.constant 16 : i32
    %dma_wait3A_30 = tpu.memref_slice %arg3[%dma_wait3A_29] : memref<48xf32, #tpu.memory_space<hbm>> -> memref<16xf32, #tpu.memory_space<hbm>>
    %dma_wait3A_31 = arith.constant 16 : i32
    %dma_wait3A_32 = tpu.memref_slice %arg3[%dma_wait3A_31] : memref<48xf32, #tpu.memory_space<hbm>> -> memref<16xf32, #tpu.memory_space<hbm>>
    tpu.wait_dma2 semaphore(%arg18 : memref<!tpu.dma_semaphore, #tpu.memory_space<semaphore_mem>>) src(%dma_wait3A_32 : memref<16xf32, #tpu.memory_space<hbm>>) dst(%arg6 : memref<16xf32, #tpu.memory_space<vmem>>)
    %dma_wait3A_33 = arith.constant 32 : i32
    %dma_wait3A_34 = tpu.memref_slice %arg3[%dma_wait3A_33] : memref<48xf32, #tpu.memory_space<hbm>> -> memref<16xf32, #tpu.memory_space<hbm>>
    %dma_wait3A_35 = arith.constant 32 : i32
    %dma_wait3A_36 = tpu.memref_slice %arg3[%dma_wait3A_35] : memref<48xf32, #tpu.memory_space<hbm>> -> memref<16xf32, #tpu.memory_space<hbm>>
    tpu.wait_dma2 semaphore(%arg18 : memref<!tpu.dma_semaphore, #tpu.memory_space<semaphore_mem>>) src(%dma_wait3A_36 : memref<16xf32, #tpu.memory_space<hbm>>) dst(%arg7 : memref<16xf32, #tpu.memory_space<vmem>>)
    %add3A_37 = arith.constant 0 : i32
    %add3A_38 = arith.addi %mul3A_2, %add3A_37 : i32
    %dma_wait3A_39 = arith.constant 0 : i32
    %dma_wait3A_40 = tpu.memref_slice %arg2[%dma_wait3A_39, %add3A_38] : memref<200x16384xi32, #tpu.memory_space<hbm>> -> memref<200x128xi32, #tpu.memory_space<hbm>>
    %dma_wait3A_41 = arith.constant 0 : i32
    %dma_wait3A_42 = tpu.memref_slice %arg2[%dma_wait3A_41, %add3A_38] : memref<200x16384xi32, #tpu.memory_space<hbm>> -> memref<200x128xi32, #tpu.memory_space<hbm>>
    tpu.wait_dma2 semaphore(%arg13 : memref<!tpu.dma_semaphore, #tpu.memory_space<semaphore_mem>>) src(%dma_wait3A_42 : memref<200x128xi32, #tpu.memory_space<hbm>>) dst(%arg8 : memref<200x128xi32, #tpu.memory_space<vmem>>)
    %parallel_loop3A = arith.constant 0 : i32
    %parallel_loop3A_43 = arith.constant 512 : i32
    %parallel_loop3A_44 = arith.constant 1 : i32
    scf.for %parallel_loop3A_1188 = %parallel_loop3A to %parallel_loop3A_43 step %parallel_loop3A_44  : i32 {
      %parallel_loop3A_1189 = arith.constant 8 : i32
      %parallel_loop3A_1190 = arith.divsi %parallel_loop3A_1188, %parallel_loop3A_1189 : i32
      %parallel_loop3A_1191 = arith.constant 0 : i32
      %parallel_loop3A_1192 = arith.cmpi sgt, %parallel_loop3A_1188, %parallel_loop3A_1191 : i32
      %parallel_loop3A_1193 = arith.extui %parallel_loop3A_1192 : i1 to i32
      %parallel_loop3A_1194 = arith.constant 0 : i32
      %parallel_loop3A_1195 = arith.cmpi slt, %parallel_loop3A_1188, %parallel_loop3A_1194 : i32
      %parallel_loop3A_1196 = arith.extui %parallel_loop3A_1195 : i1 to i32
      %parallel_loop3A_1197 = arith.subi %parallel_loop3A_1193, %parallel_loop3A_1196 : i32
      %parallel_loop3A_1198 = arith.constant 0 : i32
      %parallel_loop3A_1199 = arith.cmpi sgt, %parallel_loop3A_1189, %parallel_loop3A_1198 : i32
      %parallel_loop3A_1200 = arith.extui %parallel_loop3A_1199 : i1 to i32
      %parallel_loop3A_1201 = arith.constant 0 : i32
      %parallel_loop3A_1202 = arith.cmpi slt, %parallel_loop3A_1189, %parallel_loop3A_1201 : i32
      %parallel_loop3A_1203 = arith.extui %parallel_loop3A_1202 : i1 to i32
      %parallel_loop3A_1204 = arith.subi %parallel_loop3A_1200, %parallel_loop3A_1203 : i32
      %parallel_loop3A_1205 = arith.cmpi ne, %parallel_loop3A_1197, %parallel_loop3A_1204 : i32
      %parallel_loop3A_1206 = arith.remsi %parallel_loop3A_1188, %parallel_loop3A_1189 : i32
      %parallel_loop3A_1207 = arith.constant 0 : i32
      %parallel_loop3A_1208 = arith.cmpi ne, %parallel_loop3A_1206, %parallel_loop3A_1207 : i32
      %parallel_loop3A_1209 = arith.andi %parallel_loop3A_1205, %parallel_loop3A_1208 : i1
      %parallel_loop3A_1210 = arith.constant 1 : i32
      %parallel_loop3A_1211 = arith.subi %parallel_loop3A_1190, %parallel_loop3A_1210 : i32
      %parallel_loop3A_1212 = arith.select %parallel_loop3A_1209, %parallel_loop3A_1211, %parallel_loop3A_1190 : i32
      %parallel_loop3A_1213 = arith.constant 8 : i32
      %parallel_loop3A_1214 = arith.muli %parallel_loop3A_1212, %parallel_loop3A_1213 : i32
      %parallel_loop3A_1215 = arith.subi %parallel_loop3A_1188, %parallel_loop3A_1214 : i32
      %parallel_loop3A_1216 = arith.constant 16 : i32
      %parallel_loop3A_1217 = arith.muli %parallel_loop3A_1215, %parallel_loop3A_1216 : i32
      %parallel_loop3A_1218 = arith.index_cast %parallel_loop3A_1212 : i32 to index
      %parallel_loop3A_1219 = arith.index_cast %parallel_loop3A_1217 : i32 to index
      %parallel_loop3A_1220 = tpu.vector_load %arg8[%parallel_loop3A_1218, %parallel_loop3A_1219] {strides = array<i32>} : memref<200x128xi32, #tpu.memory_space<vmem>>, vector<16xi32>,
      %parallel_loop3A_1221 = tpu.vector_load_idx %arg5[%parallel_loop3A_1220] : memref<16xf32, #tpu.memory_space<vmem>>[vector<16xi32>], vector<16xf32>,
      %parallel_loop3A_1222 = arith.index_cast %parallel_loop3A_1212 : i32 to index
      %parallel_loop3A_1223 = arith.index_cast %parallel_loop3A_1217 : i32 to index
      %parallel_loop3A_1224 = tpu.vector_load %arg10[%parallel_loop3A_1222, %parallel_loop3A_1223] {strides = array<i32>} : memref<200x128xf32, #tpu.memory_space<vmem>>, vector<16xf32>,
      tpu.vector_store %arg10[%parallel_loop3A_1222, %parallel_loop3A_1223], %parallel_loop3A_1221 {strides = array<i32>} : memref<200x128xf32, #tpu.memory_space<vmem>>, vector<16xf32>,
      %parallel_loop3A_1225 = tpu.vector_load_idx %arg6[%parallel_loop3A_1220] : memref<16xf32, #tpu.memory_space<vmem>>[vector<16xi32>], vector<16xf32>,
      %parallel_loop3A_1226 = arith.index_cast %parallel_loop3A_1212 : i32 to index
      %parallel_loop3A_1227 = arith.index_cast %parallel_loop3A_1217 : i32 to index
      %parallel_loop3A_1228 = tpu.vector_load %arg11[%parallel_loop3A_1226, %parallel_loop3A_1227] {strides = array<i32>} : memref<200x128xf32, #tpu.memory_space<vmem>>, vector<16xf32>,
      tpu.vector_store %arg11[%parallel_loop3A_1226, %parallel_loop3A_1227], %parallel_loop3A_1225 {strides = array<i32>} : memref<200x128xf32, #tpu.memory_space<vmem>>, vector<16xf32>,
      %parallel_loop3A_1229 = tpu.vector_load_idx %arg7[%parallel_loop3A_1220] : memref<16xf32, #tpu.memory_space<vmem>>[vector<16xi32>], vector<16xf32>,
      %parallel_loop3A_1230 = arith.index_cast %parallel_loop3A_1212 : i32 to index
      %parallel_loop3A_1231 = arith.index_cast %parallel_loop3A_1217 : i32 to index
      %parallel_loop3A_1232 = tpu.vector_load %arg12[%parallel_loop3A_1230, %parallel_loop3A_1231] {strides = array<i32>} : memref<200x128xf32, #tpu.memory_space<vmem>>, vector<16xf32>,
      tpu.vector_store %arg12[%parallel_loop3A_1230, %parallel_loop3A_1231], %parallel_loop3A_1229 {strides = array<i32>} : memref<200x128xf32, #tpu.memory_space<vmem>>, vector<16xf32>,
    } {sc.loop_unroll_factor = 2 : i64, sc.parallel_access}
    %add3A_45 = arith.constant 0 : i32
    %add3A_46 = arith.addi %mul3A_2, %add3A_45 : i32
    %dma_start3A_47 = arith.constant 0 : i32
    %dma_start3A_48 = arith.constant 0 : i32
    %dma_start3A_49 = arith.constant 0 : i32
    %dma_start3A_50 = tpu.memref_slice %arg10[%dma_start3A_48, %dma_start3A_49] : memref<200x128xf32, #tpu.memory_space<vmem>> -> memref<64x128xf32, #tpu.memory_space<vmem>>
    %dma_start3A_51 = arith.constant 0 : i32
    %dma_start3A_52 = tpu.memref_slice %arg4[%dma_start3A_47, %dma_start3A_51, %add3A_46] : memref<3x200x16384xf32, #tpu.memory_space<hbm>> -> memref<1x64x128xf32, #tpu.memory_space<hbm>>
    %dma_start3A_53 = tpu.memref_squeeze %dma_start3A_52 : memref<1x64x128xf32, #tpu.memory_space<hbm>> -> memref<64x128xf32, #tpu.memory_space<hbm>>
    %dma_start3A_54 = arith.constant 0 : i32
    %dma_start3A_55 = tpu.memref_slice %arg4[%dma_start3A_47, %dma_start3A_54, %add3A_46] : memref<3x200x16384xf32, #tpu.memory_space<hbm>> -> memref<1x64x128xf32, #tpu.memory_space<hbm>>
    %dma_start3A_56 = tpu.memref_squeeze %dma_start3A_55 : memref<1x64x128xf32, #tpu.memory_space<hbm>> -> memref<64x128xf32, #tpu.memory_space<hbm>>
    %dma_start3A_57 = arith.constant 0 : i32
    %dma_start3A_58 = arith.constant 0 : i32
    %dma_start3A_59 = tpu.memref_slice %arg10[%dma_start3A_57, %dma_start3A_58] : memref<200x128xf32, #tpu.memory_space<vmem>> -> memref<64x128xf32, #tpu.memory_space<vmem>>
    tpu.enqueue_dma source(%dma_start3A_59 : memref<64x128xf32, #tpu.memory_space<vmem>>) target(%dma_start3A_56 : memref<64x128xf32, #tpu.memory_space<hbm>>) target_semaphore(%arg15 : memref<!tpu.dma_semaphore, #tpu.memory_space<semaphore_mem>>)
    %add3A_60 = arith.constant 0 : i32
    %add3A_61 = arith.addi %mul3A_2, %add3A_60 : i32
    %dma_start3A_62 = arith.constant 1 : i32
    %dma_start3A_63 = arith.constant 0 : i32
    %dma_start3A_64 = arith.constant 0 : i32
    %dma_start3A_65 = tpu.memref_slice %arg11[%dma_start3A_63, %dma_start3A_64] : memref<200x128xf32, #tpu.memory_space<vmem>> -> memref<64x128xf32, #tpu.memory_space<vmem>>
    %dma_start3A_66 = arith.constant 0 : i32
    %dma_start3A_67 = tpu.memref_slice %arg4[%dma_start3A_62, %dma_start3A_66, %add3A_61] : memref<3x200x16384xf32, #tpu.memory_space<hbm>> -> memref<1x64x128xf32, #tpu.memory_space<hbm>>
    %dma_start3A_68 = tpu.memref_squeeze %dma_start3A_67 : memref<1x64x128xf32, #tpu.memory_space<hbm>> -> memref<64x128xf32, #tpu.memory_space<hbm>>
    %dma_start3A_69 = arith.constant 0 : i32
    %dma_start3A_70 = tpu.memref_slice %arg4[%dma_start3A_62, %dma_start3A_69, %add3A_61] : memref<3x200x16384xf32, #tpu.memory_space<hbm>> -> memref<1x64x128xf32, #tpu.memory_space<hbm>>
    %dma_start3A_71 = tpu.memref_squeeze %dma_start3A_70 : memref<1x64x128xf32, #tpu.memory_space<hbm>> -> memref<64x128xf32, #tpu.memory_space<hbm>>
    %dma_start3A_72 = arith.constant 0 : i32
    %dma_start3A_73 = arith.constant 0 : i32
    %dma_start3A_74 = tpu.memref_slice %arg11[%dma_start3A_72, %dma_start3A_73] : memref<200x128xf32, #tpu.memory_space<vmem>> -> memref<64x128xf32, #tpu.memory_space<vmem>>
    tpu.enqueue_dma source(%dma_start3A_74 : memref<64x128xf32, #tpu.memory_space<vmem>>) target(%dma_start3A_71 : memref<64x128xf32, #tpu.memory_space<hbm>>) target_semaphore(%arg15 : memref<!tpu.dma_semaphore, #tpu.memory_space<semaphore_mem>>)
    %add3A_75 = arith.constant 0 : i32
    %add3A_76 = arith.addi %mul3A_2, %add3A_75 : i32
    %dma_start3A_77 = arith.constant 2 : i32
    %dma_start3A_78 = arith.constant 0 : i32
    %dma_start3A_79 = arith.constant 0 : i32
    %dma_start3A_80 = tpu.memref_slice %arg12[%dma_start3A_78, %dma_start3A_79] : memref<200x128xf32, #tpu.memory_space<vmem>> -> memref<64x128xf32, #tpu.memory_space<vmem>>
    %dma_start3A_81 = arith.constant 0 : i32
    %dma_start3A_82 = tpu.memref_slice %arg4[%dma_start3A_77, %dma_start3A_81, %add3A_76] : memref<3x200x16384xf32, #tpu.memory_space<hbm>> -> memref<1x64x128xf32, #tpu.memory_space<hbm>>
    %dma_start3A_83 = tpu.memref_squeeze %dma_start3A_82 : memref<1x64x128xf32, #tpu.memory_space<hbm>> -> memref<64x128xf32, #tpu.memory_space<hbm>>
    %dma_start3A_84 = arith.constant 0 : i32
    %dma_start3A_85 = tpu.memref_slice %arg4[%dma_start3A_77, %dma_start3A_84, %add3A_76] : memref<3x200x16384xf32, #tpu.memory_space<hbm>> -> memref<1x64x128xf32, #tpu.memory_space<hbm>>
    %dma_start3A_86 = tpu.memref_squeeze %dma_start3A_85 : memref<1x64x128xf32, #tpu.memory_space<hbm>> -> memref<64x128xf32, #tpu.memory_space<hbm>>
    %dma_start3A_87 = arith.constant 0 : i32
    %dma_start3A_88 = arith.constant 0 : i32
    %dma_start3A_89 = tpu.memref_slice %arg12[%dma_start3A_87, %dma_start3A_88] : memref<200x128xf32, #tpu.memory_space<vmem>> -> memref<64x128xf32, #tpu.memory_space<vmem>>
    tpu.enqueue_dma source(%dma_start3A_89 : memref<64x128xf32, #tpu.memory_space<vmem>>) target(%dma_start3A_86 : memref<64x128xf32, #tpu.memory_space<hbm>>) target_semaphore(%arg15 : memref<!tpu.dma_semaphore, #tpu.memory_space<semaphore_mem>>)
    %parallel_loop3A_90 = arith.constant 512 : i32
    %parallel_loop3A_91 = arith.constant 1024 : i32
    %parallel_loop3A_92 = arith.constant 1 : i32
    scf.for %parallel_loop3A_1188 = %parallel_loop3A_90 to %parallel_loop3A_91 step %parallel_loop3A_92  : i32 {
      %parallel_loop3A_1189 = arith.constant 8 : i32
      %parallel_loop3A_1190 = arith.divsi %parallel_loop3A_1188, %parallel_loop3A_1189 : i32
      %parallel_loop3A_1191 = arith.constant 0 : i32
      %parallel_loop3A_1192 = arith.cmpi sgt, %parallel_loop3A_1188, %parallel_loop3A_1191 : i32
      %parallel_loop3A_1193 = arith.extui %parallel_loop3A_1192 : i1 to i32
      %parallel_loop3A_1194 = arith.constant 0 : i32
      %parallel_loop3A_1195 = arith.cmpi slt, %parallel_loop3A_1188, %parallel_loop3A_1194 : i32
      %parallel_loop3A_1196 = arith.extui %parallel_loop3A_1195 : i1 to i32
      %parallel_loop3A_1197 = arith.subi %parallel_loop3A_1193, %parallel_loop3A_1196 : i32
      %parallel_loop3A_1198 = arith.constant 0 : i32
      %parallel_loop3A_1199 = arith.cmpi sgt, %parallel_loop3A_1189, %parallel_loop3A_1198 : i32
      %parallel_loop3A_1200 = arith.extui %parallel_loop3A_1199 : i1 to i32
      %parallel_loop3A_1201 = arith.constant 0 : i32
      %parallel_loop3A_1202 = arith.cmpi slt, %parallel_loop3A_1189, %parallel_loop3A_1201 : i32
      %parallel_loop3A_1203 = arith.extui %parallel_loop3A_1202 : i1 to i32
      %parallel_loop3A_1204 = arith.subi %parallel_loop3A_1200, %parallel_loop3A_1203 : i32
      %parallel_loop3A_1205 = arith.cmpi ne, %parallel_loop3A_1197, %parallel_loop3A_1204 : i32
      %parallel_loop3A_1206 = arith.remsi %parallel_loop3A_1188, %parallel_loop3A_1189 : i32
      %parallel_loop3A_1207 = arith.constant 0 : i32
      %parallel_loop3A_1208 = arith.cmpi ne, %parallel_loop3A_1206, %parallel_loop3A_1207 : i32
      %parallel_loop3A_1209 = arith.andi %parallel_loop3A_1205, %parallel_loop3A_1208 : i1
      %parallel_loop3A_1210 = arith.constant 1 : i32
      %parallel_loop3A_1211 = arith.subi %parallel_loop3A_1190, %parallel_loop3A_1210 : i32
      %parallel_loop3A_1212 = arith.select %parallel_loop3A_1209, %parallel_loop3A_1211, %parallel_loop3A_1190 : i32
      %parallel_loop3A_1213 = arith.constant 8 : i32
      %parallel_loop3A_1214 = arith.muli %parallel_loop3A_1212, %parallel_loop3A_1213 : i32
      %parallel_loop3A_1215 = arith.subi %parallel_loop3A_1188, %parallel_loop3A_1214 : i32
      %parallel_loop3A_1216 = arith.constant 16 : i32
      %parallel_loop3A_1217 = arith.muli %parallel_loop3A_1215, %parallel_loop3A_1216 : i32
      %parallel_loop3A_1218 = arith.index_cast %parallel_loop3A_1212 : i32 to index
      %parallel_loop3A_1219 = arith.index_cast %parallel_loop3A_1217 : i32 to index
      %parallel_loop3A_1220 = tpu.vector_load %arg8[%parallel_loop3A_1218, %parallel_loop3A_1219] {strides = array<i32>} : memref<200x128xi32, #tpu.memory_space<vmem>>, vector<16xi32>,
      %parallel_loop3A_1221 = tpu.vector_load_idx %arg5[%parallel_loop3A_1220] : memref<16xf32, #tpu.memory_space<vmem>>[vector<16xi32>], vector<16xf32>,
      %parallel_loop3A_1222 = arith.index_cast %parallel_loop3A_1212 : i32 to index
      %parallel_loop3A_1223 = arith.index_cast %parallel_loop3A_1217 : i32 to index
      %parallel_loop3A_1224 = tpu.vector_load %arg10[%parallel_loop3A_1222, %parallel_loop3A_1223] {strides = array<i32>} : memref<200x128xf32, #tpu.memory_space<vmem>>, vector<16xf32>,
      tpu.vector_store %arg10[%parallel_loop3A_1222, %parallel_loop3A_1223], %parallel_loop3A_1221 {strides = array<i32>} : memref<200x128xf32, #tpu.memory_space<vmem>>, vector<16xf32>,
      %parallel_loop3A_1225 = tpu.vector_load_idx %arg6[%parallel_loop3A_1220] : memref<16xf32, #tpu.memory_space<vmem>>[vector<16xi32>], vector<16xf32>,
      %parallel_loop3A_1226 = arith.index_cast %parallel_loop3A_1212 : i32 to index
      %parallel_loop3A_1227 = arith.index_cast %parallel_loop3A_1217 : i32 to index
      %parallel_loop3A_1228 = tpu.vector_load %arg11[%parallel_loop3A_1226, %parallel_loop3A_1227] {strides = array<i32>} : memref<200x128xf32, #tpu.memory_space<vmem>>, vector<16xf32>,
      tpu.vector_store %arg11[%parallel_loop3A_1226, %parallel_loop3A_1227], %parallel_loop3A_1225 {strides = array<i32>} : memref<200x128xf32, #tpu.memory_space<vmem>>, vector<16xf32>,
      %parallel_loop3A_1229 = tpu.vector_load_idx %arg7[%parallel_loop3A_1220] : memref<16xf32, #tpu.memory_space<vmem>>[vector<16xi32>], vector<16xf32>,
      %parallel_loop3A_1230 = arith.index_cast %parallel_loop3A_1212 : i32 to index
      %parallel_loop3A_1231 = arith.index_cast %parallel_loop3A_1217 : i32 to index
      %parallel_loop3A_1232 = tpu.vector_load %arg12[%parallel_loop3A_1230, %parallel_loop3A_1231] {strides = array<i32>} : memref<200x128xf32, #tpu.memory_space<vmem>>, vector<16xf32>,
      tpu.vector_store %arg12[%parallel_loop3A_1230, %parallel_loop3A_1231], %parallel_loop3A_1229 {strides = array<i32>} : memref<200x128xf32, #tpu.memory_space<vmem>>, vector<16xf32>,
    } {sc.loop_unroll_factor = 2 : i64, sc.parallel_access}
    %add3A_93 = arith.constant 0 : i32
    %add3A_94 = arith.addi %mul3A_2, %add3A_93 : i32
    %dma_start3A_95 = arith.constant 0 : i32
    %dma_start3A_96 = arith.constant 64 : i32
    %dma_start3A_97 = arith.constant 0 : i32
    %dma_start3A_98 = tpu.memref_slice %arg10[%dma_start3A_96, %dma_start3A_97] : memref<200x128xf32, #tpu.memory_space<vmem>> -> memref<64x128xf32, #tpu.memory_space<vmem>>
    %dma_start3A_99 = arith.constant 64 : i32
    %dma_start3A_100 = tpu.memref_slice %arg4[%dma_start3A_95, %dma_start3A_99, %add3A_94] : memref<3x200x16384xf32, #tpu.memory_space<hbm>> -> memref<1x64x128xf32, #tpu.memory_space<hbm>>
    %dma_start3A_101 = tpu.memref_squeeze %dma_start3A_100 : memref<1x64x128xf32, #tpu.memory_space<hbm>> -> memref<64x128xf32, #tpu.memory_space<hbm>>
    %dma_start3A_102 = arith.constant 64 : i32
    %dma_start3A_103 = tpu.memref_slice %arg4[%dma_start3A_95, %dma_start3A_102, %add3A_94] : memref<3x200x16384xf32, #tpu.memory_space<hbm>> -> memref<1x64x128xf32, #tpu.memory_space<hbm>>
    %dma_start3A_104 = tpu.memref_squeeze %dma_start3A_103 : memref<1x64x128xf32, #tpu.memory_space<hbm>> -> memref<64x128xf32, #tpu.memory_space<hbm>>
    %dma_start3A_105 = arith.constant 64 : i32
    %dma_start3A_106 = arith.constant 0 : i32
    %dma_start3A_107 = tpu.memref_slice %arg10[%dma_start3A_105, %dma_start3A_106] : memref<200x128xf32, #tpu.memory_space<vmem>> -> memref<64x128xf32, #tpu.memory_space<vmem>>
    tpu.enqueue_dma source(%dma_start3A_107 : memref<64x128xf32, #tpu.memory_space<vmem>>) target(%dma_start3A_104 : memref<64x128xf32, #tpu.memory_space<hbm>>) target_semaphore(%arg16 : memref<!tpu.dma_semaphore, #tpu.memory_space<semaphore_mem>>)
    %add3A_108 = arith.constant 0 : i32
    %add3A_109 = arith.addi %mul3A_2, %add3A_108 : i32
    %dma_start3A_110 = arith.constant 1 : i32
    %dma_start3A_111 = arith.constant 64 : i32
    %dma_start3A_112 = arith.constant 0 : i32
    %dma_start3A_113 = tpu.memref_slice %arg11[%dma_start3A_111, %dma_start3A_112] : memref<200x128xf32, #tpu.memory_space<vmem>> -> memref<64x128xf32, #tpu.memory_space<vmem>>
    %dma_start3A_114 = arith.constant 64 : i32
    %dma_start3A_115 = tpu.memref_slice %arg4[%dma_start3A_110, %dma_start3A_114, %add3A_109] : memref<3x200x16384xf32, #tpu.memory_space<hbm>> -> memref<1x64x128xf32, #tpu.memory_space<hbm>>
    %dma_start3A_116 = tpu.memref_squeeze %dma_start3A_115 : memref<1x64x128xf32, #tpu.memory_space<hbm>> -> memref<64x128xf32, #tpu.memory_space<hbm>>
    %dma_start3A_117 = arith.constant 64 : i32
    %dma_start3A_118 = tpu.memref_slice %arg4[%dma_start3A_110, %dma_start3A_117, %add3A_109] : memref<3x200x16384xf32, #tpu.memory_space<hbm>> -> memref<1x64x128xf32, #tpu.memory_space<hbm>>
    %dma_start3A_119 = tpu.memref_squeeze %dma_start3A_118 : memref<1x64x128xf32, #tpu.memory_space<hbm>> -> memref<64x128xf32, #tpu.memory_space<hbm>>
    %dma_start3A_120 = arith.constant 64 : i32
    %dma_start3A_121 = arith.constant 0 : i32
    %dma_start3A_122 = tpu.memref_slice %arg11[%dma_start3A_120, %dma_start3A_121] : memref<200x128xf32, #tpu.memory_space<vmem>> -> memref<64x128xf32, #tpu.memory_space<vmem>>
    tpu.enqueue_dma source(%dma_start3A_122 : memref<64x128xf32, #tpu.memory_space<vmem>>) target(%dma_start3A_119 : memref<64x128xf32, #tpu.memory_space<hbm>>) target_semaphore(%arg16 : memref<!tpu.dma_semaphore, #tpu.memory_space<semaphore_mem>>)
    %add3A_123 = arith.constant 0 : i32
    %add3A_124 = arith.addi %mul3A_2, %add3A_123 : i32
    %dma_start3A_125 = arith.constant 2 : i32
    %dma_start3A_126 = arith.constant 64 : i32
    %dma_start3A_127 = arith.constant 0 : i32
    %dma_start3A_128 = tpu.memref_slice %arg12[%dma_start3A_126, %dma_start3A_127] : memref<200x128xf32, #tpu.memory_space<vmem>> -> memref<64x128xf32, #tpu.memory_space<vmem>>
    %dma_start3A_129 = arith.constant 64 : i32
    %dma_start3A_130 = tpu.memref_slice %arg4[%dma_start3A_125, %dma_start3A_129, %add3A_124] : memref<3x200x16384xf32, #tpu.memory_space<hbm>> -> memref<1x64x128xf32, #tpu.memory_space<hbm>>
    %dma_start3A_131 = tpu.memref_squeeze %dma_start3A_130 : memref<1x64x128xf32, #tpu.memory_space<hbm>> -> memref<64x128xf32, #tpu.memory_space<hbm>>
    %dma_start3A_132 = arith.constant 64 : i32
    %dma_start3A_133 = tpu.memref_slice %arg4[%dma_start3A_125, %dma_start3A_132, %add3A_124] : memref<3x200x16384xf32, #tpu.memory_space<hbm>> -> memref<1x64x128xf32, #tpu.memory_space<hbm>>
    %dma_start3A_134 = tpu.memref_squeeze %dma_start3A_133 : memref<1x64x128xf32, #tpu.memory_space<hbm>> -> memref<64x128xf32, #tpu.memory_space<hbm>>
    %dma_start3A_135 = arith.constant 64 : i32
    %dma_start3A_136 = arith.constant 0 : i32
    %dma_start3A_137 = tpu.memref_slice %arg12[%dma_start3A_135, %dma_start3A_136] : memref<200x128xf32, #tpu.memory_space<vmem>> -> memref<64x128xf32, #tpu.memory_space<vmem>>
    tpu.enqueue_dma source(%dma_start3A_137 : memref<64x128xf32, #tpu.memory_space<vmem>>) target(%dma_start3A_134 : memref<64x128xf32, #tpu.memory_space<hbm>>) target_semaphore(%arg16 : memref<!tpu.dma_semaphore, #tpu.memory_space<semaphore_mem>>)
    %parallel_loop3A_138 = arith.constant 1024 : i32
    %parallel_loop3A_139 = arith.constant 1600 : i32
    %parallel_loop3A_140 = arith.constant 1 : i32
    scf.for %parallel_loop3A_1188 = %parallel_loop3A_138 to %parallel_loop3A_139 step %parallel_loop3A_140  : i32 {
      %parallel_loop3A_1189 = arith.constant 8 : i32
      %parallel_loop3A_1190 = arith.divsi %parallel_loop3A_1188, %parallel_loop3A_1189 : i32
      %parallel_loop3A_1191 = arith.constant 0 : i32
      %parallel_loop3A_1192 = arith.cmpi sgt, %parallel_loop3A_1188, %parallel_loop3A_1191 : i32
      %parallel_loop3A_1193 = arith.extui %parallel_loop3A_1192 : i1 to i32
      %parallel_loop3A_1194 = arith.constant 0 : i32
      %parallel_loop3A_1195 = arith.cmpi slt, %parallel_loop3A_1188, %parallel_loop3A_1194 : i32
      %parallel_loop3A_1196 = arith.extui %parallel_loop3A_1195 : i1 to i32
      %parallel_loop3A_1197 = arith.subi %parallel_loop3A_1193, %parallel_loop3A_1196 : i32
      %parallel_loop3A_1198 = arith.constant 0 : i32
      %parallel_loop3A_1199 = arith.cmpi sgt, %parallel_loop3A_1189, %parallel_loop3A_1198 : i32
      %parallel_loop3A_1200 = arith.extui %parallel_loop3A_1199 : i1 to i32
      %parallel_loop3A_1201 = arith.constant 0 : i32
      %parallel_loop3A_1202 = arith.cmpi slt, %parallel_loop3A_1189, %parallel_loop3A_1201 : i32
      %parallel_loop3A_1203 = arith.extui %parallel_loop3A_1202 : i1 to i32
      %parallel_loop3A_1204 = arith.subi %parallel_loop3A_1200, %parallel_loop3A_1203 : i32
      %parallel_loop3A_1205 = arith.cmpi ne, %parallel_loop3A_1197, %parallel_loop3A_1204 : i32
      %parallel_loop3A_1206 = arith.remsi %parallel_loop3A_1188, %parallel_loop3A_1189 : i32
      %parallel_loop3A_1207 = arith.constant 0 : i32
      %parallel_loop3A_1208 = arith.cmpi ne, %parallel_loop3A_1206, %parallel_loop3A_1207 : i32
      %parallel_loop3A_1209 = arith.andi %parallel_loop3A_1205, %parallel_loop3A_1208 : i1
      %parallel_loop3A_1210 = arith.constant 1 : i32
      %parallel_loop3A_1211 = arith.subi %parallel_loop3A_1190, %parallel_loop3A_1210 : i32
      %parallel_loop3A_1212 = arith.select %parallel_loop3A_1209, %parallel_loop3A_1211, %parallel_loop3A_1190 : i32
      %parallel_loop3A_1213 = arith.constant 8 : i32
      %parallel_loop3A_1214 = arith.muli %parallel_loop3A_1212, %parallel_loop3A_1213 : i32
      %parallel_loop3A_1215 = arith.subi %parallel_loop3A_1188, %parallel_loop3A_1214 : i32
      %parallel_loop3A_1216 = arith.constant 16 : i32
      %parallel_loop3A_1217 = arith.muli %parallel_loop3A_1215, %parallel_loop3A_1216 : i32
      %parallel_loop3A_1218 = arith.index_cast %parallel_loop3A_1212 : i32 to index
      %parallel_loop3A_1219 = arith.index_cast %parallel_loop3A_1217 : i32 to index
      %parallel_loop3A_1220 = tpu.vector_load %arg8[%parallel_loop3A_1218, %parallel_loop3A_1219] {strides = array<i32>} : memref<200x128xi32, #tpu.memory_space<vmem>>, vector<16xi32>,
      %parallel_loop3A_1221 = tpu.vector_load_idx %arg5[%parallel_loop3A_1220] : memref<16xf32, #tpu.memory_space<vmem>>[vector<16xi32>], vector<16xf32>,
      %parallel_loop3A_1222 = arith.index_cast %parallel_loop3A_1212 : i32 to index
      %parallel_loop3A_1223 = arith.index_cast %parallel_loop3A_1217 : i32 to index
      %parallel_loop3A_1224 = tpu.vector_load %arg10[%parallel_loop3A_1222, %parallel_loop3A_1223] {strides = array<i32>} : memref<200x128xf32, #tpu.memory_space<vmem>>, vector<16xf32>,
      tpu.vector_store %arg10[%parallel_loop3A_1222, %parallel_loop3A_1223], %parallel_loop3A_1221 {strides = array<i32>} : memref<200x128xf32, #tpu.memory_space<vmem>>, vector<16xf32>,
      %parallel_loop3A_1225 = tpu.vector_load_idx %arg6[%parallel_loop3A_1220] : memref<16xf32, #tpu.memory_space<vmem>>[vector<16xi32>], vector<16xf32>,
      %parallel_loop3A_1226 = arith.index_cast %parallel_loop3A_1212 : i32 to index
      %parallel_loop3A_1227 = arith.index_cast %parallel_loop3A_1217 : i32 to index
      %parallel_loop3A_1228 = tpu.vector_load %arg11[%parallel_loop3A_1226, %parallel_loop3A_1227] {strides = array<i32>} : memref<200x128xf32, #tpu.memory_space<vmem>>, vector<16xf32>,
      tpu.vector_store %arg11[%parallel_loop3A_1226, %parallel_loop3A_1227], %parallel_loop3A_1225 {strides = array<i32>} : memref<200x128xf32, #tpu.memory_space<vmem>>, vector<16xf32>,
      %parallel_loop3A_1229 = tpu.vector_load_idx %arg7[%parallel_loop3A_1220] : memref<16xf32, #tpu.memory_space<vmem>>[vector<16xi32>], vector<16xf32>,
      %parallel_loop3A_1230 = arith.index_cast %parallel_loop3A_1212 : i32 to index
      %parallel_loop3A_1231 = arith.index_cast %parallel_loop3A_1217 : i32 to index
      %parallel_loop3A_1232 = tpu.vector_load %arg12[%parallel_loop3A_1230, %parallel_loop3A_1231] {strides = array<i32>} : memref<200x128xf32, #tpu.memory_space<vmem>>, vector<16xf32>,
      tpu.vector_store %arg12[%parallel_loop3A_1230, %parallel_loop3A_1231], %parallel_loop3A_1229 {strides = array<i32>} : memref<200x128xf32, #tpu.memory_space<vmem>>, vector<16xf32>,
    } {sc.loop_unroll_factor = 2 : i64, sc.parallel_access}
    %add3A_141 = arith.constant 0 : i32
    %add3A_142 = arith.addi %mul3A_2, %add3A_141 : i32
    %dma_start3A_143 = arith.constant 0 : i32
    %dma_start3A_144 = arith.constant 128 : i32
    %dma_start3A_145 = arith.constant 0 : i32
    %dma_start3A_146 = tpu.memref_slice %arg10[%dma_start3A_144, %dma_start3A_145] : memref<200x128xf32, #tpu.memory_space<vmem>> -> memref<72x128xf32, #tpu.memory_space<vmem>>
    %dma_start3A_147 = arith.constant 128 : i32
    %dma_start3A_148 = tpu.memref_slice %arg4[%dma_start3A_143, %dma_start3A_147, %add3A_142] : memref<3x200x16384xf32, #tpu.memory_space<hbm>> -> memref<1x72x128xf32, #tpu.memory_space<hbm>>
    %dma_start3A_149 = tpu.memref_squeeze %dma_start3A_148 : memref<1x72x128xf32, #tpu.memory_space<hbm>> -> memref<72x128xf32, #tpu.memory_space<hbm>>
    %dma_start3A_150 = arith.constant 128 : i32
    %dma_start3A_151 = tpu.memref_slice %arg4[%dma_start3A_143, %dma_start3A_150, %add3A_142] : memref<3x200x16384xf32, #tpu.memory_space<hbm>> -> memref<1x72x128xf32, #tpu.memory_space<hbm>>
    %dma_start3A_152 = tpu.memref_squeeze %dma_start3A_151 : memref<1x72x128xf32, #tpu.memory_space<hbm>> -> memref<72x128xf32, #tpu.memory_space<hbm>>
    %dma_start3A_153 = arith.constant 128 : i32
    %dma_start3A_154 = arith.constant 0 : i32
    %dma_start3A_155 = tpu.memref_slice %arg10[%dma_start3A_153, %dma_start3A_154] : memref<200x128xf32, #tpu.memory_space<vmem>> -> memref<72x128xf32, #tpu.memory_space<vmem>>
    tpu.enqueue_dma source(%dma_start3A_155 : memref<72x128xf32, #tpu.memory_space<vmem>>) target(%dma_start3A_152 : memref<72x128xf32, #tpu.memory_space<hbm>>) target_semaphore(%arg17 : memref<!tpu.dma_semaphore, #tpu.memory_space<semaphore_mem>>)
    %add3A_156 = arith.constant 0 : i32
    %add3A_157 = arith.addi %mul3A_2, %add3A_156 : i32
    %dma_start3A_158 = arith.constant 1 : i32
    %dma_start3A_159 = arith.constant 128 : i32
    %dma_start3A_160 = arith.constant 0 : i32
    %dma_start3A_161 = tpu.memref_slice %arg11[%dma_start3A_159, %dma_start3A_160] : memref<200x128xf32, #tpu.memory_space<vmem>> -> memref<72x128xf32, #tpu.memory_space<vmem>>
    %dma_start3A_162 = arith.constant 128 : i32
    %dma_start3A_163 = tpu.memref_slice %arg4[%dma_start3A_158, %dma_start3A_162, %add3A_157] : memref<3x200x16384xf32, #tpu.memory_space<hbm>> -> memref<1x72x128xf32, #tpu.memory_space<hbm>>
    %dma_start3A_164 = tpu.memref_squeeze %dma_start3A_163 : memref<1x72x128xf32, #tpu.memory_space<hbm>> -> memref<72x128xf32, #tpu.memory_space<hbm>>
    %dma_start3A_165 = arith.constant 128 : i32
    %dma_start3A_166 = tpu.memref_slice %arg4[%dma_start3A_158, %dma_start3A_165, %add3A_157] : memref<3x200x16384xf32, #tpu.memory_space<hbm>> -> memref<1x72x128xf32, #tpu.memory_space<hbm>>
    %dma_start3A_167 = tpu.memref_squeeze %dma_start3A_166 : memref<1x72x128xf32, #tpu.memory_space<hbm>> -> memref<72x128xf32, #tpu.memory_space<hbm>>
    %dma_start3A_168 = arith.constant 128 : i32
    %dma_start3A_169 = arith.constant 0 : i32
    %dma_start3A_170 = tpu.memref_slice %arg11[%dma_start3A_168, %dma_start3A_169] : memref<200x128xf32, #tpu.memory_space<vmem>> -> memref<72x128xf32, #tpu.memory_space<vmem>>
    tpu.enqueue_dma source(%dma_start3A_170 : memref<72x128xf32, #tpu.memory_space<vmem>>) target(%dma_start3A_167 : memref<72x128xf32, #tpu.memory_space<hbm>>) target_semaphore(%arg17 : memref<!tpu.dma_semaphore, #tpu.memory_space<semaphore_mem>>)
    %add3A_171 = arith.constant 0 : i32
    %add3A_172 = arith.addi %mul3A_2, %add3A_171 : i32
    %dma_start3A_173 = arith.constant 2 : i32
    %dma_start3A_174 = arith.constant 128 : i32
    %dma_start3A_175 = arith.constant 0 : i32
    %dma_start3A_176 = tpu.memref_slice %arg12[%dma_start3A_174, %dma_start3A_175] : memref<200x128xf32, #tpu.memory_space<vmem>> -> memref<72x128xf32, #tpu.memory_space<vmem>>
    %dma_start3A_177 = arith.constant 128 : i32
    %dma_start3A_178 = tpu.memref_slice %arg4[%dma_start3A_173, %dma_start3A_177, %add3A_172] : memref<3x200x16384xf32, #tpu.memory_space<hbm>> -> memref<1x72x128xf32, #tpu.memory_space<hbm>>
    %dma_start3A_179 = tpu.memref_squeeze %dma_start3A_178 : memref<1x72x128xf32, #tpu.memory_space<hbm>> -> memref<72x128xf32, #tpu.memory_space<hbm>>
    %dma_start3A_180 = arith.constant 128 : i32
    %dma_start3A_181 = tpu.memref_slice %arg4[%dma_start3A_173, %dma_start3A_180, %add3A_172] : memref<3x200x16384xf32, #tpu.memory_space<hbm>> -> memref<1x72x128xf32, #tpu.memory_space<hbm>>
    %dma_start3A_182 = tpu.memref_squeeze %dma_start3A_181 : memref<1x72x128xf32, #tpu.memory_space<hbm>> -> memref<72x128xf32, #tpu.memory_space<hbm>>
    %dma_start3A_183 = arith.constant 128 : i32
    %dma_start3A_184 = arith.constant 0 : i32
    %dma_start3A_185 = tpu.memref_slice %arg12[%dma_start3A_183, %dma_start3A_184] : memref<200x128xf32, #tpu.memory_space<vmem>> -> memref<72x128xf32, #tpu.memory_space<vmem>>
    tpu.enqueue_dma source(%dma_start3A_185 : memref<72x128xf32, #tpu.memory_space<vmem>>) target(%dma_start3A_182 : memref<72x128xf32, #tpu.memory_space<hbm>>) target_semaphore(%arg17 : memref<!tpu.dma_semaphore, #tpu.memory_space<semaphore_mem>>)
    %add3A_186 = arith.constant 256 : i32
    %add3A_187 = arith.addi %mul3A_2, %add3A_186 : i32
    %dma_start3A_188 = arith.constant 0 : i32
    %dma_start3A_189 = tpu.memref_slice %arg2[%dma_start3A_188, %add3A_187] : memref<200x16384xi32, #tpu.memory_space<hbm>> -> memref<200x128xi32, #tpu.memory_space<hbm>>
    %dma_start3A_190 = arith.constant 0 : i32
    %dma_start3A_191 = tpu.memref_slice %arg2[%dma_start3A_190, %add3A_187] : memref<200x16384xi32, #tpu.memory_space<hbm>> -> memref<200x128xi32, #tpu.memory_space<hbm>>
    tpu.enqueue_dma source(%dma_start3A_191 : memref<200x128xi32, #tpu.memory_space<hbm>>) target(%arg8 : memref<200x128xi32, #tpu.memory_space<vmem>>) target_semaphore(%arg13 : memref<!tpu.dma_semaphore, #tpu.memory_space<semaphore_mem>>)
    %add3A_192 = arith.constant 128 : i32
    %add3A_193 = arith.addi %mul3A_2, %add3A_192 : i32
    %dma_wait3A_194 = arith.constant 0 : i32
    %dma_wait3A_195 = tpu.memref_slice %arg2[%dma_wait3A_194, %add3A_193] : memref<200x16384xi32, #tpu.memory_space<hbm>> -> memref<200x128xi32, #tpu.memory_space<hbm>>
    %dma_wait3A_196 = arith.constant 0 : i32
    %dma_wait3A_197 = tpu.memref_slice %arg2[%dma_wait3A_196, %add3A_193] : memref<200x16384xi32, #tpu.memory_space<hbm>> -> memref<200x128xi32, #tpu.memory_space<hbm>>
    tpu.wait_dma2 semaphore(%arg14 : memref<!tpu.dma_semaphore, #tpu.memory_space<semaphore_mem>>) src(%dma_wait3A_197 : memref<200x128xi32, #tpu.memory_space<hbm>>) dst(%arg9 : memref<200x128xi32, #tpu.memory_space<vmem>>)
    %add3A_198 = arith.constant 0 : i32
    %add3A_199 = arith.addi %mul3A_2, %add3A_198 : i32
    %dma_wait3A_200 = arith.constant 0 : i32
    %dma_wait3A_201 = arith.constant 0 : i32
    %dma_wait3A_202 = arith.constant 0 : i32
    %dma_wait3A_203 = tpu.memref_slice %arg10[%dma_wait3A_201, %dma_wait3A_202] : memref<200x128xf32, #tpu.memory_space<vmem>> -> memref<64x128xf32, #tpu.memory_space<vmem>>
    %dma_wait3A_204 = arith.constant 0 : i32
    %dma_wait3A_205 = tpu.memref_slice %arg4[%dma_wait3A_200, %dma_wait3A_204, %add3A_199] : memref<3x200x16384xf32, #tpu.memory_space<hbm>> -> memref<1x64x128xf32, #tpu.memory_space<hbm>>
    %dma_wait3A_206 = tpu.memref_squeeze %dma_wait3A_205 : memref<1x64x128xf32, #tpu.memory_space<hbm>> -> memref<64x128xf32, #tpu.memory_space<hbm>>
    %dma_wait3A_207 = arith.constant 0 : i32
    %dma_wait3A_208 = tpu.memref_slice %arg4[%dma_wait3A_200, %dma_wait3A_207, %add3A_199] : memref<3x200x16384xf32, #tpu.memory_space<hbm>> -> memref<1x64x128xf32, #tpu.memory_space<hbm>>
    %dma_wait3A_209 = tpu.memref_squeeze %dma_wait3A_208 : memref<1x64x128xf32, #tpu.memory_space<hbm>> -> memref<64x128xf32, #tpu.memory_space<hbm>>
    %dma_wait3A_210 = arith.constant 0 : i32
    %dma_wait3A_211 = arith.constant 0 : i32
    %dma_wait3A_212 = tpu.memref_slice %arg10[%dma_wait3A_210, %dma_wait3A_211] : memref<200x128xf32, #tpu.memory_space<vmem>> -> memref<64x128xf32, #tpu.memory_space<vmem>>
    tpu.wait_dma2 semaphore(%arg15 : memref<!tpu.dma_semaphore, #tpu.memory_space<semaphore_mem>>) src(%dma_wait3A_212 : memref<64x128xf32, #tpu.memory_space<vmem>>) dst(%dma_wait3A_209 : memref<64x128xf32, #tpu.memory_space<hbm>>)
    %add3A_213 = arith.constant 0 : i32
    %add3A_214 = arith.addi %mul3A_2, %add3A_213 : i32
    %dma_wait3A_215 = arith.constant 1 : i32
    %dma_wait3A_216 = arith.constant 0 : i32
    %dma_wait3A_217 = arith.constant 0 : i32
    %dma_wait3A_218 = tpu.memref_slice %arg11[%dma_wait3A_216, %dma_wait3A_217] : memref<200x128xf32, #tpu.memory_space<vmem>> -> memref<64x128xf32, #tpu.memory_space<vmem>>
    %dma_wait3A_219 = arith.constant 0 : i32
    %dma_wait3A_220 = tpu.memref_slice %arg4[%dma_wait3A_215, %dma_wait3A_219, %add3A_214] : memref<3x200x16384xf32, #tpu.memory_space<hbm>> -> memref<1x64x128xf32, #tpu.memory_space<hbm>>
    %dma_wait3A_221 = tpu.memref_squeeze %dma_wait3A_220 : memref<1x64x128xf32, #tpu.memory_space<hbm>> -> memref<64x128xf32, #tpu.memory_space<hbm>>
    %dma_wait3A_222 = arith.constant 0 : i32
    %dma_wait3A_223 = tpu.memref_slice %arg4[%dma_wait3A_215, %dma_wait3A_222, %add3A_214] : memref<3x200x16384xf32, #tpu.memory_space<hbm>> -> memref<1x64x128xf32, #tpu.memory_space<hbm>>
    %dma_wait3A_224 = tpu.memref_squeeze %dma_wait3A_223 : memref<1x64x128xf32, #tpu.memory_space<hbm>> -> memref<64x128xf32, #tpu.memory_space<hbm>>
    %dma_wait3A_225 = arith.constant 0 : i32
    %dma_wait3A_226 = arith.constant 0 : i32
    %dma_wait3A_227 = tpu.memref_slice %arg11[%dma_wait3A_225, %dma_wait3A_226] : memref<200x128xf32, #tpu.memory_space<vmem>> -> memref<64x128xf32, #tpu.memory_space<vmem>>
    tpu.wait_dma2 semaphore(%arg15 : memref<!tpu.dma_semaphore, #tpu.memory_space<semaphore_mem>>) src(%dma_wait3A_227 : memref<64x128xf32, #tpu.memory_space<vmem>>) dst(%dma_wait3A_224 : memref<64x128xf32, #tpu.memory_space<hbm>>)
    %add3A_228 = arith.constant 0 : i32
    %add3A_229 = arith.addi %mul3A_2, %add3A_228 : i32
    %dma_wait3A_230 = arith.constant 2 : i32
    %dma_wait3A_231 = arith.constant 0 : i32
    %dma_wait3A_232 = arith.constant 0 : i32
    %dma_wait3A_233 = tpu.memref_slice %arg12[%dma_wait3A_231, %dma_wait3A_232] : memref<200x128xf32, #tpu.memory_space<vmem>> -> memref<64x128xf32, #tpu.memory_space<vmem>>
    %dma_wait3A_234 = arith.constant 0 : i32
    %dma_wait3A_235 = tpu.memref_slice %arg4[%dma_wait3A_230, %dma_wait3A_234, %add3A_229] : memref<3x200x16384xf32, #tpu.memory_space<hbm>> -> memref<1x64x128xf32, #tpu.memory_space<hbm>>
    %dma_wait3A_236 = tpu.memref_squeeze %dma_wait3A_235 : memref<1x64x128xf32, #tpu.memory_space<hbm>> -> memref<64x128xf32, #tpu.memory_space<hbm>>
    %dma_wait3A_237 = arith.constant 0 : i32
    %dma_wait3A_238 = tpu.memref_slice %arg4[%dma_wait3A_230, %dma_wait3A_237, %add3A_229] : memref<3x200x16384xf32, #tpu.memory_space<hbm>> -> memref<1x64x128xf32, #tpu.memory_space<hbm>>
    %dma_wait3A_239 = tpu.memref_squeeze %dma_wait3A_238 : memref<1x64x128xf32, #tpu.memory_space<hbm>> -> memref<64x128xf32, #tpu.memory_space<hbm>>
    %dma_wait3A_240 = arith.constant 0 : i32
    %dma_wait3A_241 = arith.constant 0 : i32
    %dma_wait3A_242 = tpu.memref_slice %arg12[%dma_wait3A_240, %dma_wait3A_241] : memref<200x128xf32, #tpu.memory_space<vmem>> -> memref<64x128xf32, #tpu.memory_space<vmem>>
    tpu.wait_dma2 semaphore(%arg15 : memref<!tpu.dma_semaphore, #tpu.memory_space<semaphore_mem>>) src(%dma_wait3A_242 : memref<64x128xf32, #tpu.memory_space<vmem>>) dst(%dma_wait3A_239 : memref<64x128xf32, #tpu.memory_space<hbm>>)
    %parallel_loop3A_243 = arith.constant 0 : i32
    %parallel_loop3A_244 = arith.constant 512 : i32
    %parallel_loop3A_245 = arith.constant 1 : i32
    scf.for %parallel_loop3A_1188 = %parallel_loop3A_243 to %parallel_loop3A_244 step %parallel_loop3A_245  : i32 {
      %parallel_loop3A_1189 = arith.constant 8 : i32
      %parallel_loop3A_1190 = arith.divsi %parallel_loop3A_1188, %parallel_loop3A_1189 : i32
      %parallel_loop3A_1191 = arith.constant 0 : i32
      %parallel_loop3A_1192 = arith.cmpi sgt, %parallel_loop3A_1188, %parallel_loop3A_1191 : i32
      %parallel_loop3A_1193 = arith.extui %parallel_loop3A_1192 : i1 to i32
      %parallel_loop3A_1194 = arith.constant 0 : i32
      %parallel_loop3A_1195 = arith.cmpi slt, %parallel_loop3A_1188, %parallel_loop3A_1194 : i32
      %parallel_loop3A_1196 = arith.extui %parallel_loop3A_1195 : i1 to i32
      %parallel_loop3A_1197 = arith.subi %parallel_loop3A_1193, %parallel_loop3A_1196 : i32
      %parallel_loop3A_1198 = arith.constant 0 : i32
      %parallel_loop3A_1199 = arith.cmpi sgt, %parallel_loop3A_1189, %parallel_loop3A_1198 : i32
      %parallel_loop3A_1200 = arith.extui %parallel_loop3A_1199 : i1 to i32
      %parallel_loop3A_1201 = arith.constant 0 : i32
      %parallel_loop3A_1202 = arith.cmpi slt, %parallel_loop3A_1189, %parallel_loop3A_1201 : i32
      %parallel_loop3A_1203 = arith.extui %parallel_loop3A_1202 : i1 to i32
      %parallel_loop3A_1204 = arith.subi %parallel_loop3A_1200, %parallel_loop3A_1203 : i32
      %parallel_loop3A_1205 = arith.cmpi ne, %parallel_loop3A_1197, %parallel_loop3A_1204 : i32
      %parallel_loop3A_1206 = arith.remsi %parallel_loop3A_1188, %parallel_loop3A_1189 : i32
      %parallel_loop3A_1207 = arith.constant 0 : i32
      %parallel_loop3A_1208 = arith.cmpi ne, %parallel_loop3A_1206, %parallel_loop3A_1207 : i32
      %parallel_loop3A_1209 = arith.andi %parallel_loop3A_1205, %parallel_loop3A_1208 : i1
      %parallel_loop3A_1210 = arith.constant 1 : i32
      %parallel_loop3A_1211 = arith.subi %parallel_loop3A_1190, %parallel_loop3A_1210 : i32
      %parallel_loop3A_1212 = arith.select %parallel_loop3A_1209, %parallel_loop3A_1211, %parallel_loop3A_1190 : i32
      %parallel_loop3A_1213 = arith.constant 8 : i32
      %parallel_loop3A_1214 = arith.muli %parallel_loop3A_1212, %parallel_loop3A_1213 : i32
      %parallel_loop3A_1215 = arith.subi %parallel_loop3A_1188, %parallel_loop3A_1214 : i32
      %parallel_loop3A_1216 = arith.constant 16 : i32
      %parallel_loop3A_1217 = arith.muli %parallel_loop3A_1215, %parallel_loop3A_1216 : i32
      %parallel_loop3A_1218 = arith.index_cast %parallel_loop3A_1212 : i32 to index
      %parallel_loop3A_1219 = arith.index_cast %parallel_loop3A_1217 : i32 to index
      %parallel_loop3A_1220 = tpu.vector_load %arg9[%parallel_loop3A_1218, %parallel_loop3A_1219] {strides = array<i32>} : memref<200x128xi32, #tpu.memory_space<vmem>>, vector<16xi32>,
      %parallel_loop3A_1221 = tpu.vector_load_idx %arg5[%parallel_loop3A_1220] : memref<16xf32, #tpu.memory_space<vmem>>[vector<16xi32>], vector<16xf32>,
      %parallel_loop3A_1222 = arith.index_cast %parallel_loop3A_1212 : i32 to index
      %parallel_loop3A_1223 = arith.index_cast %parallel_loop3A_1217 : i32 to index
      %parallel_loop3A_1224 = tpu.vector_load %arg10[%parallel_loop3A_1222, %parallel_loop3A_1223] {strides = array<i32>} : memref<200x128xf32, #tpu.memory_space<vmem>>, vector<16xf32>,
      tpu.vector_store %arg10[%parallel_loop3A_1222, %parallel_loop3A_1223], %parallel_loop3A_1221 {strides = array<i32>} : memref<200x128xf32, #tpu.memory_space<vmem>>, vector<16xf32>,
      %parallel_loop3A_1225 = tpu.vector_load_idx %arg6[%parallel_loop3A_1220] : memref<16xf32, #tpu.memory_space<vmem>>[vector<16xi32>], vector<16xf32>,
      %parallel_loop3A_1226 = arith.index_cast %parallel_loop3A_1212 : i32 to index
      %parallel_loop3A_1227 = arith.index_cast %parallel_loop3A_1217 : i32 to index
      %parallel_loop3A_1228 = tpu.vector_load %arg11[%parallel_loop3A_1226, %parallel_loop3A_1227] {strides = array<i32>} : memref<200x128xf32, #tpu.memory_space<vmem>>, vector<16xf32>,
      tpu.vector_store %arg11[%parallel_loop3A_1226, %parallel_loop3A_1227], %parallel_loop3A_1225 {strides = array<i32>} : memref<200x128xf32, #tpu.memory_space<vmem>>, vector<16xf32>,
      %parallel_loop3A_1229 = tpu.vector_load_idx %arg7[%parallel_loop3A_1220] : memref<16xf32, #tpu.memory_space<vmem>>[vector<16xi32>], vector<16xf32>,
      %parallel_loop3A_1230 = arith.index_cast %parallel_loop3A_1212 : i32 to index
      %parallel_loop3A_1231 = arith.index_cast %parallel_loop3A_1217 : i32 to index
      %parallel_loop3A_1232 = tpu.vector_load %arg12[%parallel_loop3A_1230, %parallel_loop3A_1231] {strides = array<i32>} : memref<200x128xf32, #tpu.memory_space<vmem>>, vector<16xf32>,
      tpu.vector_store %arg12[%parallel_loop3A_1230, %parallel_loop3A_1231], %parallel_loop3A_1229 {strides = array<i32>} : memref<200x128xf32, #tpu.memory_space<vmem>>, vector<16xf32>,
    } {sc.loop_unroll_factor = 2 : i64, sc.parallel_access}
    %add3A_246 = arith.constant 128 : i32
    %add3A_247 = arith.addi %mul3A_2, %add3A_246 : i32
    %dma_start3A_248 = arith.constant 0 : i32
    %dma_start3A_249 = arith.constant 0 : i32
    %dma_start3A_250 = arith.constant 0 : i32
    %dma_start3A_251 = tpu.memref_slice %arg10[%dma_start3A_249, %dma_start3A_250] : memref<200x128xf32, #tpu.memory_space<vmem>> -> memref<64x128xf32, #tpu.memory_space<vmem>>
    %dma_start3A_252 = arith.constant 0 : i32
    %dma_start3A_253 = tpu.memref_slice %arg4[%dma_start3A_248, %dma_start3A_252, %add3A_247] : memref<3x200x16384xf32, #tpu.memory_space<hbm>> -> memref<1x64x128xf32, #tpu.memory_space<hbm>>
    %dma_start3A_254 = tpu.memref_squeeze %dma_start3A_253 : memref<1x64x128xf32, #tpu.memory_space<hbm>> -> memref<64x128xf32, #tpu.memory_space<hbm>>
    %dma_start3A_255 = arith.constant 0 : i32
    %dma_start3A_256 = tpu.memref_slice %arg4[%dma_start3A_248, %dma_start3A_255, %add3A_247] : memref<3x200x16384xf32, #tpu.memory_space<hbm>> -> memref<1x64x128xf32, #tpu.memory_space<hbm>>
    %dma_start3A_257 = tpu.memref_squeeze %dma_start3A_256 : memref<1x64x128xf32, #tpu.memory_space<hbm>> -> memref<64x128xf32, #tpu.memory_space<hbm>>
    %dma_start3A_258 = arith.constant 0 : i32
    %dma_start3A_259 = arith.constant 0 : i32
    %dma_start3A_260 = tpu.memref_slice %arg10[%dma_start3A_258, %dma_start3A_259] : memref<200x128xf32, #tpu.memory_space<vmem>> -> memref<64x128xf32, #tpu.memory_space<vmem>>
    tpu.enqueue_dma source(%dma_start3A_260 : memref<64x128xf32, #tpu.memory_space<vmem>>) target(%dma_start3A_257 : memref<64x128xf32, #tpu.memory_space<hbm>>) target_semaphore(%arg15 : memref<!tpu.dma_semaphore, #tpu.memory_space<semaphore_mem>>)
    %add3A_261 = arith.constant 128 : i32
    %add3A_262 = arith.addi %mul3A_2, %add3A_261 : i32
    %dma_start3A_263 = arith.constant 1 : i32
    %dma_start3A_264 = arith.constant 0 : i32
    %dma_start3A_265 = arith.constant 0 : i32
    %dma_start3A_266 = tpu.memref_slice %arg11[%dma_start3A_264, %dma_start3A_265] : memref<200x128xf32, #tpu.memory_space<vmem>> -> memref<64x128xf32, #tpu.memory_space<vmem>>
    %dma_start3A_267 = arith.constant 0 : i32
    %dma_start3A_268 = tpu.memref_slice %arg4[%dma_start3A_263, %dma_start3A_267, %add3A_262] : memref<3x200x16384xf32, #tpu.memory_space<hbm>> -> memref<1x64x128xf32, #tpu.memory_space<hbm>>
    %dma_start3A_269 = tpu.memref_squeeze %dma_start3A_268 : memref<1x64x128xf32, #tpu.memory_space<hbm>> -> memref<64x128xf32, #tpu.memory_space<hbm>>
    %dma_start3A_270 = arith.constant 0 : i32
    %dma_start3A_271 = tpu.memref_slice %arg4[%dma_start3A_263, %dma_start3A_270, %add3A_262] : memref<3x200x16384xf32, #tpu.memory_space<hbm>> -> memref<1x64x128xf32, #tpu.memory_space<hbm>>
    %dma_start3A_272 = tpu.memref_squeeze %dma_start3A_271 : memref<1x64x128xf32, #tpu.memory_space<hbm>> -> memref<64x128xf32, #tpu.memory_space<hbm>>
    %dma_start3A_273 = arith.constant 0 : i32
    %dma_start3A_274 = arith.constant 0 : i32
    %dma_start3A_275 = tpu.memref_slice %arg11[%dma_start3A_273, %dma_start3A_274] : memref<200x128xf32, #tpu.memory_space<vmem>> -> memref<64x128xf32, #tpu.memory_space<vmem>>
    tpu.enqueue_dma source(%dma_start3A_275 : memref<64x128xf32, #tpu.memory_space<vmem>>) target(%dma_start3A_272 : memref<64x128xf32, #tpu.memory_space<hbm>>) target_semaphore(%arg15 : memref<!tpu.dma_semaphore, #tpu.memory_space<semaphore_mem>>)
    %add3A_276 = arith.constant 128 : i32
    %add3A_277 = arith.addi %mul3A_2, %add3A_276 : i32
    %dma_start3A_278 = arith.constant 2 : i32
    %dma_start3A_279 = arith.constant 0 : i32
    %dma_start3A_280 = arith.constant 0 : i32
    %dma_start3A_281 = tpu.memref_slice %arg12[%dma_start3A_279, %dma_start3A_280] : memref<200x128xf32, #tpu.memory_space<vmem>> -> memref<64x128xf32, #tpu.memory_space<vmem>>
    %dma_start3A_282 = arith.constant 0 : i32
    %dma_start3A_283 = tpu.memref_slice %arg4[%dma_start3A_278, %dma_start3A_282, %add3A_277] : memref<3x200x16384xf32, #tpu.memory_space<hbm>> -> memref<1x64x128xf32, #tpu.memory_space<hbm>>
    %dma_start3A_284 = tpu.memref_squeeze %dma_start3A_283 : memref<1x64x128xf32, #tpu.memory_space<hbm>> -> memref<64x128xf32, #tpu.memory_space<hbm>>
    %dma_start3A_285 = arith.constant 0 : i32
    %dma_start3A_286 = tpu.memref_slice %arg4[%dma_start3A_278, %dma_start3A_285, %add3A_277] : memref<3x200x16384xf32, #tpu.memory_space<hbm>> -> memref<1x64x128xf32, #tpu.memory_space<hbm>>
    %dma_start3A_287 = tpu.memref_squeeze %dma_start3A_286 : memref<1x64x128xf32, #tpu.memory_space<hbm>> -> memref<64x128xf32, #tpu.memory_space<hbm>>
    %dma_start3A_288 = arith.constant 0 : i32
    %dma_start3A_289 = arith.constant 0 : i32
    %dma_start3A_290 = tpu.memref_slice %arg12[%dma_start3A_288, %dma_start3A_289] : memref<200x128xf32, #tpu.memory_space<vmem>> -> memref<64x128xf32, #tpu.memory_space<vmem>>
    tpu.enqueue_dma source(%dma_start3A_290 : memref<64x128xf32, #tpu.memory_space<vmem>>) target(%dma_start3A_287 : memref<64x128xf32, #tpu.memory_space<hbm>>) target_semaphore(%arg15 : memref<!tpu.dma_semaphore, #tpu.memory_space<semaphore_mem>>)
    %add3A_291 = arith.constant 0 : i32
    %add3A_292 = arith.addi %mul3A_2, %add3A_291 : i32
    %dma_wait3A_293 = arith.constant 0 : i32
    %dma_wait3A_294 = arith.constant 64 : i32
    %dma_wait3A_295 = arith.constant 0 : i32
    %dma_wait3A_296 = tpu.memref_slice %arg10[%dma_wait3A_294, %dma_wait3A_295] : memref<200x128xf32, #tpu.memory_space<vmem>> -> memref<64x128xf32, #tpu.memory_space<vmem>>
    %dma_wait3A_297 = arith.constant 64 : i32
    %dma_wait3A_298 = tpu.memref_slice %arg4[%dma_wait3A_293, %dma_wait3A_297, %add3A_292] : memref<3x200x16384xf32, #tpu.memory_space<hbm>> -> memref<1x64x128xf32, #tpu.memory_space<hbm>>
    %dma_wait3A_299 = tpu.memref_squeeze %dma_wait3A_298 : memref<1x64x128xf32, #tpu.memory_space<hbm>> -> memref<64x128xf32, #tpu.memory_space<hbm>>
    %dma_wait3A_300 = arith.constant 64 : i32
    %dma_wait3A_301 = tpu.memref_slice %arg4[%dma_wait3A_293, %dma_wait3A_300, %add3A_292] : memref<3x200x16384xf32, #tpu.memory_space<hbm>> -> memref<1x64x128xf32, #tpu.memory_space<hbm>>
    %dma_wait3A_302 = tpu.memref_squeeze %dma_wait3A_301 : memref<1x64x128xf32, #tpu.memory_space<hbm>> -> memref<64x128xf32, #tpu.memory_space<hbm>>
    %dma_wait3A_303 = arith.constant 64 : i32
    %dma_wait3A_304 = arith.constant 0 : i32
    %dma_wait3A_305 = tpu.memref_slice %arg10[%dma_wait3A_303, %dma_wait3A_304] : memref<200x128xf32, #tpu.memory_space<vmem>> -> memref<64x128xf32, #tpu.memory_space<vmem>>
    tpu.wait_dma2 semaphore(%arg16 : memref<!tpu.dma_semaphore, #tpu.memory_space<semaphore_mem>>) src(%dma_wait3A_305 : memref<64x128xf32, #tpu.memory_space<vmem>>) dst(%dma_wait3A_302 : memref<64x128xf32, #tpu.memory_space<hbm>>)
    %add3A_306 = arith.constant 0 : i32
    %add3A_307 = arith.addi %mul3A_2, %add3A_306 : i32
    %dma_wait3A_308 = arith.constant 1 : i32
    %dma_wait3A_309 = arith.constant 64 : i32
    %dma_wait3A_310 = arith.constant 0 : i32
    %dma_wait3A_311 = tpu.memref_slice %arg11[%dma_wait3A_309, %dma_wait3A_310] : memref<200x128xf32, #tpu.memory_space<vmem>> -> memref<64x128xf32, #tpu.memory_space<vmem>>
    %dma_wait3A_312 = arith.constant 64 : i32
    %dma_wait3A_313 = tpu.memref_slice %arg4[%dma_wait3A_308, %dma_wait3A_312, %add3A_307] : memref<3x200x16384xf32, #tpu.memory_space<hbm>> -> memref<1x64x128xf32, #tpu.memory_space<hbm>>
    %dma_wait3A_314 = tpu.memref_squeeze %dma_wait3A_313 : memref<1x64x128xf32, #tpu.memory_space<hbm>> -> memref<64x128xf32, #tpu.memory_space<hbm>>
    %dma_wait3A_315 = arith.constant 64 : i32
    %dma_wait3A_316 = tpu.memref_slice %arg4[%dma_wait3A_308, %dma_wait3A_315, %add3A_307] : memref<3x200x16384xf32, #tpu.memory_space<hbm>> -> memref<1x64x128xf32, #tpu.memory_space<hbm>>
    %dma_wait3A_317 = tpu.memref_squeeze %dma_wait3A_316 : memref<1x64x128xf32, #tpu.memory_space<hbm>> -> memref<64x128xf32, #tpu.memory_space<hbm>>
    %dma_wait3A_318 = arith.constant 64 : i32
    %dma_wait3A_319 = arith.constant 0 : i32
    %dma_wait3A_320 = tpu.memref_slice %arg11[%dma_wait3A_318, %dma_wait3A_319] : memref<200x128xf32, #tpu.memory_space<vmem>> -> memref<64x128xf32, #tpu.memory_space<vmem>>
    tpu.wait_dma2 semaphore(%arg16 : memref<!tpu.dma_semaphore, #tpu.memory_space<semaphore_mem>>) src(%dma_wait3A_320 : memref<64x128xf32, #tpu.memory_space<vmem>>) dst(%dma_wait3A_317 : memref<64x128xf32, #tpu.memory_space<hbm>>)
    %add3A_321 = arith.constant 0 : i32
    %add3A_322 = arith.addi %mul3A_2, %add3A_321 : i32
    %dma_wait3A_323 = arith.constant 2 : i32
    %dma_wait3A_324 = arith.constant 64 : i32
    %dma_wait3A_325 = arith.constant 0 : i32
    %dma_wait3A_326 = tpu.memref_slice %arg12[%dma_wait3A_324, %dma_wait3A_325] : memref<200x128xf32, #tpu.memory_space<vmem>> -> memref<64x128xf32, #tpu.memory_space<vmem>>
    %dma_wait3A_327 = arith.constant 64 : i32
    %dma_wait3A_328 = tpu.memref_slice %arg4[%dma_wait3A_323, %dma_wait3A_327, %add3A_322] : memref<3x200x16384xf32, #tpu.memory_space<hbm>> -> memref<1x64x128xf32, #tpu.memory_space<hbm>>
    %dma_wait3A_329 = tpu.memref_squeeze %dma_wait3A_328 : memref<1x64x128xf32, #tpu.memory_space<hbm>> -> memref<64x128xf32, #tpu.memory_space<hbm>>
    %dma_wait3A_330 = arith.constant 64 : i32
    %dma_wait3A_331 = tpu.memref_slice %arg4[%dma_wait3A_323, %dma_wait3A_330, %add3A_322] : memref<3x200x16384xf32, #tpu.memory_space<hbm>> -> memref<1x64x128xf32, #tpu.memory_space<hbm>>
    %dma_wait3A_332 = tpu.memref_squeeze %dma_wait3A_331 : memref<1x64x128xf32, #tpu.memory_space<hbm>> -> memref<64x128xf32, #tpu.memory_space<hbm>>
    %dma_wait3A_333 = arith.constant 64 : i32
    %dma_wait3A_334 = arith.constant 0 : i32
    %dma_wait3A_335 = tpu.memref_slice %arg12[%dma_wait3A_333, %dma_wait3A_334] : memref<200x128xf32, #tpu.memory_space<vmem>> -> memref<64x128xf32, #tpu.memory_space<vmem>>
    tpu.wait_dma2 semaphore(%arg16 : memref<!tpu.dma_semaphore, #tpu.memory_space<semaphore_mem>>) src(%dma_wait3A_335 : memref<64x128xf32, #tpu.memory_space<vmem>>) dst(%dma_wait3A_332 : memref<64x128xf32, #tpu.memory_space<hbm>>)
    %parallel_loop3A_336 = arith.constant 512 : i32
    %parallel_loop3A_337 = arith.constant 1024 : i32
    %parallel_loop3A_338 = arith.constant 1 : i32
    scf.for %parallel_loop3A_1188 = %parallel_loop3A_336 to %parallel_loop3A_337 step %parallel_loop3A_338  : i32 {
      %parallel_loop3A_1189 = arith.constant 8 : i32
      %parallel_loop3A_1190 = arith.divsi %parallel_loop3A_1188, %parallel_loop3A_1189 : i32
      %parallel_loop3A_1191 = arith.constant 0 : i32
      %parallel_loop3A_1192 = arith.cmpi sgt, %parallel_loop3A_1188, %parallel_loop3A_1191 : i32
      %parallel_loop3A_1193 = arith.extui %parallel_loop3A_1192 : i1 to i32
      %parallel_loop3A_1194 = arith.constant 0 : i32
      %parallel_loop3A_1195 = arith.cmpi slt, %parallel_loop3A_1188, %parallel_loop3A_1194 : i32
      %parallel_loop3A_1196 = arith.extui %parallel_loop3A_1195 : i1 to i32
      %parallel_loop3A_1197 = arith.subi %parallel_loop3A_1193, %parallel_loop3A_1196 : i32
      %parallel_loop3A_1198 = arith.constant 0 : i32
      %parallel_loop3A_1199 = arith.cmpi sgt, %parallel_loop3A_1189, %parallel_loop3A_1198 : i32
      %parallel_loop3A_1200 = arith.extui %parallel_loop3A_1199 : i1 to i32
      %parallel_loop3A_1201 = arith.constant 0 : i32
      %parallel_loop3A_1202 = arith.cmpi slt, %parallel_loop3A_1189, %parallel_loop3A_1201 : i32
      %parallel_loop3A_1203 = arith.extui %parallel_loop3A_1202 : i1 to i32
      %parallel_loop3A_1204 = arith.subi %parallel_loop3A_1200, %parallel_loop3A_1203 : i32
      %parallel_loop3A_1205 = arith.cmpi ne, %parallel_loop3A_1197, %parallel_loop3A_1204 : i32
      %parallel_loop3A_1206 = arith.remsi %parallel_loop3A_1188, %parallel_loop3A_1189 : i32
      %parallel_loop3A_1207 = arith.constant 0 : i32
      %parallel_loop3A_1208 = arith.cmpi ne, %parallel_loop3A_1206, %parallel_loop3A_1207 : i32
      %parallel_loop3A_1209 = arith.andi %parallel_loop3A_1205, %parallel_loop3A_1208 : i1
      %parallel_loop3A_1210 = arith.constant 1 : i32
      %parallel_loop3A_1211 = arith.subi %parallel_loop3A_1190, %parallel_loop3A_1210 : i32
      %parallel_loop3A_1212 = arith.select %parallel_loop3A_1209, %parallel_loop3A_1211, %parallel_loop3A_1190 : i32
      %parallel_loop3A_1213 = arith.constant 8 : i32
      %parallel_loop3A_1214 = arith.muli %parallel_loop3A_1212, %parallel_loop3A_1213 : i32
      %parallel_loop3A_1215 = arith.subi %parallel_loop3A_1188, %parallel_loop3A_1214 : i32
      %parallel_loop3A_1216 = arith.constant 16 : i32
      %parallel_loop3A_1217 = arith.muli %parallel_loop3A_1215, %parallel_loop3A_1216 : i32
      %parallel_loop3A_1218 = arith.index_cast %parallel_loop3A_1212 : i32 to index
      %parallel_loop3A_1219 = arith.index_cast %parallel_loop3A_1217 : i32 to index
      %parallel_loop3A_1220 = tpu.vector_load %arg9[%parallel_loop3A_1218, %parallel_loop3A_1219] {strides = array<i32>} : memref<200x128xi32, #tpu.memory_space<vmem>>, vector<16xi32>,
      %parallel_loop3A_1221 = tpu.vector_load_idx %arg5[%parallel_loop3A_1220] : memref<16xf32, #tpu.memory_space<vmem>>[vector<16xi32>], vector<16xf32>,
      %parallel_loop3A_1222 = arith.index_cast %parallel_loop3A_1212 : i32 to index
      %parallel_loop3A_1223 = arith.index_cast %parallel_loop3A_1217 : i32 to index
      %parallel_loop3A_1224 = tpu.vector_load %arg10[%parallel_loop3A_1222, %parallel_loop3A_1223] {strides = array<i32>} : memref<200x128xf32, #tpu.memory_space<vmem>>, vector<16xf32>,
      tpu.vector_store %arg10[%parallel_loop3A_1222, %parallel_loop3A_1223], %parallel_loop3A_1221 {strides = array<i32>} : memref<200x128xf32, #tpu.memory_space<vmem>>, vector<16xf32>,
      %parallel_loop3A_1225 = tpu.vector_load_idx %arg6[%parallel_loop3A_1220] : memref<16xf32, #tpu.memory_space<vmem>>[vector<16xi32>], vector<16xf32>,
      %parallel_loop3A_1226 = arith.index_cast %parallel_loop3A_1212 : i32 to index
      %parallel_loop3A_1227 = arith.index_cast %parallel_loop3A_1217 : i32 to index
      %parallel_loop3A_1228 = tpu.vector_load %arg11[%parallel_loop3A_1226, %parallel_loop3A_1227] {strides = array<i32>} : memref<200x128xf32, #tpu.memory_space<vmem>>, vector<16xf32>,
      tpu.vector_store %arg11[%parallel_loop3A_1226, %parallel_loop3A_1227], %parallel_loop3A_1225 {strides = array<i32>} : memref<200x128xf32, #tpu.memory_space<vmem>>, vector<16xf32>,
      %parallel_loop3A_1229 = tpu.vector_load_idx %arg7[%parallel_loop3A_1220] : memref<16xf32, #tpu.memory_space<vmem>>[vector<16xi32>], vector<16xf32>,
      %parallel_loop3A_1230 = arith.index_cast %parallel_loop3A_1212 : i32 to index
      %parallel_loop3A_1231 = arith.index_cast %parallel_loop3A_1217 : i32 to index
      %parallel_loop3A_1232 = tpu.vector_load %arg12[%parallel_loop3A_1230, %parallel_loop3A_1231] {strides = array<i32>} : memref<200x128xf32, #tpu.memory_space<vmem>>, vector<16xf32>,
      tpu.vector_store %arg12[%parallel_loop3A_1230, %parallel_loop3A_1231], %parallel_loop3A_1229 {strides = array<i32>} : memref<200x128xf32, #tpu.memory_space<vmem>>, vector<16xf32>,
    } {sc.loop_unroll_factor = 2 : i64, sc.parallel_access}
    %add3A_339 = arith.constant 128 : i32
    %add3A_340 = arith.addi %mul3A_2, %add3A_339 : i32
    %dma_start3A_341 = arith.constant 0 : i32
    %dma_start3A_342 = arith.constant 64 : i32
    %dma_start3A_343 = arith.constant 0 : i32
    %dma_start3A_344 = tpu.memref_slice %arg10[%dma_start3A_342, %dma_start3A_343] : memref<200x128xf32, #tpu.memory_space<vmem>> -> memref<64x128xf32, #tpu.memory_space<vmem>>
    %dma_start3A_345 = arith.constant 64 : i32
    %dma_start3A_346 = tpu.memref_slice %arg4[%dma_start3A_341, %dma_start3A_345, %add3A_340] : memref<3x200x16384xf32, #tpu.memory_space<hbm>> -> memref<1x64x128xf32, #tpu.memory_space<hbm>>
    %dma_start3A_347 = tpu.memref_squeeze %dma_start3A_346 : memref<1x64x128xf32, #tpu.memory_space<hbm>> -> memref<64x128xf32, #tpu.memory_space<hbm>>
    %dma_start3A_348 = arith.constant 64 : i32
    %dma_start3A_349 = tpu.memref_slice %arg4[%dma_start3A_341, %dma_start3A_348, %add3A_340] : memref<3x200x16384xf32, #tpu.memory_space<hbm>> -> memref<1x64x128xf32, #tpu.memory_space<hbm>>
    %dma_start3A_350 = tpu.memref_squeeze %dma_start3A_349 : memref<1x64x128xf32, #tpu.memory_space<hbm>> -> memref<64x128xf32, #tpu.memory_space<hbm>>
    %dma_start3A_351 = arith.constant 64 : i32
    %dma_start3A_352 = arith.constant 0 : i32
    %dma_start3A_353 = tpu.memref_slice %arg10[%dma_start3A_351, %dma_start3A_352] : memref<200x128xf32, #tpu.memory_space<vmem>> -> memref<64x128xf32, #tpu.memory_space<vmem>>
    tpu.enqueue_dma source(%dma_start3A_353 : memref<64x128xf32, #tpu.memory_space<vmem>>) target(%dma_start3A_350 : memref<64x128xf32, #tpu.memory_space<hbm>>) target_semaphore(%arg16 : memref<!tpu.dma_semaphore, #tpu.memory_space<semaphore_mem>>)
    %add3A_354 = arith.constant 128 : i32
    %add3A_355 = arith.addi %mul3A_2, %add3A_354 : i32
    %dma_start3A_356 = arith.constant 1 : i32
    %dma_start3A_357 = arith.constant 64 : i32
    %dma_start3A_358 = arith.constant 0 : i32
    %dma_start3A_359 = tpu.memref_slice %arg11[%dma_start3A_357, %dma_start3A_358] : memref<200x128xf32, #tpu.memory_space<vmem>> -> memref<64x128xf32, #tpu.memory_space<vmem>>
    %dma_start3A_360 = arith.constant 64 : i32
    %dma_start3A_361 = tpu.memref_slice %arg4[%dma_start3A_356, %dma_start3A_360, %add3A_355] : memref<3x200x16384xf32, #tpu.memory_space<hbm>> -> memref<1x64x128xf32, #tpu.memory_space<hbm>>
    %dma_start3A_362 = tpu.memref_squeeze %dma_start3A_361 : memref<1x64x128xf32, #tpu.memory_space<hbm>> -> memref<64x128xf32, #tpu.memory_space<hbm>>
    %dma_start3A_363 = arith.constant 64 : i32
    %dma_start3A_364 = tpu.memref_slice %arg4[%dma_start3A_356, %dma_start3A_363, %add3A_355] : memref<3x200x16384xf32, #tpu.memory_space<hbm>> -> memref<1x64x128xf32, #tpu.memory_space<hbm>>
    %dma_start3A_365 = tpu.memref_squeeze %dma_start3A_364 : memref<1x64x128xf32, #tpu.memory_space<hbm>> -> memref<64x128xf32, #tpu.memory_space<hbm>>
    %dma_start3A_366 = arith.constant 64 : i32
    %dma_start3A_367 = arith.constant 0 : i32
    %dma_start3A_368 = tpu.memref_slice %arg11[%dma_start3A_366, %dma_start3A_367] : memref<200x128xf32, #tpu.memory_space<vmem>> -> memref<64x128xf32, #tpu.memory_space<vmem>>
    tpu.enqueue_dma source(%dma_start3A_368 : memref<64x128xf32, #tpu.memory_space<vmem>>) target(%dma_start3A_365 : memref<64x128xf32, #tpu.memory_space<hbm>>) target_semaphore(%arg16 : memref<!tpu.dma_semaphore, #tpu.memory_space<semaphore_mem>>)
    %add3A_369 = arith.constant 128 : i32
    %add3A_370 = arith.addi %mul3A_2, %add3A_369 : i32
    %dma_start3A_371 = arith.constant 2 : i32
    %dma_start3A_372 = arith.constant 64 : i32
    %dma_start3A_373 = arith.constant 0 : i32
    %dma_start3A_374 = tpu.memref_slice %arg12[%dma_start3A_372, %dma_start3A_373] : memref<200x128xf32, #tpu.memory_space<vmem>> -> memref<64x128xf32, #tpu.memory_space<vmem>>
    %dma_start3A_375 = arith.constant 64 : i32
    %dma_start3A_376 = tpu.memref_slice %arg4[%dma_start3A_371, %dma_start3A_375, %add3A_370] : memref<3x200x16384xf32, #tpu.memory_space<hbm>> -> memref<1x64x128xf32, #tpu.memory_space<hbm>>
    %dma_start3A_377 = tpu.memref_squeeze %dma_start3A_376 : memref<1x64x128xf32, #tpu.memory_space<hbm>> -> memref<64x128xf32, #tpu.memory_space<hbm>>
    %dma_start3A_378 = arith.constant 64 : i32
    %dma_start3A_379 = tpu.memref_slice %arg4[%dma_start3A_371, %dma_start3A_378, %add3A_370] : memref<3x200x16384xf32, #tpu.memory_space<hbm>> -> memref<1x64x128xf32, #tpu.memory_space<hbm>>
    %dma_start3A_380 = tpu.memref_squeeze %dma_start3A_379 : memref<1x64x128xf32, #tpu.memory_space<hbm>> -> memref<64x128xf32, #tpu.memory_space<hbm>>
    %dma_start3A_381 = arith.constant 64 : i32
    %dma_start3A_382 = arith.constant 0 : i32
    %dma_start3A_383 = tpu.memref_slice %arg12[%dma_start3A_381, %dma_start3A_382] : memref<200x128xf32, #tpu.memory_space<vmem>> -> memref<64x128xf32, #tpu.memory_space<vmem>>
    tpu.enqueue_dma source(%dma_start3A_383 : memref<64x128xf32, #tpu.memory_space<vmem>>) target(%dma_start3A_380 : memref<64x128xf32, #tpu.memory_space<hbm>>) target_semaphore(%arg16 : memref<!tpu.dma_semaphore, #tpu.memory_space<semaphore_mem>>)
    %add3A_384 = arith.constant 0 : i32
    %add3A_385 = arith.addi %mul3A_2, %add3A_384 : i32
    %dma_wait3A_386 = arith.constant 0 : i32
    %dma_wait3A_387 = arith.constant 128 : i32
    %dma_wait3A_388 = arith.constant 0 : i32
    %dma_wait3A_389 = tpu.memref_slice %arg10[%dma_wait3A_387, %dma_wait3A_388] : memref<200x128xf32, #tpu.memory_space<vmem>> -> memref<72x128xf32, #tpu.memory_space<vmem>>
    %dma_wait3A_390 = arith.constant 128 : i32
    %dma_wait3A_391 = tpu.memref_slice %arg4[%dma_wait3A_386, %dma_wait3A_390, %add3A_385] : memref<3x200x16384xf32, #tpu.memory_space<hbm>> -> memref<1x72x128xf32, #tpu.memory_space<hbm>>
    %dma_wait3A_392 = tpu.memref_squeeze %dma_wait3A_391 : memref<1x72x128xf32, #tpu.memory_space<hbm>> -> memref<72x128xf32, #tpu.memory_space<hbm>>
    %dma_wait3A_393 = arith.constant 128 : i32
    %dma_wait3A_394 = tpu.memref_slice %arg4[%dma_wait3A_386, %dma_wait3A_393, %add3A_385] : memref<3x200x16384xf32, #tpu.memory_space<hbm>> -> memref<1x72x128xf32, #tpu.memory_space<hbm>>
    %dma_wait3A_395 = tpu.memref_squeeze %dma_wait3A_394 : memref<1x72x128xf32, #tpu.memory_space<hbm>> -> memref<72x128xf32, #tpu.memory_space<hbm>>
    %dma_wait3A_396 = arith.constant 128 : i32
    %dma_wait3A_397 = arith.constant 0 : i32
    %dma_wait3A_398 = tpu.memref_slice %arg10[%dma_wait3A_396, %dma_wait3A_397] : memref<200x128xf32, #tpu.memory_space<vmem>> -> memref<72x128xf32, #tpu.memory_space<vmem>>
    tpu.wait_dma2 semaphore(%arg17 : memref<!tpu.dma_semaphore, #tpu.memory_space<semaphore_mem>>) src(%dma_wait3A_398 : memref<72x128xf32, #tpu.memory_space<vmem>>) dst(%dma_wait3A_395 : memref<72x128xf32, #tpu.memory_space<hbm>>)
    %add3A_399 = arith.constant 0 : i32
    %add3A_400 = arith.addi %mul3A_2, %add3A_399 : i32
    %dma_wait3A_401 = arith.constant 1 : i32
    %dma_wait3A_402 = arith.constant 128 : i32
    %dma_wait3A_403 = arith.constant 0 : i32
    %dma_wait3A_404 = tpu.memref_slice %arg11[%dma_wait3A_402, %dma_wait3A_403] : memref<200x128xf32, #tpu.memory_space<vmem>> -> memref<72x128xf32, #tpu.memory_space<vmem>>
    %dma_wait3A_405 = arith.constant 128 : i32
    %dma_wait3A_406 = tpu.memref_slice %arg4[%dma_wait3A_401, %dma_wait3A_405, %add3A_400] : memref<3x200x16384xf32, #tpu.memory_space<hbm>> -> memref<1x72x128xf32, #tpu.memory_space<hbm>>
    %dma_wait3A_407 = tpu.memref_squeeze %dma_wait3A_406 : memref<1x72x128xf32, #tpu.memory_space<hbm>> -> memref<72x128xf32, #tpu.memory_space<hbm>>
    %dma_wait3A_408 = arith.constant 128 : i32
    %dma_wait3A_409 = tpu.memref_slice %arg4[%dma_wait3A_401, %dma_wait3A_408, %add3A_400] : memref<3x200x16384xf32, #tpu.memory_space<hbm>> -> memref<1x72x128xf32, #tpu.memory_space<hbm>>
    %dma_wait3A_410 = tpu.memref_squeeze %dma_wait3A_409 : memref<1x72x128xf32, #tpu.memory_space<hbm>> -> memref<72x128xf32, #tpu.memory_space<hbm>>
    %dma_wait3A_411 = arith.constant 128 : i32
    %dma_wait3A_412 = arith.constant 0 : i32
    %dma_wait3A_413 = tpu.memref_slice %arg11[%dma_wait3A_411, %dma_wait3A_412] : memref<200x128xf32, #tpu.memory_space<vmem>> -> memref<72x128xf32, #tpu.memory_space<vmem>>
    tpu.wait_dma2 semaphore(%arg17 : memref<!tpu.dma_semaphore, #tpu.memory_space<semaphore_mem>>) src(%dma_wait3A_413 : memref<72x128xf32, #tpu.memory_space<vmem>>) dst(%dma_wait3A_410 : memref<72x128xf32, #tpu.memory_space<hbm>>)
    %add3A_414 = arith.constant 0 : i32
    %add3A_415 = arith.addi %mul3A_2, %add3A_414 : i32
    %dma_wait3A_416 = arith.constant 2 : i32
    %dma_wait3A_417 = arith.constant 128 : i32
    %dma_wait3A_418 = arith.constant 0 : i32
    %dma_wait3A_419 = tpu.memref_slice %arg12[%dma_wait3A_417, %dma_wait3A_418] : memref<200x128xf32, #tpu.memory_space<vmem>> -> memref<72x128xf32, #tpu.memory_space<vmem>>
    %dma_wait3A_420 = arith.constant 128 : i32
    %dma_wait3A_421 = tpu.memref_slice %arg4[%dma_wait3A_416, %dma_wait3A_420, %add3A_415] : memref<3x200x16384xf32, #tpu.memory_space<hbm>> -> memref<1x72x128xf32, #tpu.memory_space<hbm>>
    %dma_wait3A_422 = tpu.memref_squeeze %dma_wait3A_421 : memref<1x72x128xf32, #tpu.memory_space<hbm>> -> memref<72x128xf32, #tpu.memory_space<hbm>>
    %dma_wait3A_423 = arith.constant 128 : i32
    %dma_wait3A_424 = tpu.memref_slice %arg4[%dma_wait3A_416, %dma_wait3A_423, %add3A_415] : memref<3x200x16384xf32, #tpu.memory_space<hbm>> -> memref<1x72x128xf32, #tpu.memory_space<hbm>>
    %dma_wait3A_425 = tpu.memref_squeeze %dma_wait3A_424 : memref<1x72x128xf32, #tpu.memory_space<hbm>> -> memref<72x128xf32, #tpu.memory_space<hbm>>
    %dma_wait3A_426 = arith.constant 128 : i32
    %dma_wait3A_427 = arith.constant 0 : i32
    %dma_wait3A_428 = tpu.memref_slice %arg12[%dma_wait3A_426, %dma_wait3A_427] : memref<200x128xf32, #tpu.memory_space<vmem>> -> memref<72x128xf32, #tpu.memory_space<vmem>>
    tpu.wait_dma2 semaphore(%arg17 : memref<!tpu.dma_semaphore, #tpu.memory_space<semaphore_mem>>) src(%dma_wait3A_428 : memref<72x128xf32, #tpu.memory_space<vmem>>) dst(%dma_wait3A_425 : memref<72x128xf32, #tpu.memory_space<hbm>>)
    %parallel_loop3A_429 = arith.constant 1024 : i32
    %parallel_loop3A_430 = arith.constant 1600 : i32
    %parallel_loop3A_431 = arith.constant 1 : i32
    scf.for %parallel_loop3A_1188 = %parallel_loop3A_429 to %parallel_loop3A_430 step %parallel_loop3A_431  : i32 {
      %parallel_loop3A_1189 = arith.constant 8 : i32
      %parallel_loop3A_1190 = arith.divsi %parallel_loop3A_1188, %parallel_loop3A_1189 : i32
      %parallel_loop3A_1191 = arith.constant 0 : i32
      %parallel_loop3A_1192 = arith.cmpi sgt, %parallel_loop3A_1188, %parallel_loop3A_1191 : i32
      %parallel_loop3A_1193 = arith.extui %parallel_loop3A_1192 : i1 to i32
      %parallel_loop3A_1194 = arith.constant 0 : i32
      %parallel_loop3A_1195 = arith.cmpi slt, %parallel_loop3A_1188, %parallel_loop3A_1194 : i32
      %parallel_loop3A_1196 = arith.extui %parallel_loop3A_1195 : i1 to i32
      %parallel_loop3A_1197 = arith.subi %parallel_loop3A_1193, %parallel_loop3A_1196 : i32
      %parallel_loop3A_1198 = arith.constant 0 : i32
      %parallel_loop3A_1199 = arith.cmpi sgt, %parallel_loop3A_1189, %parallel_loop3A_1198 : i32
      %parallel_loop3A_1200 = arith.extui %parallel_loop3A_1199 : i1 to i32
      %parallel_loop3A_1201 = arith.constant 0 : i32
      %parallel_loop3A_1202 = arith.cmpi slt, %parallel_loop3A_1189, %parallel_loop3A_1201 : i32
      %parallel_loop3A_1203 = arith.extui %parallel_loop3A_1202 : i1 to i32
      %parallel_loop3A_1204 = arith.subi %parallel_loop3A_1200, %parallel_loop3A_1203 : i32
      %parallel_loop3A_1205 = arith.cmpi ne, %parallel_loop3A_1197, %parallel_loop3A_1204 : i32
      %parallel_loop3A_1206 = arith.remsi %parallel_loop3A_1188, %parallel_loop3A_1189 : i32
      %parallel_loop3A_1207 = arith.constant 0 : i32
      %parallel_loop3A_1208 = arith.cmpi ne, %parallel_loop3A_1206, %parallel_loop3A_1207 : i32
      %parallel_loop3A_1209 = arith.andi %parallel_loop3A_1205, %parallel_loop3A_1208 : i1
      %parallel_loop3A_1210 = arith.constant 1 : i32
      %parallel_loop3A_1211 = arith.subi %parallel_loop3A_1190, %parallel_loop3A_1210 : i32
      %parallel_loop3A_1212 = arith.select %parallel_loop3A_1209, %parallel_loop3A_1211, %parallel_loop3A_1190 : i32
      %parallel_loop3A_1213 = arith.constant 8 : i32
      %parallel_loop3A_1214 = arith.muli %parallel_loop3A_1212, %parallel_loop3A_1213 : i32
      %parallel_loop3A_1215 = arith.subi %parallel_loop3A_1188, %parallel_loop3A_1214 : i32
      %parallel_loop3A_1216 = arith.constant 16 : i32
      %parallel_loop3A_1217 = arith.muli %parallel_loop3A_1215, %parallel_loop3A_1216 : i32
      %parallel_loop3A_1218 = arith.index_cast %parallel_loop3A_1212 : i32 to index
      %parallel_loop3A_1219 = arith.index_cast %parallel_loop3A_1217 : i32 to index
      %parallel_loop3A_1220 = tpu.vector_load %arg9[%parallel_loop3A_1218, %parallel_loop3A_1219] {strides = array<i32>} : memref<200x128xi32, #tpu.memory_space<vmem>>, vector<16xi32>,
      %parallel_loop3A_1221 = tpu.vector_load_idx %arg5[%parallel_loop3A_1220] : memref<16xf32, #tpu.memory_space<vmem>>[vector<16xi32>], vector<16xf32>,
      %parallel_loop3A_1222 = arith.index_cast %parallel_loop3A_1212 : i32 to index
      %parallel_loop3A_1223 = arith.index_cast %parallel_loop3A_1217 : i32 to index
      %parallel_loop3A_1224 = tpu.vector_load %arg10[%parallel_loop3A_1222, %parallel_loop3A_1223] {strides = array<i32>} : memref<200x128xf32, #tpu.memory_space<vmem>>, vector<16xf32>,
      tpu.vector_store %arg10[%parallel_loop3A_1222, %parallel_loop3A_1223], %parallel_loop3A_1221 {strides = array<i32>} : memref<200x128xf32, #tpu.memory_space<vmem>>, vector<16xf32>,
      %parallel_loop3A_1225 = tpu.vector_load_idx %arg6[%parallel_loop3A_1220] : memref<16xf32, #tpu.memory_space<vmem>>[vector<16xi32>], vector<16xf32>,
      %parallel_loop3A_1226 = arith.index_cast %parallel_loop3A_1212 : i32 to index
      %parallel_loop3A_1227 = arith.index_cast %parallel_loop3A_1217 : i32 to index
      %parallel_loop3A_1228 = tpu.vector_load %arg11[%parallel_loop3A_1226, %parallel_loop3A_1227] {strides = array<i32>} : memref<200x128xf32, #tpu.memory_space<vmem>>, vector<16xf32>,
      tpu.vector_store %arg11[%parallel_loop3A_1226, %parallel_loop3A_1227], %parallel_loop3A_1225 {strides = array<i32>} : memref<200x128xf32, #tpu.memory_space<vmem>>, vector<16xf32>,
      %parallel_loop3A_1229 = tpu.vector_load_idx %arg7[%parallel_loop3A_1220] : memref<16xf32, #tpu.memory_space<vmem>>[vector<16xi32>], vector<16xf32>,
      %parallel_loop3A_1230 = arith.index_cast %parallel_loop3A_1212 : i32 to index
      %parallel_loop3A_1231 = arith.index_cast %parallel_loop3A_1217 : i32 to index
      %parallel_loop3A_1232 = tpu.vector_load %arg12[%parallel_loop3A_1230, %parallel_loop3A_1231] {strides = array<i32>} : memref<200x128xf32, #tpu.memory_space<vmem>>, vector<16xf32>,
      tpu.vector_store %arg12[%parallel_loop3A_1230, %parallel_loop3A_1231], %parallel_loop3A_1229 {strides = array<i32>} : memref<200x128xf32, #tpu.memory_space<vmem>>, vector<16xf32>,
    } {sc.loop_unroll_factor = 2 : i64, sc.parallel_access}
    %add3A_432 = arith.constant 128 : i32
    %add3A_433 = arith.addi %mul3A_2, %add3A_432 : i32
    %dma_start3A_434 = arith.constant 0 : i32
    %dma_start3A_435 = arith.constant 128 : i32
    %dma_start3A_436 = arith.constant 0 : i32
    %dma_start3A_437 = tpu.memref_slice %arg10[%dma_start3A_435, %dma_start3A_436] : memref<200x128xf32, #tpu.memory_space<vmem>> -> memref<72x128xf32, #tpu.memory_space<vmem>>
    %dma_start3A_438 = arith.constant 128 : i32
    %dma_start3A_439 = tpu.memref_slice %arg4[%dma_start3A_434, %dma_start3A_438, %add3A_433] : memref<3x200x16384xf32, #tpu.memory_space<hbm>> -> memref<1x72x128xf32, #tpu.memory_space<hbm>>
    %dma_start3A_440 = tpu.memref_squeeze %dma_start3A_439 : memref<1x72x128xf32, #tpu.memory_space<hbm>> -> memref<72x128xf32, #tpu.memory_space<hbm>>
    %dma_start3A_441 = arith.constant 128 : i32
    %dma_start3A_442 = tpu.memref_slice %arg4[%dma_start3A_434, %dma_start3A_441, %add3A_433] : memref<3x200x16384xf32, #tpu.memory_space<hbm>> -> memref<1x72x128xf32, #tpu.memory_space<hbm>>
    %dma_start3A_443 = tpu.memref_squeeze %dma_start3A_442 : memref<1x72x128xf32, #tpu.memory_space<hbm>> -> memref<72x128xf32, #tpu.memory_space<hbm>>
    %dma_start3A_444 = arith.constant 128 : i32
    %dma_start3A_445 = arith.constant 0 : i32
    %dma_start3A_446 = tpu.memref_slice %arg10[%dma_start3A_444, %dma_start3A_445] : memref<200x128xf32, #tpu.memory_space<vmem>> -> memref<72x128xf32, #tpu.memory_space<vmem>>
    tpu.enqueue_dma source(%dma_start3A_446 : memref<72x128xf32, #tpu.memory_space<vmem>>) target(%dma_start3A_443 : memref<72x128xf32, #tpu.memory_space<hbm>>) target_semaphore(%arg17 : memref<!tpu.dma_semaphore, #tpu.memory_space<semaphore_mem>>)
    %add3A_447 = arith.constant 128 : i32
    %add3A_448 = arith.addi %mul3A_2, %add3A_447 : i32
    %dma_start3A_449 = arith.constant 1 : i32
    %dma_start3A_450 = arith.constant 128 : i32
    %dma_start3A_451 = arith.constant 0 : i32
    %dma_start3A_452 = tpu.memref_slice %arg11[%dma_start3A_450, %dma_start3A_451] : memref<200x128xf32, #tpu.memory_space<vmem>> -> memref<72x128xf32, #tpu.memory_space<vmem>>
    %dma_start3A_453 = arith.constant 128 : i32
    %dma_start3A_454 = tpu.memref_slice %arg4[%dma_start3A_449, %dma_start3A_453, %add3A_448] : memref<3x200x16384xf32, #tpu.memory_space<hbm>> -> memref<1x72x128xf32, #tpu.memory_space<hbm>>
    %dma_start3A_455 = tpu.memref_squeeze %dma_start3A_454 : memref<1x72x128xf32, #tpu.memory_space<hbm>> -> memref<72x128xf32, #tpu.memory_space<hbm>>
    %dma_start3A_456 = arith.constant 128 : i32
    %dma_start3A_457 = tpu.memref_slice %arg4[%dma_start3A_449, %dma_start3A_456, %add3A_448] : memref<3x200x16384xf32, #tpu.memory_space<hbm>> -> memref<1x72x128xf32, #tpu.memory_space<hbm>>
    %dma_start3A_458 = tpu.memref_squeeze %dma_start3A_457 : memref<1x72x128xf32, #tpu.memory_space<hbm>> -> memref<72x128xf32, #tpu.memory_space<hbm>>
    %dma_start3A_459 = arith.constant 128 : i32
    %dma_start3A_460 = arith.constant 0 : i32
    %dma_start3A_461 = tpu.memref_slice %arg11[%dma_start3A_459, %dma_start3A_460] : memref<200x128xf32, #tpu.memory_space<vmem>> -> memref<72x128xf32, #tpu.memory_space<vmem>>
    tpu.enqueue_dma source(%dma_start3A_461 : memref<72x128xf32, #tpu.memory_space<vmem>>) target(%dma_start3A_458 : memref<72x128xf32, #tpu.memory_space<hbm>>) target_semaphore(%arg17 : memref<!tpu.dma_semaphore, #tpu.memory_space<semaphore_mem>>)
    %add3A_462 = arith.constant 128 : i32
    %add3A_463 = arith.addi %mul3A_2, %add3A_462 : i32
    %dma_start3A_464 = arith.constant 2 : i32
    %dma_start3A_465 = arith.constant 128 : i32
    %dma_start3A_466 = arith.constant 0 : i32
    %dma_start3A_467 = tpu.memref_slice %arg12[%dma_start3A_465, %dma_start3A_466] : memref<200x128xf32, #tpu.memory_space<vmem>> -> memref<72x128xf32, #tpu.memory_space<vmem>>
    %dma_start3A_468 = arith.constant 128 : i32
    %dma_start3A_469 = tpu.memref_slice %arg4[%dma_start3A_464, %dma_start3A_468, %add3A_463] : memref<3x200x16384xf32, #tpu.memory_space<hbm>> -> memref<1x72x128xf32, #tpu.memory_space<hbm>>
    %dma_start3A_470 = tpu.memref_squeeze %dma_start3A_469 : memref<1x72x128xf32, #tpu.memory_space<hbm>> -> memref<72x128xf32, #tpu.memory_space<hbm>>
    %dma_start3A_471 = arith.constant 128 : i32
    %dma_start3A_472 = tpu.memref_slice %arg4[%dma_start3A_464, %dma_start3A_471, %add3A_463] : memref<3x200x16384xf32, #tpu.memory_space<hbm>> -> memref<1x72x128xf32, #tpu.memory_space<hbm>>
    %dma_start3A_473 = tpu.memref_squeeze %dma_start3A_472 : memref<1x72x128xf32, #tpu.memory_space<hbm>> -> memref<72x128xf32, #tpu.memory_space<hbm>>
    %dma_start3A_474 = arith.constant 128 : i32
    %dma_start3A_475 = arith.constant 0 : i32
    %dma_start3A_476 = tpu.memref_slice %arg12[%dma_start3A_474, %dma_start3A_475] : memref<200x128xf32, #tpu.memory_space<vmem>> -> memref<72x128xf32, #tpu.memory_space<vmem>>
    tpu.enqueue_dma source(%dma_start3A_476 : memref<72x128xf32, #tpu.memory_space<vmem>>) target(%dma_start3A_473 : memref<72x128xf32, #tpu.memory_space<hbm>>) target_semaphore(%arg17 : memref<!tpu.dma_semaphore, #tpu.memory_space<semaphore_mem>>)
    %add3A_477 = arith.constant 384 : i32
    %add3A_478 = arith.addi %mul3A_2, %add3A_477 : i32
    %dma_start3A_479 = arith.constant 0 : i32
    %dma_start3A_480 = tpu.memref_slice %arg2[%dma_start3A_479, %add3A_478] : memref<200x16384xi32, #tpu.memory_space<hbm>> -> memref<200x128xi32, #tpu.memory_space<hbm>>
    %dma_start3A_481 = arith.constant 0 : i32
    %dma_start3A_482 = tpu.memref_slice %arg2[%dma_start3A_481, %add3A_478] : memref<200x16384xi32, #tpu.memory_space<hbm>> -> memref<200x128xi32, #tpu.memory_space<hbm>>
    tpu.enqueue_dma source(%dma_start3A_482 : memref<200x128xi32, #tpu.memory_space<hbm>>) target(%arg9 : memref<200x128xi32, #tpu.memory_space<vmem>>) target_semaphore(%arg14 : memref<!tpu.dma_semaphore, #tpu.memory_space<semaphore_mem>>)
    %add3A_483 = arith.constant 256 : i32
    %add3A_484 = arith.addi %mul3A_2, %add3A_483 : i32
    %dma_wait3A_485 = arith.constant 0 : i32
    %dma_wait3A_486 = tpu.memref_slice %arg2[%dma_wait3A_485, %add3A_484] : memref<200x16384xi32, #tpu.memory_space<hbm>> -> memref<200x128xi32, #tpu.memory_space<hbm>>
    %dma_wait3A_487 = arith.constant 0 : i32
    %dma_wait3A_488 = tpu.memref_slice %arg2[%dma_wait3A_487, %add3A_484] : memref<200x16384xi32, #tpu.memory_space<hbm>> -> memref<200x128xi32, #tpu.memory_space<hbm>>
    tpu.wait_dma2 semaphore(%arg13 : memref<!tpu.dma_semaphore, #tpu.memory_space<semaphore_mem>>) src(%dma_wait3A_488 : memref<200x128xi32, #tpu.memory_space<hbm>>) dst(%arg8 : memref<200x128xi32, #tpu.memory_space<vmem>>)
    %add3A_489 = arith.constant 128 : i32
    %add3A_490 = arith.addi %mul3A_2, %add3A_489 : i32
    %dma_wait3A_491 = arith.constant 0 : i32
    %dma_wait3A_492 = arith.constant 0 : i32
    %dma_wait3A_493 = arith.constant 0 : i32
    %dma_wait3A_494 = tpu.memref_slice %arg10[%dma_wait3A_492, %dma_wait3A_493] : memref<200x128xf32, #tpu.memory_space<vmem>> -> memref<64x128xf32, #tpu.memory_space<vmem>>
    %dma_wait3A_495 = arith.constant 0 : i32
    %dma_wait3A_496 = tpu.memref_slice %arg4[%dma_wait3A_491, %dma_wait3A_495, %add3A_490] : memref<3x200x16384xf32, #tpu.memory_space<hbm>> -> memref<1x64x128xf32, #tpu.memory_space<hbm>>
    %dma_wait3A_497 = tpu.memref_squeeze %dma_wait3A_496 : memref<1x64x128xf32, #tpu.memory_space<hbm>> -> memref<64x128xf32, #tpu.memory_space<hbm>>
    %dma_wait3A_498 = arith.constant 0 : i32
    %dma_wait3A_499 = tpu.memref_slice %arg4[%dma_wait3A_491, %dma_wait3A_498, %add3A_490] : memref<3x200x16384xf32, #tpu.memory_space<hbm>> -> memref<1x64x128xf32, #tpu.memory_space<hbm>>
    %dma_wait3A_500 = tpu.memref_squeeze %dma_wait3A_499 : memref<1x64x128xf32, #tpu.memory_space<hbm>> -> memref<64x128xf32, #tpu.memory_space<hbm>>
    %dma_wait3A_501 = arith.constant 0 : i32
    %dma_wait3A_502 = arith.constant 0 : i32
    %dma_wait3A_503 = tpu.memref_slice %arg10[%dma_wait3A_501, %dma_wait3A_502] : memref<200x128xf32, #tpu.memory_space<vmem>> -> memref<64x128xf32, #tpu.memory_space<vmem>>
    tpu.wait_dma2 semaphore(%arg15 : memref<!tpu.dma_semaphore, #tpu.memory_space<semaphore_mem>>) src(%dma_wait3A_503 : memref<64x128xf32, #tpu.memory_space<vmem>>) dst(%dma_wait3A_500 : memref<64x128xf32, #tpu.memory_space<hbm>>)
    %add3A_504 = arith.constant 128 : i32
    %add3A_505 = arith.addi %mul3A_2, %add3A_504 : i32
    %dma_wait3A_506 = arith.constant 1 : i32
    %dma_wait3A_507 = arith.constant 0 : i32
    %dma_wait3A_508 = arith.constant 0 : i32
    %dma_wait3A_509 = tpu.memref_slice %arg11[%dma_wait3A_507, %dma_wait3A_508] : memref<200x128xf32, #tpu.memory_space<vmem>> -> memref<64x128xf32, #tpu.memory_space<vmem>>
    %dma_wait3A_510 = arith.constant 0 : i32
    %dma_wait3A_511 = tpu.memref_slice %arg4[%dma_wait3A_506, %dma_wait3A_510, %add3A_505] : memref<3x200x16384xf32, #tpu.memory_space<hbm>> -> memref<1x64x128xf32, #tpu.memory_space<hbm>>
    %dma_wait3A_512 = tpu.memref_squeeze %dma_wait3A_511 : memref<1x64x128xf32, #tpu.memory_space<hbm>> -> memref<64x128xf32, #tpu.memory_space<hbm>>
    %dma_wait3A_513 = arith.constant 0 : i32
    %dma_wait3A_514 = tpu.memref_slice %arg4[%dma_wait3A_506, %dma_wait3A_513, %add3A_505] : memref<3x200x16384xf32, #tpu.memory_space<hbm>> -> memref<1x64x128xf32, #tpu.memory_space<hbm>>
    %dma_wait3A_515 = tpu.memref_squeeze %dma_wait3A_514 : memref<1x64x128xf32, #tpu.memory_space<hbm>> -> memref<64x128xf32, #tpu.memory_space<hbm>>
    %dma_wait3A_516 = arith.constant 0 : i32
    %dma_wait3A_517 = arith.constant 0 : i32
    %dma_wait3A_518 = tpu.memref_slice %arg11[%dma_wait3A_516, %dma_wait3A_517] : memref<200x128xf32, #tpu.memory_space<vmem>> -> memref<64x128xf32, #tpu.memory_space<vmem>>
    tpu.wait_dma2 semaphore(%arg15 : memref<!tpu.dma_semaphore, #tpu.memory_space<semaphore_mem>>) src(%dma_wait3A_518 : memref<64x128xf32, #tpu.memory_space<vmem>>) dst(%dma_wait3A_515 : memref<64x128xf32, #tpu.memory_space<hbm>>)
    %add3A_519 = arith.constant 128 : i32
    %add3A_520 = arith.addi %mul3A_2, %add3A_519 : i32
    %dma_wait3A_521 = arith.constant 2 : i32
    %dma_wait3A_522 = arith.constant 0 : i32
    %dma_wait3A_523 = arith.constant 0 : i32
    %dma_wait3A_524 = tpu.memref_slice %arg12[%dma_wait3A_522, %dma_wait3A_523] : memref<200x128xf32, #tpu.memory_space<vmem>> -> memref<64x128xf32, #tpu.memory_space<vmem>>
    %dma_wait3A_525 = arith.constant 0 : i32
    %dma_wait3A_526 = tpu.memref_slice %arg4[%dma_wait3A_521, %dma_wait3A_525, %add3A_520] : memref<3x200x16384xf32, #tpu.memory_space<hbm>> -> memref<1x64x128xf32, #tpu.memory_space<hbm>>
    %dma_wait3A_527 = tpu.memref_squeeze %dma_wait3A_526 : memref<1x64x128xf32, #tpu.memory_space<hbm>> -> memref<64x128xf32, #tpu.memory_space<hbm>>
    %dma_wait3A_528 = arith.constant 0 : i32
    %dma_wait3A_529 = tpu.memref_slice %arg4[%dma_wait3A_521, %dma_wait3A_528, %add3A_520] : memref<3x200x16384xf32, #tpu.memory_space<hbm>> -> memref<1x64x128xf32, #tpu.memory_space<hbm>>
    %dma_wait3A_530 = tpu.memref_squeeze %dma_wait3A_529 : memref<1x64x128xf32, #tpu.memory_space<hbm>> -> memref<64x128xf32, #tpu.memory_space<hbm>>
    %dma_wait3A_531 = arith.constant 0 : i32
    %dma_wait3A_532 = arith.constant 0 : i32
    %dma_wait3A_533 = tpu.memref_slice %arg12[%dma_wait3A_531, %dma_wait3A_532] : memref<200x128xf32, #tpu.memory_space<vmem>> -> memref<64x128xf32, #tpu.memory_space<vmem>>
    tpu.wait_dma2 semaphore(%arg15 : memref<!tpu.dma_semaphore, #tpu.memory_space<semaphore_mem>>) src(%dma_wait3A_533 : memref<64x128xf32, #tpu.memory_space<vmem>>) dst(%dma_wait3A_530 : memref<64x128xf32, #tpu.memory_space<hbm>>)
    %parallel_loop3A_534 = arith.constant 0 : i32
    %parallel_loop3A_535 = arith.constant 512 : i32
    %parallel_loop3A_536 = arith.constant 1 : i32
    scf.for %parallel_loop3A_1188 = %parallel_loop3A_534 to %parallel_loop3A_535 step %parallel_loop3A_536  : i32 {
      %parallel_loop3A_1189 = arith.constant 8 : i32
      %parallel_loop3A_1190 = arith.divsi %parallel_loop3A_1188, %parallel_loop3A_1189 : i32
      %parallel_loop3A_1191 = arith.constant 0 : i32
      %parallel_loop3A_1192 = arith.cmpi sgt, %parallel_loop3A_1188, %parallel_loop3A_1191 : i32
      %parallel_loop3A_1193 = arith.extui %parallel_loop3A_1192 : i1 to i32
      %parallel_loop3A_1194 = arith.constant 0 : i32
      %parallel_loop3A_1195 = arith.cmpi slt, %parallel_loop3A_1188, %parallel_loop3A_1194 : i32
      %parallel_loop3A_1196 = arith.extui %parallel_loop3A_1195 : i1 to i32
      %parallel_loop3A_1197 = arith.subi %parallel_loop3A_1193, %parallel_loop3A_1196 : i32
      %parallel_loop3A_1198 = arith.constant 0 : i32
      %parallel_loop3A_1199 = arith.cmpi sgt, %parallel_loop3A_1189, %parallel_loop3A_1198 : i32
      %parallel_loop3A_1200 = arith.extui %parallel_loop3A_1199 : i1 to i32
      %parallel_loop3A_1201 = arith.constant 0 : i32
      %parallel_loop3A_1202 = arith.cmpi slt, %parallel_loop3A_1189, %parallel_loop3A_1201 : i32
      %parallel_loop3A_1203 = arith.extui %parallel_loop3A_1202 : i1 to i32
      %parallel_loop3A_1204 = arith.subi %parallel_loop3A_1200, %parallel_loop3A_1203 : i32
      %parallel_loop3A_1205 = arith.cmpi ne, %parallel_loop3A_1197, %parallel_loop3A_1204 : i32
      %parallel_loop3A_1206 = arith.remsi %parallel_loop3A_1188, %parallel_loop3A_1189 : i32
      %parallel_loop3A_1207 = arith.constant 0 : i32
      %parallel_loop3A_1208 = arith.cmpi ne, %parallel_loop3A_1206, %parallel_loop3A_1207 : i32
      %parallel_loop3A_1209 = arith.andi %parallel_loop3A_1205, %parallel_loop3A_1208 : i1
      %parallel_loop3A_1210 = arith.constant 1 : i32
      %parallel_loop3A_1211 = arith.subi %parallel_loop3A_1190, %parallel_loop3A_1210 : i32
      %parallel_loop3A_1212 = arith.select %parallel_loop3A_1209, %parallel_loop3A_1211, %parallel_loop3A_1190 : i32
      %parallel_loop3A_1213 = arith.constant 8 : i32
      %parallel_loop3A_1214 = arith.muli %parallel_loop3A_1212, %parallel_loop3A_1213 : i32
      %parallel_loop3A_1215 = arith.subi %parallel_loop3A_1188, %parallel_loop3A_1214 : i32
      %parallel_loop3A_1216 = arith.constant 16 : i32
      %parallel_loop3A_1217 = arith.muli %parallel_loop3A_1215, %parallel_loop3A_1216 : i32
      %parallel_loop3A_1218 = arith.index_cast %parallel_loop3A_1212 : i32 to index
      %parallel_loop3A_1219 = arith.index_cast %parallel_loop3A_1217 : i32 to index
      %parallel_loop3A_1220 = tpu.vector_load %arg8[%parallel_loop3A_1218, %parallel_loop3A_1219] {strides = array<i32>} : memref<200x128xi32, #tpu.memory_space<vmem>>, vector<16xi32>,
      %parallel_loop3A_1221 = tpu.vector_load_idx %arg5[%parallel_loop3A_1220] : memref<16xf32, #tpu.memory_space<vmem>>[vector<16xi32>], vector<16xf32>,
      %parallel_loop3A_1222 = arith.index_cast %parallel_loop3A_1212 : i32 to index
      %parallel_loop3A_1223 = arith.index_cast %parallel_loop3A_1217 : i32 to index
      %parallel_loop3A_1224 = tpu.vector_load %arg10[%parallel_loop3A_1222, %parallel_loop3A_1223] {strides = array<i32>} : memref<200x128xf32, #tpu.memory_space<vmem>>, vector<16xf32>,
      tpu.vector_store %arg10[%parallel_loop3A_1222, %parallel_loop3A_1223], %parallel_loop3A_1221 {strides = array<i32>} : memref<200x128xf32, #tpu.memory_space<vmem>>, vector<16xf32>,
      %parallel_loop3A_1225 = tpu.vector_load_idx %arg6[%parallel_loop3A_1220] : memref<16xf32, #tpu.memory_space<vmem>>[vector<16xi32>], vector<16xf32>,
      %parallel_loop3A_1226 = arith.index_cast %parallel_loop3A_1212 : i32 to index
      %parallel_loop3A_1227 = arith.index_cast %parallel_loop3A_1217 : i32 to index
      %parallel_loop3A_1228 = tpu.vector_load %arg11[%parallel_loop3A_1226, %parallel_loop3A_1227] {strides = array<i32>} : memref<200x128xf32, #tpu.memory_space<vmem>>, vector<16xf32>,
      tpu.vector_store %arg11[%parallel_loop3A_1226, %parallel_loop3A_1227], %parallel_loop3A_1225 {strides = array<i32>} : memref<200x128xf32, #tpu.memory_space<vmem>>, vector<16xf32>,
      %parallel_loop3A_1229 = tpu.vector_load_idx %arg7[%parallel_loop3A_1220] : memref<16xf32, #tpu.memory_space<vmem>>[vector<16xi32>], vector<16xf32>,
      %parallel_loop3A_1230 = arith.index_cast %parallel_loop3A_1212 : i32 to index
      %parallel_loop3A_1231 = arith.index_cast %parallel_loop3A_1217 : i32 to index
      %parallel_loop3A_1232 = tpu.vector_load %arg12[%parallel_loop3A_1230, %parallel_loop3A_1231] {strides = array<i32>} : memref<200x128xf32, #tpu.memory_space<vmem>>, vector<16xf32>,
      tpu.vector_store %arg12[%parallel_loop3A_1230, %parallel_loop3A_1231], %parallel_loop3A_1229 {strides = array<i32>} : memref<200x128xf32, #tpu.memory_space<vmem>>, vector<16xf32>,
    } {sc.loop_unroll_factor = 2 : i64, sc.parallel_access}
    %add3A_537 = arith.constant 256 : i32
    %add3A_538 = arith.addi %mul3A_2, %add3A_537 : i32
    %dma_start3A_539 = arith.constant 0 : i32
    %dma_start3A_540 = arith.constant 0 : i32
    %dma_start3A_541 = arith.constant 0 : i32
    %dma_start3A_542 = tpu.memref_slice %arg10[%dma_start3A_540, %dma_start3A_541] : memref<200x128xf32, #tpu.memory_space<vmem>> -> memref<64x128xf32, #tpu.memory_space<vmem>>
    %dma_start3A_543 = arith.constant 0 : i32
    %dma_start3A_544 = tpu.memref_slice %arg4[%dma_start3A_539, %dma_start3A_543, %add3A_538] : memref<3x200x16384xf32, #tpu.memory_space<hbm>> -> memref<1x64x128xf32, #tpu.memory_space<hbm>>
    %dma_start3A_545 = tpu.memref_squeeze %dma_start3A_544 : memref<1x64x128xf32, #tpu.memory_space<hbm>> -> memref<64x128xf32, #tpu.memory_space<hbm>>
    %dma_start3A_546 = arith.constant 0 : i32
    %dma_start3A_547 = tpu.memref_slice %arg4[%dma_start3A_539, %dma_start3A_546, %add3A_538] : memref<3x200x16384xf32, #tpu.memory_space<hbm>> -> memref<1x64x128xf32, #tpu.memory_space<hbm>>
    %dma_start3A_548 = tpu.memref_squeeze %dma_start3A_547 : memref<1x64x128xf32, #tpu.memory_space<hbm>> -> memref<64x128xf32, #tpu.memory_space<hbm>>
    %dma_start3A_549 = arith.constant 0 : i32
    %dma_start3A_550 = arith.constant 0 : i32
    %dma_start3A_551 = tpu.memref_slice %arg10[%dma_start3A_549, %dma_start3A_550] : memref<200x128xf32, #tpu.memory_space<vmem>> -> memref<64x128xf32, #tpu.memory_space<vmem>>
    tpu.enqueue_dma source(%dma_start3A_551 : memref<64x128xf32, #tpu.memory_space<vmem>>) target(%dma_start3A_548 : memref<64x128xf32, #tpu.memory_space<hbm>>) target_semaphore(%arg15 : memref<!tpu.dma_semaphore, #tpu.memory_space<semaphore_mem>>)
    %add3A_552 = arith.constant 256 : i32
    %add3A_553 = arith.addi %mul3A_2, %add3A_552 : i32
    %dma_start3A_554 = arith.constant 1 : i32
    %dma_start3A_555 = arith.constant 0 : i32
    %dma_start3A_556 = arith.constant 0 : i32
    %dma_start3A_557 = tpu.memref_slice %arg11[%dma_start3A_555, %dma_start3A_556] : memref<200x128xf32, #tpu.memory_space<vmem>> -> memref<64x128xf32, #tpu.memory_space<vmem>>
    %dma_start3A_558 = arith.constant 0 : i32
    %dma_start3A_559 = tpu.memref_slice %arg4[%dma_start3A_554, %dma_start3A_558, %add3A_553] : memref<3x200x16384xf32, #tpu.memory_space<hbm>> -> memref<1x64x128xf32, #tpu.memory_space<hbm>>
    %dma_start3A_560 = tpu.memref_squeeze %dma_start3A_559 : memref<1x64x128xf32, #tpu.memory_space<hbm>> -> memref<64x128xf32, #tpu.memory_space<hbm>>
    %dma_start3A_561 = arith.constant 0 : i32
    %dma_start3A_562 = tpu.memref_slice %arg4[%dma_start3A_554, %dma_start3A_561, %add3A_553] : memref<3x200x16384xf32, #tpu.memory_space<hbm>> -> memref<1x64x128xf32, #tpu.memory_space<hbm>>
    %dma_start3A_563 = tpu.memref_squeeze %dma_start3A_562 : memref<1x64x128xf32, #tpu.memory_space<hbm>> -> memref<64x128xf32, #tpu.memory_space<hbm>>
    %dma_start3A_564 = arith.constant 0 : i32
    %dma_start3A_565 = arith.constant 0 : i32
    %dma_start3A_566 = tpu.memref_slice %arg11[%dma_start3A_564, %dma_start3A_565] : memref<200x128xf32, #tpu.memory_space<vmem>> -> memref<64x128xf32, #tpu.memory_space<vmem>>
    tpu.enqueue_dma source(%dma_start3A_566 : memref<64x128xf32, #tpu.memory_space<vmem>>) target(%dma_start3A_563 : memref<64x128xf32, #tpu.memory_space<hbm>>) target_semaphore(%arg15 : memref<!tpu.dma_semaphore, #tpu.memory_space<semaphore_mem>>)
    %add3A_567 = arith.constant 256 : i32
    %add3A_568 = arith.addi %mul3A_2, %add3A_567 : i32
    %dma_start3A_569 = arith.constant 2 : i32
    %dma_start3A_570 = arith.constant 0 : i32
    %dma_start3A_571 = arith.constant 0 : i32
    %dma_start3A_572 = tpu.memref_slice %arg12[%dma_start3A_570, %dma_start3A_571] : memref<200x128xf32, #tpu.memory_space<vmem>> -> memref<64x128xf32, #tpu.memory_space<vmem>>
    %dma_start3A_573 = arith.constant 0 : i32
    %dma_start3A_574 = tpu.memref_slice %arg4[%dma_start3A_569, %dma_start3A_573, %add3A_568] : memref<3x200x16384xf32, #tpu.memory_space<hbm>> -> memref<1x64x128xf32, #tpu.memory_space<hbm>>
    %dma_start3A_575 = tpu.memref_squeeze %dma_start3A_574 : memref<1x64x128xf32, #tpu.memory_space<hbm>> -> memref<64x128xf32, #tpu.memory_space<hbm>>
    %dma_start3A_576 = arith.constant 0 : i32
    %dma_start3A_577 = tpu.memref_slice %arg4[%dma_start3A_569, %dma_start3A_576, %add3A_568] : memref<3x200x16384xf32, #tpu.memory_space<hbm>> -> memref<1x64x128xf32, #tpu.memory_space<hbm>>
    %dma_start3A_578 = tpu.memref_squeeze %dma_start3A_577 : memref<1x64x128xf32, #tpu.memory_space<hbm>> -> memref<64x128xf32, #tpu.memory_space<hbm>>
    %dma_start3A_579 = arith.constant 0 : i32
    %dma_start3A_580 = arith.constant 0 : i32
    %dma_start3A_581 = tpu.memref_slice %arg12[%dma_start3A_579, %dma_start3A_580] : memref<200x128xf32, #tpu.memory_space<vmem>> -> memref<64x128xf32, #tpu.memory_space<vmem>>
    tpu.enqueue_dma source(%dma_start3A_581 : memref<64x128xf32, #tpu.memory_space<vmem>>) target(%dma_start3A_578 : memref<64x128xf32, #tpu.memory_space<hbm>>) target_semaphore(%arg15 : memref<!tpu.dma_semaphore, #tpu.memory_space<semaphore_mem>>)
    %add3A_582 = arith.constant 128 : i32
    %add3A_583 = arith.addi %mul3A_2, %add3A_582 : i32
    %dma_wait3A_584 = arith.constant 0 : i32
    %dma_wait3A_585 = arith.constant 64 : i32
    %dma_wait3A_586 = arith.constant 0 : i32
    %dma_wait3A_587 = tpu.memref_slice %arg10[%dma_wait3A_585, %dma_wait3A_586] : memref<200x128xf32, #tpu.memory_space<vmem>> -> memref<64x128xf32, #tpu.memory_space<vmem>>
    %dma_wait3A_588 = arith.constant 64 : i32
    %dma_wait3A_589 = tpu.memref_slice %arg4[%dma_wait3A_584, %dma_wait3A_588, %add3A_583] : memref<3x200x16384xf32, #tpu.memory_space<hbm>> -> memref<1x64x128xf32, #tpu.memory_space<hbm>>
    %dma_wait3A_590 = tpu.memref_squeeze %dma_wait3A_589 : memref<1x64x128xf32, #tpu.memory_space<hbm>> -> memref<64x128xf32, #tpu.memory_space<hbm>>
    %dma_wait3A_591 = arith.constant 64 : i32
    %dma_wait3A_592 = tpu.memref_slice %arg4[%dma_wait3A_584, %dma_wait3A_591, %add3A_583] : memref<3x200x16384xf32, #tpu.memory_space<hbm>> -> memref<1x64x128xf32, #tpu.memory_space<hbm>>
    %dma_wait3A_593 = tpu.memref_squeeze %dma_wait3A_592 : memref<1x64x128xf32, #tpu.memory_space<hbm>> -> memref<64x128xf32, #tpu.memory_space<hbm>>
    %dma_wait3A_594 = arith.constant 64 : i32
    %dma_wait3A_595 = arith.constant 0 : i32
    %dma_wait3A_596 = tpu.memref_slice %arg10[%dma_wait3A_594, %dma_wait3A_595] : memref<200x128xf32, #tpu.memory_space<vmem>> -> memref<64x128xf32, #tpu.memory_space<vmem>>
    tpu.wait_dma2 semaphore(%arg16 : memref<!tpu.dma_semaphore, #tpu.memory_space<semaphore_mem>>) src(%dma_wait3A_596 : memref<64x128xf32, #tpu.memory_space<vmem>>) dst(%dma_wait3A_593 : memref<64x128xf32, #tpu.memory_space<hbm>>)
    %add3A_597 = arith.constant 128 : i32
    %add3A_598 = arith.addi %mul3A_2, %add3A_597 : i32
    %dma_wait3A_599 = arith.constant 1 : i32
    %dma_wait3A_600 = arith.constant 64 : i32
    %dma_wait3A_601 = arith.constant 0 : i32
    %dma_wait3A_602 = tpu.memref_slice %arg11[%dma_wait3A_600, %dma_wait3A_601] : memref<200x128xf32, #tpu.memory_space<vmem>> -> memref<64x128xf32, #tpu.memory_space<vmem>>
    %dma_wait3A_603 = arith.constant 64 : i32
    %dma_wait3A_604 = tpu.memref_slice %arg4[%dma_wait3A_599, %dma_wait3A_603, %add3A_598] : memref<3x200x16384xf32, #tpu.memory_space<hbm>> -> memref<1x64x128xf32, #tpu.memory_space<hbm>>
    %dma_wait3A_605 = tpu.memref_squeeze %dma_wait3A_604 : memref<1x64x128xf32, #tpu.memory_space<hbm>> -> memref<64x128xf32, #tpu.memory_space<hbm>>
    %dma_wait3A_606 = arith.constant 64 : i32
    %dma_wait3A_607 = tpu.memref_slice %arg4[%dma_wait3A_599, %dma_wait3A_606, %add3A_598] : memref<3x200x16384xf32, #tpu.memory_space<hbm>> -> memref<1x64x128xf32, #tpu.memory_space<hbm>>
    %dma_wait3A_608 = tpu.memref_squeeze %dma_wait3A_607 : memref<1x64x128xf32, #tpu.memory_space<hbm>> -> memref<64x128xf32, #tpu.memory_space<hbm>>
    %dma_wait3A_609 = arith.constant 64 : i32
    %dma_wait3A_610 = arith.constant 0 : i32
    %dma_wait3A_611 = tpu.memref_slice %arg11[%dma_wait3A_609, %dma_wait3A_610] : memref<200x128xf32, #tpu.memory_space<vmem>> -> memref<64x128xf32, #tpu.memory_space<vmem>>
    tpu.wait_dma2 semaphore(%arg16 : memref<!tpu.dma_semaphore, #tpu.memory_space<semaphore_mem>>) src(%dma_wait3A_611 : memref<64x128xf32, #tpu.memory_space<vmem>>) dst(%dma_wait3A_608 : memref<64x128xf32, #tpu.memory_space<hbm>>)
    %add3A_612 = arith.constant 128 : i32
    %add3A_613 = arith.addi %mul3A_2, %add3A_612 : i32
    %dma_wait3A_614 = arith.constant 2 : i32
    %dma_wait3A_615 = arith.constant 64 : i32
    %dma_wait3A_616 = arith.constant 0 : i32
    %dma_wait3A_617 = tpu.memref_slice %arg12[%dma_wait3A_615, %dma_wait3A_616] : memref<200x128xf32, #tpu.memory_space<vmem>> -> memref<64x128xf32, #tpu.memory_space<vmem>>
    %dma_wait3A_618 = arith.constant 64 : i32
    %dma_wait3A_619 = tpu.memref_slice %arg4[%dma_wait3A_614, %dma_wait3A_618, %add3A_613] : memref<3x200x16384xf32, #tpu.memory_space<hbm>> -> memref<1x64x128xf32, #tpu.memory_space<hbm>>
    %dma_wait3A_620 = tpu.memref_squeeze %dma_wait3A_619 : memref<1x64x128xf32, #tpu.memory_space<hbm>> -> memref<64x128xf32, #tpu.memory_space<hbm>>
    %dma_wait3A_621 = arith.constant 64 : i32
    %dma_wait3A_622 = tpu.memref_slice %arg4[%dma_wait3A_614, %dma_wait3A_621, %add3A_613] : memref<3x200x16384xf32, #tpu.memory_space<hbm>> -> memref<1x64x128xf32, #tpu.memory_space<hbm>>
    %dma_wait3A_623 = tpu.memref_squeeze %dma_wait3A_622 : memref<1x64x128xf32, #tpu.memory_space<hbm>> -> memref<64x128xf32, #tpu.memory_space<hbm>>
    %dma_wait3A_624 = arith.constant 64 : i32
    %dma_wait3A_625 = arith.constant 0 : i32
    %dma_wait3A_626 = tpu.memref_slice %arg12[%dma_wait3A_624, %dma_wait3A_625] : memref<200x128xf32, #tpu.memory_space<vmem>> -> memref<64x128xf32, #tpu.memory_space<vmem>>
    tpu.wait_dma2 semaphore(%arg16 : memref<!tpu.dma_semaphore, #tpu.memory_space<semaphore_mem>>) src(%dma_wait3A_626 : memref<64x128xf32, #tpu.memory_space<vmem>>) dst(%dma_wait3A_623 : memref<64x128xf32, #tpu.memory_space<hbm>>)
    %parallel_loop3A_627 = arith.constant 512 : i32
    %parallel_loop3A_628 = arith.constant 1024 : i32
    %parallel_loop3A_629 = arith.constant 1 : i32
    scf.for %parallel_loop3A_1188 = %parallel_loop3A_627 to %parallel_loop3A_628 step %parallel_loop3A_629  : i32 {
      %parallel_loop3A_1189 = arith.constant 8 : i32
      %parallel_loop3A_1190 = arith.divsi %parallel_loop3A_1188, %parallel_loop3A_1189 : i32
      %parallel_loop3A_1191 = arith.constant 0 : i32
      %parallel_loop3A_1192 = arith.cmpi sgt, %parallel_loop3A_1188, %parallel_loop3A_1191 : i32
      %parallel_loop3A_1193 = arith.extui %parallel_loop3A_1192 : i1 to i32
      %parallel_loop3A_1194 = arith.constant 0 : i32
      %parallel_loop3A_1195 = arith.cmpi slt, %parallel_loop3A_1188, %parallel_loop3A_1194 : i32
      %parallel_loop3A_1196 = arith.extui %parallel_loop3A_1195 : i1 to i32
      %parallel_loop3A_1197 = arith.subi %parallel_loop3A_1193, %parallel_loop3A_1196 : i32
      %parallel_loop3A_1198 = arith.constant 0 : i32
      %parallel_loop3A_1199 = arith.cmpi sgt, %parallel_loop3A_1189, %parallel_loop3A_1198 : i32
      %parallel_loop3A_1200 = arith.extui %parallel_loop3A_1199 : i1 to i32
      %parallel_loop3A_1201 = arith.constant 0 : i32
      %parallel_loop3A_1202 = arith.cmpi slt, %parallel_loop3A_1189, %parallel_loop3A_1201 : i32
      %parallel_loop3A_1203 = arith.extui %parallel_loop3A_1202 : i1 to i32
      %parallel_loop3A_1204 = arith.subi %parallel_loop3A_1200, %parallel_loop3A_1203 : i32
      %parallel_loop3A_1205 = arith.cmpi ne, %parallel_loop3A_1197, %parallel_loop3A_1204 : i32
      %parallel_loop3A_1206 = arith.remsi %parallel_loop3A_1188, %parallel_loop3A_1189 : i32
      %parallel_loop3A_1207 = arith.constant 0 : i32
      %parallel_loop3A_1208 = arith.cmpi ne, %parallel_loop3A_1206, %parallel_loop3A_1207 : i32
      %parallel_loop3A_1209 = arith.andi %parallel_loop3A_1205, %parallel_loop3A_1208 : i1
      %parallel_loop3A_1210 = arith.constant 1 : i32
      %parallel_loop3A_1211 = arith.subi %parallel_loop3A_1190, %parallel_loop3A_1210 : i32
      %parallel_loop3A_1212 = arith.select %parallel_loop3A_1209, %parallel_loop3A_1211, %parallel_loop3A_1190 : i32
      %parallel_loop3A_1213 = arith.constant 8 : i32
      %parallel_loop3A_1214 = arith.muli %parallel_loop3A_1212, %parallel_loop3A_1213 : i32
      %parallel_loop3A_1215 = arith.subi %parallel_loop3A_1188, %parallel_loop3A_1214 : i32
      %parallel_loop3A_1216 = arith.constant 16 : i32
      %parallel_loop3A_1217 = arith.muli %parallel_loop3A_1215, %parallel_loop3A_1216 : i32
      %parallel_loop3A_1218 = arith.index_cast %parallel_loop3A_1212 : i32 to index
      %parallel_loop3A_1219 = arith.index_cast %parallel_loop3A_1217 : i32 to index
      %parallel_loop3A_1220 = tpu.vector_load %arg8[%parallel_loop3A_1218, %parallel_loop3A_1219] {strides = array<i32>} : memref<200x128xi32, #tpu.memory_space<vmem>>, vector<16xi32>,
      %parallel_loop3A_1221 = tpu.vector_load_idx %arg5[%parallel_loop3A_1220] : memref<16xf32, #tpu.memory_space<vmem>>[vector<16xi32>], vector<16xf32>,
      %parallel_loop3A_1222 = arith.index_cast %parallel_loop3A_1212 : i32 to index
      %parallel_loop3A_1223 = arith.index_cast %parallel_loop3A_1217 : i32 to index
      %parallel_loop3A_1224 = tpu.vector_load %arg10[%parallel_loop3A_1222, %parallel_loop3A_1223] {strides = array<i32>} : memref<200x128xf32, #tpu.memory_space<vmem>>, vector<16xf32>,
      tpu.vector_store %arg10[%parallel_loop3A_1222, %parallel_loop3A_1223], %parallel_loop3A_1221 {strides = array<i32>} : memref<200x128xf32, #tpu.memory_space<vmem>>, vector<16xf32>,
      %parallel_loop3A_1225 = tpu.vector_load_idx %arg6[%parallel_loop3A_1220] : memref<16xf32, #tpu.memory_space<vmem>>[vector<16xi32>], vector<16xf32>,
      %parallel_loop3A_1226 = arith.index_cast %parallel_loop3A_1212 : i32 to index
      %parallel_loop3A_1227 = arith.index_cast %parallel_loop3A_1217 : i32 to index
      %parallel_loop3A_1228 = tpu.vector_load %arg11[%parallel_loop3A_1226, %parallel_loop3A_1227] {strides = array<i32>} : memref<200x128xf32, #tpu.memory_space<vmem>>, vector<16xf32>,
      tpu.vector_store %arg11[%parallel_loop3A_1226, %parallel_loop3A_1227], %parallel_loop3A_1225 {strides = array<i32>} : memref<200x128xf32, #tpu.memory_space<vmem>>, vector<16xf32>,
      %parallel_loop3A_1229 = tpu.vector_load_idx %arg7[%parallel_loop3A_1220] : memref<16xf32, #tpu.memory_space<vmem>>[vector<16xi32>], vector<16xf32>,
      %parallel_loop3A_1230 = arith.index_cast %parallel_loop3A_1212 : i32 to index
      %parallel_loop3A_1231 = arith.index_cast %parallel_loop3A_1217 : i32 to index
      %parallel_loop3A_1232 = tpu.vector_load %arg12[%parallel_loop3A_1230, %parallel_loop3A_1231] {strides = array<i32>} : memref<200x128xf32, #tpu.memory_space<vmem>>, vector<16xf32>,
      tpu.vector_store %arg12[%parallel_loop3A_1230, %parallel_loop3A_1231], %parallel_loop3A_1229 {strides = array<i32>} : memref<200x128xf32, #tpu.memory_space<vmem>>, vector<16xf32>,
    } {sc.loop_unroll_factor = 2 : i64, sc.parallel_access}
    %add3A_630 = arith.constant 256 : i32
    %add3A_631 = arith.addi %mul3A_2, %add3A_630 : i32
    %dma_start3A_632 = arith.constant 0 : i32
    %dma_start3A_633 = arith.constant 64 : i32
    %dma_start3A_634 = arith.constant 0 : i32
    %dma_start3A_635 = tpu.memref_slice %arg10[%dma_start3A_633, %dma_start3A_634] : memref<200x128xf32, #tpu.memory_space<vmem>> -> memref<64x128xf32, #tpu.memory_space<vmem>>
    %dma_start3A_636 = arith.constant 64 : i32
    %dma_start3A_637 = tpu.memref_slice %arg4[%dma_start3A_632, %dma_start3A_636, %add3A_631] : memref<3x200x16384xf32, #tpu.memory_space<hbm>> -> memref<1x64x128xf32, #tpu.memory_space<hbm>>
    %dma_start3A_638 = tpu.memref_squeeze %dma_start3A_637 : memref<1x64x128xf32, #tpu.memory_space<hbm>> -> memref<64x128xf32, #tpu.memory_space<hbm>>
    %dma_start3A_639 = arith.constant 64 : i32
    %dma_start3A_640 = tpu.memref_slice %arg4[%dma_start3A_632, %dma_start3A_639, %add3A_631] : memref<3x200x16384xf32, #tpu.memory_space<hbm>> -> memref<1x64x128xf32, #tpu.memory_space<hbm>>
    %dma_start3A_641 = tpu.memref_squeeze %dma_start3A_640 : memref<1x64x128xf32, #tpu.memory_space<hbm>> -> memref<64x128xf32, #tpu.memory_space<hbm>>
    %dma_start3A_642 = arith.constant 64 : i32
    %dma_start3A_643 = arith.constant 0 : i32
    %dma_start3A_644 = tpu.memref_slice %arg10[%dma_start3A_642, %dma_start3A_643] : memref<200x128xf32, #tpu.memory_space<vmem>> -> memref<64x128xf32, #tpu.memory_space<vmem>>
    tpu.enqueue_dma source(%dma_start3A_644 : memref<64x128xf32, #tpu.memory_space<vmem>>) target(%dma_start3A_641 : memref<64x128xf32, #tpu.memory_space<hbm>>) target_semaphore(%arg16 : memref<!tpu.dma_semaphore, #tpu.memory_space<semaphore_mem>>)
    %add3A_645 = arith.constant 256 : i32
    %add3A_646 = arith.addi %mul3A_2, %add3A_645 : i32
    %dma_start3A_647 = arith.constant 1 : i32
    %dma_start3A_648 = arith.constant 64 : i32
    %dma_start3A_649 = arith.constant 0 : i32
    %dma_start3A_650 = tpu.memref_slice %arg11[%dma_start3A_648, %dma_start3A_649] : memref<200x128xf32, #tpu.memory_space<vmem>> -> memref<64x128xf32, #tpu.memory_space<vmem>>
    %dma_start3A_651 = arith.constant 64 : i32
    %dma_start3A_652 = tpu.memref_slice %arg4[%dma_start3A_647, %dma_start3A_651, %add3A_646] : memref<3x200x16384xf32, #tpu.memory_space<hbm>> -> memref<1x64x128xf32, #tpu.memory_space<hbm>>
    %dma_start3A_653 = tpu.memref_squeeze %dma_start3A_652 : memref<1x64x128xf32, #tpu.memory_space<hbm>> -> memref<64x128xf32, #tpu.memory_space<hbm>>
    %dma_start3A_654 = arith.constant 64 : i32
    %dma_start3A_655 = tpu.memref_slice %arg4[%dma_start3A_647, %dma_start3A_654, %add3A_646] : memref<3x200x16384xf32, #tpu.memory_space<hbm>> -> memref<1x64x128xf32, #tpu.memory_space<hbm>>
    %dma_start3A_656 = tpu.memref_squeeze %dma_start3A_655 : memref<1x64x128xf32, #tpu.memory_space<hbm>> -> memref<64x128xf32, #tpu.memory_space<hbm>>
    %dma_start3A_657 = arith.constant 64 : i32
    %dma_start3A_658 = arith.constant 0 : i32
    %dma_start3A_659 = tpu.memref_slice %arg11[%dma_start3A_657, %dma_start3A_658] : memref<200x128xf32, #tpu.memory_space<vmem>> -> memref<64x128xf32, #tpu.memory_space<vmem>>
    tpu.enqueue_dma source(%dma_start3A_659 : memref<64x128xf32, #tpu.memory_space<vmem>>) target(%dma_start3A_656 : memref<64x128xf32, #tpu.memory_space<hbm>>) target_semaphore(%arg16 : memref<!tpu.dma_semaphore, #tpu.memory_space<semaphore_mem>>)
    %add3A_660 = arith.constant 256 : i32
    %add3A_661 = arith.addi %mul3A_2, %add3A_660 : i32
    %dma_start3A_662 = arith.constant 2 : i32
    %dma_start3A_663 = arith.constant 64 : i32
    %dma_start3A_664 = arith.constant 0 : i32
    %dma_start3A_665 = tpu.memref_slice %arg12[%dma_start3A_663, %dma_start3A_664] : memref<200x128xf32, #tpu.memory_space<vmem>> -> memref<64x128xf32, #tpu.memory_space<vmem>>
    %dma_start3A_666 = arith.constant 64 : i32
    %dma_start3A_667 = tpu.memref_slice %arg4[%dma_start3A_662, %dma_start3A_666, %add3A_661] : memref<3x200x16384xf32, #tpu.memory_space<hbm>> -> memref<1x64x128xf32, #tpu.memory_space<hbm>>
    %dma_start3A_668 = tpu.memref_squeeze %dma_start3A_667 : memref<1x64x128xf32, #tpu.memory_space<hbm>> -> memref<64x128xf32, #tpu.memory_space<hbm>>
    %dma_start3A_669 = arith.constant 64 : i32
    %dma_start3A_670 = tpu.memref_slice %arg4[%dma_start3A_662, %dma_start3A_669, %add3A_661] : memref<3x200x16384xf32, #tpu.memory_space<hbm>> -> memref<1x64x128xf32, #tpu.memory_space<hbm>>
    %dma_start3A_671 = tpu.memref_squeeze %dma_start3A_670 : memref<1x64x128xf32, #tpu.memory_space<hbm>> -> memref<64x128xf32, #tpu.memory_space<hbm>>
    %dma_start3A_672 = arith.constant 64 : i32
    %dma_start3A_673 = arith.constant 0 : i32
    %dma_start3A_674 = tpu.memref_slice %arg12[%dma_start3A_672, %dma_start3A_673] : memref<200x128xf32, #tpu.memory_space<vmem>> -> memref<64x128xf32, #tpu.memory_space<vmem>>
    tpu.enqueue_dma source(%dma_start3A_674 : memref<64x128xf32, #tpu.memory_space<vmem>>) target(%dma_start3A_671 : memref<64x128xf32, #tpu.memory_space<hbm>>) target_semaphore(%arg16 : memref<!tpu.dma_semaphore, #tpu.memory_space<semaphore_mem>>)
    %add3A_675 = arith.constant 128 : i32
    %add3A_676 = arith.addi %mul3A_2, %add3A_675 : i32
    %dma_wait3A_677 = arith.constant 0 : i32
    %dma_wait3A_678 = arith.constant 128 : i32
    %dma_wait3A_679 = arith.constant 0 : i32
    %dma_wait3A_680 = tpu.memref_slice %arg10[%dma_wait3A_678, %dma_wait3A_679] : memref<200x128xf32, #tpu.memory_space<vmem>> -> memref<72x128xf32, #tpu.memory_space<vmem>>
    %dma_wait3A_681 = arith.constant 128 : i32
    %dma_wait3A_682 = tpu.memref_slice %arg4[%dma_wait3A_677, %dma_wait3A_681, %add3A_676] : memref<3x200x16384xf32, #tpu.memory_space<hbm>> -> memref<1x72x128xf32, #tpu.memory_space<hbm>>
    %dma_wait3A_683 = tpu.memref_squeeze %dma_wait3A_682 : memref<1x72x128xf32, #tpu.memory_space<hbm>> -> memref<72x128xf32, #tpu.memory_space<hbm>>
    %dma_wait3A_684 = arith.constant 128 : i32
    %dma_wait3A_685 = tpu.memref_slice %arg4[%dma_wait3A_677, %dma_wait3A_684, %add3A_676] : memref<3x200x16384xf32, #tpu.memory_space<hbm>> -> memref<1x72x128xf32, #tpu.memory_space<hbm>>
    %dma_wait3A_686 = tpu.memref_squeeze %dma_wait3A_685 : memref<1x72x128xf32, #tpu.memory_space<hbm>> -> memref<72x128xf32, #tpu.memory_space<hbm>>
    %dma_wait3A_687 = arith.constant 128 : i32
    %dma_wait3A_688 = arith.constant 0 : i32
    %dma_wait3A_689 = tpu.memref_slice %arg10[%dma_wait3A_687, %dma_wait3A_688] : memref<200x128xf32, #tpu.memory_space<vmem>> -> memref<72x128xf32, #tpu.memory_space<vmem>>
    tpu.wait_dma2 semaphore(%arg17 : memref<!tpu.dma_semaphore, #tpu.memory_space<semaphore_mem>>) src(%dma_wait3A_689 : memref<72x128xf32, #tpu.memory_space<vmem>>) dst(%dma_wait3A_686 : memref<72x128xf32, #tpu.memory_space<hbm>>)
    %add3A_690 = arith.constant 128 : i32
    %add3A_691 = arith.addi %mul3A_2, %add3A_690 : i32
    %dma_wait3A_692 = arith.constant 1 : i32
    %dma_wait3A_693 = arith.constant 128 : i32
    %dma_wait3A_694 = arith.constant 0 : i32
    %dma_wait3A_695 = tpu.memref_slice %arg11[%dma_wait3A_693, %dma_wait3A_694] : memref<200x128xf32, #tpu.memory_space<vmem>> -> memref<72x128xf32, #tpu.memory_space<vmem>>
    %dma_wait3A_696 = arith.constant 128 : i32
    %dma_wait3A_697 = tpu.memref_slice %arg4[%dma_wait3A_692, %dma_wait3A_696, %add3A_691] : memref<3x200x16384xf32, #tpu.memory_space<hbm>> -> memref<1x72x128xf32, #tpu.memory_space<hbm>>
    %dma_wait3A_698 = tpu.memref_squeeze %dma_wait3A_697 : memref<1x72x128xf32, #tpu.memory_space<hbm>> -> memref<72x128xf32, #tpu.memory_space<hbm>>
    %dma_wait3A_699 = arith.constant 128 : i32
    %dma_wait3A_700 = tpu.memref_slice %arg4[%dma_wait3A_692, %dma_wait3A_699, %add3A_691] : memref<3x200x16384xf32, #tpu.memory_space<hbm>> -> memref<1x72x128xf32, #tpu.memory_space<hbm>>
    %dma_wait3A_701 = tpu.memref_squeeze %dma_wait3A_700 : memref<1x72x128xf32, #tpu.memory_space<hbm>> -> memref<72x128xf32, #tpu.memory_space<hbm>>
    %dma_wait3A_702 = arith.constant 128 : i32
    %dma_wait3A_703 = arith.constant 0 : i32
    %dma_wait3A_704 = tpu.memref_slice %arg11[%dma_wait3A_702, %dma_wait3A_703] : memref<200x128xf32, #tpu.memory_space<vmem>> -> memref<72x128xf32, #tpu.memory_space<vmem>>
    tpu.wait_dma2 semaphore(%arg17 : memref<!tpu.dma_semaphore, #tpu.memory_space<semaphore_mem>>) src(%dma_wait3A_704 : memref<72x128xf32, #tpu.memory_space<vmem>>) dst(%dma_wait3A_701 : memref<72x128xf32, #tpu.memory_space<hbm>>)
    %add3A_705 = arith.constant 128 : i32
    %add3A_706 = arith.addi %mul3A_2, %add3A_705 : i32
    %dma_wait3A_707 = arith.constant 2 : i32
    %dma_wait3A_708 = arith.constant 128 : i32
    %dma_wait3A_709 = arith.constant 0 : i32
    %dma_wait3A_710 = tpu.memref_slice %arg12[%dma_wait3A_708, %dma_wait3A_709] : memref<200x128xf32, #tpu.memory_space<vmem>> -> memref<72x128xf32, #tpu.memory_space<vmem>>
    %dma_wait3A_711 = arith.constant 128 : i32
    %dma_wait3A_712 = tpu.memref_slice %arg4[%dma_wait3A_707, %dma_wait3A_711, %add3A_706] : memref<3x200x16384xf32, #tpu.memory_space<hbm>> -> memref<1x72x128xf32, #tpu.memory_space<hbm>>
    %dma_wait3A_713 = tpu.memref_squeeze %dma_wait3A_712 : memref<1x72x128xf32, #tpu.memory_space<hbm>> -> memref<72x128xf32, #tpu.memory_space<hbm>>
    %dma_wait3A_714 = arith.constant 128 : i32
    %dma_wait3A_715 = tpu.memref_slice %arg4[%dma_wait3A_707, %dma_wait3A_714, %add3A_706] : memref<3x200x16384xf32, #tpu.memory_space<hbm>> -> memref<1x72x128xf32, #tpu.memory_space<hbm>>
    %dma_wait3A_716 = tpu.memref_squeeze %dma_wait3A_715 : memref<1x72x128xf32, #tpu.memory_space<hbm>> -> memref<72x128xf32, #tpu.memory_space<hbm>>
    %dma_wait3A_717 = arith.constant 128 : i32
    %dma_wait3A_718 = arith.constant 0 : i32
    %dma_wait3A_719 = tpu.memref_slice %arg12[%dma_wait3A_717, %dma_wait3A_718] : memref<200x128xf32, #tpu.memory_space<vmem>> -> memref<72x128xf32, #tpu.memory_space<vmem>>
    tpu.wait_dma2 semaphore(%arg17 : memref<!tpu.dma_semaphore, #tpu.memory_space<semaphore_mem>>) src(%dma_wait3A_719 : memref<72x128xf32, #tpu.memory_space<vmem>>) dst(%dma_wait3A_716 : memref<72x128xf32, #tpu.memory_space<hbm>>)
    %parallel_loop3A_720 = arith.constant 1024 : i32
    %parallel_loop3A_721 = arith.constant 1600 : i32
    %parallel_loop3A_722 = arith.constant 1 : i32
    scf.for %parallel_loop3A_1188 = %parallel_loop3A_720 to %parallel_loop3A_721 step %parallel_loop3A_722  : i32 {
      %parallel_loop3A_1189 = arith.constant 8 : i32
      %parallel_loop3A_1190 = arith.divsi %parallel_loop3A_1188, %parallel_loop3A_1189 : i32
      %parallel_loop3A_1191 = arith.constant 0 : i32
      %parallel_loop3A_1192 = arith.cmpi sgt, %parallel_loop3A_1188, %parallel_loop3A_1191 : i32
      %parallel_loop3A_1193 = arith.extui %parallel_loop3A_1192 : i1 to i32
      %parallel_loop3A_1194 = arith.constant 0 : i32
      %parallel_loop3A_1195 = arith.cmpi slt, %parallel_loop3A_1188, %parallel_loop3A_1194 : i32
      %parallel_loop3A_1196 = arith.extui %parallel_loop3A_1195 : i1 to i32
      %parallel_loop3A_1197 = arith.subi %parallel_loop3A_1193, %parallel_loop3A_1196 : i32
      %parallel_loop3A_1198 = arith.constant 0 : i32
      %parallel_loop3A_1199 = arith.cmpi sgt, %parallel_loop3A_1189, %parallel_loop3A_1198 : i32
      %parallel_loop3A_1200 = arith.extui %parallel_loop3A_1199 : i1 to i32
      %parallel_loop3A_1201 = arith.constant 0 : i32
      %parallel_loop3A_1202 = arith.cmpi slt, %parallel_loop3A_1189, %parallel_loop3A_1201 : i32
      %parallel_loop3A_1203 = arith.extui %parallel_loop3A_1202 : i1 to i32
      %parallel_loop3A_1204 = arith.subi %parallel_loop3A_1200, %parallel_loop3A_1203 : i32
      %parallel_loop3A_1205 = arith.cmpi ne, %parallel_loop3A_1197, %parallel_loop3A_1204 : i32
      %parallel_loop3A_1206 = arith.remsi %parallel_loop3A_1188, %parallel_loop3A_1189 : i32
      %parallel_loop3A_1207 = arith.constant 0 : i32
      %parallel_loop3A_1208 = arith.cmpi ne, %parallel_loop3A_1206, %parallel_loop3A_1207 : i32
      %parallel_loop3A_1209 = arith.andi %parallel_loop3A_1205, %parallel_loop3A_1208 : i1
      %parallel_loop3A_1210 = arith.constant 1 : i32
      %parallel_loop3A_1211 = arith.subi %parallel_loop3A_1190, %parallel_loop3A_1210 : i32
      %parallel_loop3A_1212 = arith.select %parallel_loop3A_1209, %parallel_loop3A_1211, %parallel_loop3A_1190 : i32
      %parallel_loop3A_1213 = arith.constant 8 : i32
      %parallel_loop3A_1214 = arith.muli %parallel_loop3A_1212, %parallel_loop3A_1213 : i32
      %parallel_loop3A_1215 = arith.subi %parallel_loop3A_1188, %parallel_loop3A_1214 : i32
      %parallel_loop3A_1216 = arith.constant 16 : i32
      %parallel_loop3A_1217 = arith.muli %parallel_loop3A_1215, %parallel_loop3A_1216 : i32
      %parallel_loop3A_1218 = arith.index_cast %parallel_loop3A_1212 : i32 to index
      %parallel_loop3A_1219 = arith.index_cast %parallel_loop3A_1217 : i32 to index
      %parallel_loop3A_1220 = tpu.vector_load %arg8[%parallel_loop3A_1218, %parallel_loop3A_1219] {strides = array<i32>} : memref<200x128xi32, #tpu.memory_space<vmem>>, vector<16xi32>,
      %parallel_loop3A_1221 = tpu.vector_load_idx %arg5[%parallel_loop3A_1220] : memref<16xf32, #tpu.memory_space<vmem>>[vector<16xi32>], vector<16xf32>,
      %parallel_loop3A_1222 = arith.index_cast %parallel_loop3A_1212 : i32 to index
      %parallel_loop3A_1223 = arith.index_cast %parallel_loop3A_1217 : i32 to index
      %parallel_loop3A_1224 = tpu.vector_load %arg10[%parallel_loop3A_1222, %parallel_loop3A_1223] {strides = array<i32>} : memref<200x128xf32, #tpu.memory_space<vmem>>, vector<16xf32>,
      tpu.vector_store %arg10[%parallel_loop3A_1222, %parallel_loop3A_1223], %parallel_loop3A_1221 {strides = array<i32>} : memref<200x128xf32, #tpu.memory_space<vmem>>, vector<16xf32>,
      %parallel_loop3A_1225 = tpu.vector_load_idx %arg6[%parallel_loop3A_1220] : memref<16xf32, #tpu.memory_space<vmem>>[vector<16xi32>], vector<16xf32>,
      %parallel_loop3A_1226 = arith.index_cast %parallel_loop3A_1212 : i32 to index
      %parallel_loop3A_1227 = arith.index_cast %parallel_loop3A_1217 : i32 to index
      %parallel_loop3A_1228 = tpu.vector_load %arg11[%parallel_loop3A_1226, %parallel_loop3A_1227] {strides = array<i32>} : memref<200x128xf32, #tpu.memory_space<vmem>>, vector<16xf32>,
      tpu.vector_store %arg11[%parallel_loop3A_1226, %parallel_loop3A_1227], %parallel_loop3A_1225 {strides = array<i32>} : memref<200x128xf32, #tpu.memory_space<vmem>>, vector<16xf32>,
      %parallel_loop3A_1229 = tpu.vector_load_idx %arg7[%parallel_loop3A_1220] : memref<16xf32, #tpu.memory_space<vmem>>[vector<16xi32>], vector<16xf32>,
      %parallel_loop3A_1230 = arith.index_cast %parallel_loop3A_1212 : i32 to index
      %parallel_loop3A_1231 = arith.index_cast %parallel_loop3A_1217 : i32 to index
      %parallel_loop3A_1232 = tpu.vector_load %arg12[%parallel_loop3A_1230, %parallel_loop3A_1231] {strides = array<i32>} : memref<200x128xf32, #tpu.memory_space<vmem>>, vector<16xf32>,
      tpu.vector_store %arg12[%parallel_loop3A_1230, %parallel_loop3A_1231], %parallel_loop3A_1229 {strides = array<i32>} : memref<200x128xf32, #tpu.memory_space<vmem>>, vector<16xf32>,
    } {sc.loop_unroll_factor = 2 : i64, sc.parallel_access}
    %add3A_723 = arith.constant 256 : i32
    %add3A_724 = arith.addi %mul3A_2, %add3A_723 : i32
    %dma_start3A_725 = arith.constant 0 : i32
    %dma_start3A_726 = arith.constant 128 : i32
    %dma_start3A_727 = arith.constant 0 : i32
    %dma_start3A_728 = tpu.memref_slice %arg10[%dma_start3A_726, %dma_start3A_727] : memref<200x128xf32, #tpu.memory_space<vmem>> -> memref<72x128xf32, #tpu.memory_space<vmem>>
    %dma_start3A_729 = arith.constant 128 : i32
    %dma_start3A_730 = tpu.memref_slice %arg4[%dma_start3A_725, %dma_start3A_729, %add3A_724] : memref<3x200x16384xf32, #tpu.memory_space<hbm>> -> memref<1x72x128xf32, #tpu.memory_space<hbm>>
    %dma_start3A_731 = tpu.memref_squeeze %dma_start3A_730 : memref<1x72x128xf32, #tpu.memory_space<hbm>> -> memref<72x128xf32, #tpu.memory_space<hbm>>
    %dma_start3A_732 = arith.constant 128 : i32
    %dma_start3A_733 = tpu.memref_slice %arg4[%dma_start3A_725, %dma_start3A_732, %add3A_724] : memref<3x200x16384xf32, #tpu.memory_space<hbm>> -> memref<1x72x128xf32, #tpu.memory_space<hbm>>
    %dma_start3A_734 = tpu.memref_squeeze %dma_start3A_733 : memref<1x72x128xf32, #tpu.memory_space<hbm>> -> memref<72x128xf32, #tpu.memory_space<hbm>>
    %dma_start3A_735 = arith.constant 128 : i32
    %dma_start3A_736 = arith.constant 0 : i32
    %dma_start3A_737 = tpu.memref_slice %arg10[%dma_start3A_735, %dma_start3A_736] : memref<200x128xf32, #tpu.memory_space<vmem>> -> memref<72x128xf32, #tpu.memory_space<vmem>>
    tpu.enqueue_dma source(%dma_start3A_737 : memref<72x128xf32, #tpu.memory_space<vmem>>) target(%dma_start3A_734 : memref<72x128xf32, #tpu.memory_space<hbm>>) target_semaphore(%arg17 : memref<!tpu.dma_semaphore, #tpu.memory_space<semaphore_mem>>)
    %add3A_738 = arith.constant 256 : i32
    %add3A_739 = arith.addi %mul3A_2, %add3A_738 : i32
    %dma_start3A_740 = arith.constant 1 : i32
    %dma_start3A_741 = arith.constant 128 : i32
    %dma_start3A_742 = arith.constant 0 : i32
    %dma_start3A_743 = tpu.memref_slice %arg11[%dma_start3A_741, %dma_start3A_742] : memref<200x128xf32, #tpu.memory_space<vmem>> -> memref<72x128xf32, #tpu.memory_space<vmem>>
    %dma_start3A_744 = arith.constant 128 : i32
    %dma_start3A_745 = tpu.memref_slice %arg4[%dma_start3A_740, %dma_start3A_744, %add3A_739] : memref<3x200x16384xf32, #tpu.memory_space<hbm>> -> memref<1x72x128xf32, #tpu.memory_space<hbm>>
    %dma_start3A_746 = tpu.memref_squeeze %dma_start3A_745 : memref<1x72x128xf32, #tpu.memory_space<hbm>> -> memref<72x128xf32, #tpu.memory_space<hbm>>
    %dma_start3A_747 = arith.constant 128 : i32
    %dma_start3A_748 = tpu.memref_slice %arg4[%dma_start3A_740, %dma_start3A_747, %add3A_739] : memref<3x200x16384xf32, #tpu.memory_space<hbm>> -> memref<1x72x128xf32, #tpu.memory_space<hbm>>
    %dma_start3A_749 = tpu.memref_squeeze %dma_start3A_748 : memref<1x72x128xf32, #tpu.memory_space<hbm>> -> memref<72x128xf32, #tpu.memory_space<hbm>>
    %dma_start3A_750 = arith.constant 128 : i32
    %dma_start3A_751 = arith.constant 0 : i32
    %dma_start3A_752 = tpu.memref_slice %arg11[%dma_start3A_750, %dma_start3A_751] : memref<200x128xf32, #tpu.memory_space<vmem>> -> memref<72x128xf32, #tpu.memory_space<vmem>>
    tpu.enqueue_dma source(%dma_start3A_752 : memref<72x128xf32, #tpu.memory_space<vmem>>) target(%dma_start3A_749 : memref<72x128xf32, #tpu.memory_space<hbm>>) target_semaphore(%arg17 : memref<!tpu.dma_semaphore, #tpu.memory_space<semaphore_mem>>)
    %add3A_753 = arith.constant 256 : i32
    %add3A_754 = arith.addi %mul3A_2, %add3A_753 : i32
    %dma_start3A_755 = arith.constant 2 : i32
    %dma_start3A_756 = arith.constant 128 : i32
    %dma_start3A_757 = arith.constant 0 : i32
    %dma_start3A_758 = tpu.memref_slice %arg12[%dma_start3A_756, %dma_start3A_757] : memref<200x128xf32, #tpu.memory_space<vmem>> -> memref<72x128xf32, #tpu.memory_space<vmem>>
    %dma_start3A_759 = arith.constant 128 : i32
    %dma_start3A_760 = tpu.memref_slice %arg4[%dma_start3A_755, %dma_start3A_759, %add3A_754] : memref<3x200x16384xf32, #tpu.memory_space<hbm>> -> memref<1x72x128xf32, #tpu.memory_space<hbm>>
    %dma_start3A_761 = tpu.memref_squeeze %dma_start3A_760 : memref<1x72x128xf32, #tpu.memory_space<hbm>> -> memref<72x128xf32, #tpu.memory_space<hbm>>
    %dma_start3A_762 = arith.constant 128 : i32
    %dma_start3A_763 = tpu.memref_slice %arg4[%dma_start3A_755, %dma_start3A_762, %add3A_754] : memref<3x200x16384xf32, #tpu.memory_space<hbm>> -> memref<1x72x128xf32, #tpu.memory_space<hbm>>
    %dma_start3A_764 = tpu.memref_squeeze %dma_start3A_763 : memref<1x72x128xf32, #tpu.memory_space<hbm>> -> memref<72x128xf32, #tpu.memory_space<hbm>>
    %dma_start3A_765 = arith.constant 128 : i32
    %dma_start3A_766 = arith.constant 0 : i32
    %dma_start3A_767 = tpu.memref_slice %arg12[%dma_start3A_765, %dma_start3A_766] : memref<200x128xf32, #tpu.memory_space<vmem>> -> memref<72x128xf32, #tpu.memory_space<vmem>>
    tpu.enqueue_dma source(%dma_start3A_767 : memref<72x128xf32, #tpu.memory_space<vmem>>) target(%dma_start3A_764 : memref<72x128xf32, #tpu.memory_space<hbm>>) target_semaphore(%arg17 : memref<!tpu.dma_semaphore, #tpu.memory_space<semaphore_mem>>)
    %add3A_768 = arith.constant 384 : i32
    %add3A_769 = arith.addi %mul3A_2, %add3A_768 : i32
    %dma_wait3A_770 = arith.constant 0 : i32
    %dma_wait3A_771 = tpu.memref_slice %arg2[%dma_wait3A_770, %add3A_769] : memref<200x16384xi32, #tpu.memory_space<hbm>> -> memref<200x128xi32, #tpu.memory_space<hbm>>
    %dma_wait3A_772 = arith.constant 0 : i32
    %dma_wait3A_773 = tpu.memref_slice %arg2[%dma_wait3A_772, %add3A_769] : memref<200x16384xi32, #tpu.memory_space<hbm>> -> memref<200x128xi32, #tpu.memory_space<hbm>>
    tpu.wait_dma2 semaphore(%arg14 : memref<!tpu.dma_semaphore, #tpu.memory_space<semaphore_mem>>) src(%dma_wait3A_773 : memref<200x128xi32, #tpu.memory_space<hbm>>) dst(%arg9 : memref<200x128xi32, #tpu.memory_space<vmem>>)
    %add3A_774 = arith.constant 256 : i32
    %add3A_775 = arith.addi %mul3A_2, %add3A_774 : i32
    %dma_wait3A_776 = arith.constant 0 : i32
    %dma_wait3A_777 = arith.constant 0 : i32
    %dma_wait3A_778 = arith.constant 0 : i32
    %dma_wait3A_779 = tpu.memref_slice %arg10[%dma_wait3A_777, %dma_wait3A_778] : memref<200x128xf32, #tpu.memory_space<vmem>> -> memref<64x128xf32, #tpu.memory_space<vmem>>
    %dma_wait3A_780 = arith.constant 0 : i32
    %dma_wait3A_781 = tpu.memref_slice %arg4[%dma_wait3A_776, %dma_wait3A_780, %add3A_775] : memref<3x200x16384xf32, #tpu.memory_space<hbm>> -> memref<1x64x128xf32, #tpu.memory_space<hbm>>
    %dma_wait3A_782 = tpu.memref_squeeze %dma_wait3A_781 : memref<1x64x128xf32, #tpu.memory_space<hbm>> -> memref<64x128xf32, #tpu.memory_space<hbm>>
    %dma_wait3A_783 = arith.constant 0 : i32
    %dma_wait3A_784 = tpu.memref_slice %arg4[%dma_wait3A_776, %dma_wait3A_783, %add3A_775] : memref<3x200x16384xf32, #tpu.memory_space<hbm>> -> memref<1x64x128xf32, #tpu.memory_space<hbm>>
    %dma_wait3A_785 = tpu.memref_squeeze %dma_wait3A_784 : memref<1x64x128xf32, #tpu.memory_space<hbm>> -> memref<64x128xf32, #tpu.memory_space<hbm>>
    %dma_wait3A_786 = arith.constant 0 : i32
    %dma_wait3A_787 = arith.constant 0 : i32
    %dma_wait3A_788 = tpu.memref_slice %arg10[%dma_wait3A_786, %dma_wait3A_787] : memref<200x128xf32, #tpu.memory_space<vmem>> -> memref<64x128xf32, #tpu.memory_space<vmem>>
    tpu.wait_dma2 semaphore(%arg15 : memref<!tpu.dma_semaphore, #tpu.memory_space<semaphore_mem>>) src(%dma_wait3A_788 : memref<64x128xf32, #tpu.memory_space<vmem>>) dst(%dma_wait3A_785 : memref<64x128xf32, #tpu.memory_space<hbm>>)
    %add3A_789 = arith.constant 256 : i32
    %add3A_790 = arith.addi %mul3A_2, %add3A_789 : i32
    %dma_wait3A_791 = arith.constant 1 : i32
    %dma_wait3A_792 = arith.constant 0 : i32
    %dma_wait3A_793 = arith.constant 0 : i32
    %dma_wait3A_794 = tpu.memref_slice %arg11[%dma_wait3A_792, %dma_wait3A_793] : memref<200x128xf32, #tpu.memory_space<vmem>> -> memref<64x128xf32, #tpu.memory_space<vmem>>
    %dma_wait3A_795 = arith.constant 0 : i32
    %dma_wait3A_796 = tpu.memref_slice %arg4[%dma_wait3A_791, %dma_wait3A_795, %add3A_790] : memref<3x200x16384xf32, #tpu.memory_space<hbm>> -> memref<1x64x128xf32, #tpu.memory_space<hbm>>
    %dma_wait3A_797 = tpu.memref_squeeze %dma_wait3A_796 : memref<1x64x128xf32, #tpu.memory_space<hbm>> -> memref<64x128xf32, #tpu.memory_space<hbm>>
    %dma_wait3A_798 = arith.constant 0 : i32
    %dma_wait3A_799 = tpu.memref_slice %arg4[%dma_wait3A_791, %dma_wait3A_798, %add3A_790] : memref<3x200x16384xf32, #tpu.memory_space<hbm>> -> memref<1x64x128xf32, #tpu.memory_space<hbm>>
    %dma_wait3A_800 = tpu.memref_squeeze %dma_wait3A_799 : memref<1x64x128xf32, #tpu.memory_space<hbm>> -> memref<64x128xf32, #tpu.memory_space<hbm>>
    %dma_wait3A_801 = arith.constant 0 : i32
    %dma_wait3A_802 = arith.constant 0 : i32
    %dma_wait3A_803 = tpu.memref_slice %arg11[%dma_wait3A_801, %dma_wait3A_802] : memref<200x128xf32, #tpu.memory_space<vmem>> -> memref<64x128xf32, #tpu.memory_space<vmem>>
    tpu.wait_dma2 semaphore(%arg15 : memref<!tpu.dma_semaphore, #tpu.memory_space<semaphore_mem>>) src(%dma_wait3A_803 : memref<64x128xf32, #tpu.memory_space<vmem>>) dst(%dma_wait3A_800 : memref<64x128xf32, #tpu.memory_space<hbm>>)
    %add3A_804 = arith.constant 256 : i32
    %add3A_805 = arith.addi %mul3A_2, %add3A_804 : i32
    %dma_wait3A_806 = arith.constant 2 : i32
    %dma_wait3A_807 = arith.constant 0 : i32
    %dma_wait3A_808 = arith.constant 0 : i32
    %dma_wait3A_809 = tpu.memref_slice %arg12[%dma_wait3A_807, %dma_wait3A_808] : memref<200x128xf32, #tpu.memory_space<vmem>> -> memref<64x128xf32, #tpu.memory_space<vmem>>
    %dma_wait3A_810 = arith.constant 0 : i32
    %dma_wait3A_811 = tpu.memref_slice %arg4[%dma_wait3A_806, %dma_wait3A_810, %add3A_805] : memref<3x200x16384xf32, #tpu.memory_space<hbm>> -> memref<1x64x128xf32, #tpu.memory_space<hbm>>
    %dma_wait3A_812 = tpu.memref_squeeze %dma_wait3A_811 : memref<1x64x128xf32, #tpu.memory_space<hbm>> -> memref<64x128xf32, #tpu.memory_space<hbm>>
    %dma_wait3A_813 = arith.constant 0 : i32
    %dma_wait3A_814 = tpu.memref_slice %arg4[%dma_wait3A_806, %dma_wait3A_813, %add3A_805] : memref<3x200x16384xf32, #tpu.memory_space<hbm>> -> memref<1x64x128xf32, #tpu.memory_space<hbm>>
    %dma_wait3A_815 = tpu.memref_squeeze %dma_wait3A_814 : memref<1x64x128xf32, #tpu.memory_space<hbm>> -> memref<64x128xf32, #tpu.memory_space<hbm>>
    %dma_wait3A_816 = arith.constant 0 : i32
    %dma_wait3A_817 = arith.constant 0 : i32
    %dma_wait3A_818 = tpu.memref_slice %arg12[%dma_wait3A_816, %dma_wait3A_817] : memref<200x128xf32, #tpu.memory_space<vmem>> -> memref<64x128xf32, #tpu.memory_space<vmem>>
    tpu.wait_dma2 semaphore(%arg15 : memref<!tpu.dma_semaphore, #tpu.memory_space<semaphore_mem>>) src(%dma_wait3A_818 : memref<64x128xf32, #tpu.memory_space<vmem>>) dst(%dma_wait3A_815 : memref<64x128xf32, #tpu.memory_space<hbm>>)
    %parallel_loop3A_819 = arith.constant 0 : i32
    %parallel_loop3A_820 = arith.constant 512 : i32
    %parallel_loop3A_821 = arith.constant 1 : i32
    scf.for %parallel_loop3A_1188 = %parallel_loop3A_819 to %parallel_loop3A_820 step %parallel_loop3A_821  : i32 {
      %parallel_loop3A_1189 = arith.constant 8 : i32
      %parallel_loop3A_1190 = arith.divsi %parallel_loop3A_1188, %parallel_loop3A_1189 : i32
      %parallel_loop3A_1191 = arith.constant 0 : i32
      %parallel_loop3A_1192 = arith.cmpi sgt, %parallel_loop3A_1188, %parallel_loop3A_1191 : i32
      %parallel_loop3A_1193 = arith.extui %parallel_loop3A_1192 : i1 to i32
      %parallel_loop3A_1194 = arith.constant 0 : i32
      %parallel_loop3A_1195 = arith.cmpi slt, %parallel_loop3A_1188, %parallel_loop3A_1194 : i32
      %parallel_loop3A_1196 = arith.extui %parallel_loop3A_1195 : i1 to i32
      %parallel_loop3A_1197 = arith.subi %parallel_loop3A_1193, %parallel_loop3A_1196 : i32
      %parallel_loop3A_1198 = arith.constant 0 : i32
      %parallel_loop3A_1199 = arith.cmpi sgt, %parallel_loop3A_1189, %parallel_loop3A_1198 : i32
      %parallel_loop3A_1200 = arith.extui %parallel_loop3A_1199 : i1 to i32
      %parallel_loop3A_1201 = arith.constant 0 : i32
      %parallel_loop3A_1202 = arith.cmpi slt, %parallel_loop3A_1189, %parallel_loop3A_1201 : i32
      %parallel_loop3A_1203 = arith.extui %parallel_loop3A_1202 : i1 to i32
      %parallel_loop3A_1204 = arith.subi %parallel_loop3A_1200, %parallel_loop3A_1203 : i32
      %parallel_loop3A_1205 = arith.cmpi ne, %parallel_loop3A_1197, %parallel_loop3A_1204 : i32
      %parallel_loop3A_1206 = arith.remsi %parallel_loop3A_1188, %parallel_loop3A_1189 : i32
      %parallel_loop3A_1207 = arith.constant 0 : i32
      %parallel_loop3A_1208 = arith.cmpi ne, %parallel_loop3A_1206, %parallel_loop3A_1207 : i32
      %parallel_loop3A_1209 = arith.andi %parallel_loop3A_1205, %parallel_loop3A_1208 : i1
      %parallel_loop3A_1210 = arith.constant 1 : i32
      %parallel_loop3A_1211 = arith.subi %parallel_loop3A_1190, %parallel_loop3A_1210 : i32
      %parallel_loop3A_1212 = arith.select %parallel_loop3A_1209, %parallel_loop3A_1211, %parallel_loop3A_1190 : i32
      %parallel_loop3A_1213 = arith.constant 8 : i32
      %parallel_loop3A_1214 = arith.muli %parallel_loop3A_1212, %parallel_loop3A_1213 : i32
      %parallel_loop3A_1215 = arith.subi %parallel_loop3A_1188, %parallel_loop3A_1214 : i32
      %parallel_loop3A_1216 = arith.constant 16 : i32
      %parallel_loop3A_1217 = arith.muli %parallel_loop3A_1215, %parallel_loop3A_1216 : i32
      %parallel_loop3A_1218 = arith.index_cast %parallel_loop3A_1212 : i32 to index
      %parallel_loop3A_1219 = arith.index_cast %parallel_loop3A_1217 : i32 to index
      %parallel_loop3A_1220 = tpu.vector_load %arg9[%parallel_loop3A_1218, %parallel_loop3A_1219] {strides = array<i32>} : memref<200x128xi32, #tpu.memory_space<vmem>>, vector<16xi32>,
      %parallel_loop3A_1221 = tpu.vector_load_idx %arg5[%parallel_loop3A_1220] : memref<16xf32, #tpu.memory_space<vmem>>[vector<16xi32>], vector<16xf32>,
      %parallel_loop3A_1222 = arith.index_cast %parallel_loop3A_1212 : i32 to index
      %parallel_loop3A_1223 = arith.index_cast %parallel_loop3A_1217 : i32 to index
      %parallel_loop3A_1224 = tpu.vector_load %arg10[%parallel_loop3A_1222, %parallel_loop3A_1223] {strides = array<i32>} : memref<200x128xf32, #tpu.memory_space<vmem>>, vector<16xf32>,
      tpu.vector_store %arg10[%parallel_loop3A_1222, %parallel_loop3A_1223], %parallel_loop3A_1221 {strides = array<i32>} : memref<200x128xf32, #tpu.memory_space<vmem>>, vector<16xf32>,
      %parallel_loop3A_1225 = tpu.vector_load_idx %arg6[%parallel_loop3A_1220] : memref<16xf32, #tpu.memory_space<vmem>>[vector<16xi32>], vector<16xf32>,
      %parallel_loop3A_1226 = arith.index_cast %parallel_loop3A_1212 : i32 to index
      %parallel_loop3A_1227 = arith.index_cast %parallel_loop3A_1217 : i32 to index
      %parallel_loop3A_1228 = tpu.vector_load %arg11[%parallel_loop3A_1226, %parallel_loop3A_1227] {strides = array<i32>} : memref<200x128xf32, #tpu.memory_space<vmem>>, vector<16xf32>,
      tpu.vector_store %arg11[%parallel_loop3A_1226, %parallel_loop3A_1227], %parallel_loop3A_1225 {strides = array<i32>} : memref<200x128xf32, #tpu.memory_space<vmem>>, vector<16xf32>,
      %parallel_loop3A_1229 = tpu.vector_load_idx %arg7[%parallel_loop3A_1220] : memref<16xf32, #tpu.memory_space<vmem>>[vector<16xi32>], vector<16xf32>,
      %parallel_loop3A_1230 = arith.index_cast %parallel_loop3A_1212 : i32 to index
      %parallel_loop3A_1231 = arith.index_cast %parallel_loop3A_1217 : i32 to index
      %parallel_loop3A_1232 = tpu.vector_load %arg12[%parallel_loop3A_1230, %parallel_loop3A_1231] {strides = array<i32>} : memref<200x128xf32, #tpu.memory_space<vmem>>, vector<16xf32>,
      tpu.vector_store %arg12[%parallel_loop3A_1230, %parallel_loop3A_1231], %parallel_loop3A_1229 {strides = array<i32>} : memref<200x128xf32, #tpu.memory_space<vmem>>, vector<16xf32>,
    } {sc.loop_unroll_factor = 2 : i64, sc.parallel_access}
    %add3A_822 = arith.constant 384 : i32
    %add3A_823 = arith.addi %mul3A_2, %add3A_822 : i32
    %dma_start3A_824 = arith.constant 0 : i32
    %dma_start3A_825 = arith.constant 0 : i32
    %dma_start3A_826 = arith.constant 0 : i32
    %dma_start3A_827 = tpu.memref_slice %arg10[%dma_start3A_825, %dma_start3A_826] : memref<200x128xf32, #tpu.memory_space<vmem>> -> memref<64x128xf32, #tpu.memory_space<vmem>>
    %dma_start3A_828 = arith.constant 0 : i32
    %dma_start3A_829 = tpu.memref_slice %arg4[%dma_start3A_824, %dma_start3A_828, %add3A_823] : memref<3x200x16384xf32, #tpu.memory_space<hbm>> -> memref<1x64x128xf32, #tpu.memory_space<hbm>>
    %dma_start3A_830 = tpu.memref_squeeze %dma_start3A_829 : memref<1x64x128xf32, #tpu.memory_space<hbm>> -> memref<64x128xf32, #tpu.memory_space<hbm>>
    %dma_start3A_831 = arith.constant 0 : i32
    %dma_start3A_832 = tpu.memref_slice %arg4[%dma_start3A_824, %dma_start3A_831, %add3A_823] : memref<3x200x16384xf32, #tpu.memory_space<hbm>> -> memref<1x64x128xf32, #tpu.memory_space<hbm>>
    %dma_start3A_833 = tpu.memref_squeeze %dma_start3A_832 : memref<1x64x128xf32, #tpu.memory_space<hbm>> -> memref<64x128xf32, #tpu.memory_space<hbm>>
    %dma_start3A_834 = arith.constant 0 : i32
    %dma_start3A_835 = arith.constant 0 : i32
    %dma_start3A_836 = tpu.memref_slice %arg10[%dma_start3A_834, %dma_start3A_835] : memref<200x128xf32, #tpu.memory_space<vmem>> -> memref<64x128xf32, #tpu.memory_space<vmem>>
    tpu.enqueue_dma source(%dma_start3A_836 : memref<64x128xf32, #tpu.memory_space<vmem>>) target(%dma_start3A_833 : memref<64x128xf32, #tpu.memory_space<hbm>>) target_semaphore(%arg15 : memref<!tpu.dma_semaphore, #tpu.memory_space<semaphore_mem>>)
    %add3A_837 = arith.constant 384 : i32
    %add3A_838 = arith.addi %mul3A_2, %add3A_837 : i32
    %dma_start3A_839 = arith.constant 1 : i32
    %dma_start3A_840 = arith.constant 0 : i32
    %dma_start3A_841 = arith.constant 0 : i32
    %dma_start3A_842 = tpu.memref_slice %arg11[%dma_start3A_840, %dma_start3A_841] : memref<200x128xf32, #tpu.memory_space<vmem>> -> memref<64x128xf32, #tpu.memory_space<vmem>>
    %dma_start3A_843 = arith.constant 0 : i32
    %dma_start3A_844 = tpu.memref_slice %arg4[%dma_start3A_839, %dma_start3A_843, %add3A_838] : memref<3x200x16384xf32, #tpu.memory_space<hbm>> -> memref<1x64x128xf32, #tpu.memory_space<hbm>>
    %dma_start3A_845 = tpu.memref_squeeze %dma_start3A_844 : memref<1x64x128xf32, #tpu.memory_space<hbm>> -> memref<64x128xf32, #tpu.memory_space<hbm>>
    %dma_start3A_846 = arith.constant 0 : i32
    %dma_start3A_847 = tpu.memref_slice %arg4[%dma_start3A_839, %dma_start3A_846, %add3A_838] : memref<3x200x16384xf32, #tpu.memory_space<hbm>> -> memref<1x64x128xf32, #tpu.memory_space<hbm>>
    %dma_start3A_848 = tpu.memref_squeeze %dma_start3A_847 : memref<1x64x128xf32, #tpu.memory_space<hbm>> -> memref<64x128xf32, #tpu.memory_space<hbm>>
    %dma_start3A_849 = arith.constant 0 : i32
    %dma_start3A_850 = arith.constant 0 : i32
    %dma_start3A_851 = tpu.memref_slice %arg11[%dma_start3A_849, %dma_start3A_850] : memref<200x128xf32, #tpu.memory_space<vmem>> -> memref<64x128xf32, #tpu.memory_space<vmem>>
    tpu.enqueue_dma source(%dma_start3A_851 : memref<64x128xf32, #tpu.memory_space<vmem>>) target(%dma_start3A_848 : memref<64x128xf32, #tpu.memory_space<hbm>>) target_semaphore(%arg15 : memref<!tpu.dma_semaphore, #tpu.memory_space<semaphore_mem>>)
    %add3A_852 = arith.constant 384 : i32
    %add3A_853 = arith.addi %mul3A_2, %add3A_852 : i32
    %dma_start3A_854 = arith.constant 2 : i32
    %dma_start3A_855 = arith.constant 0 : i32
    %dma_start3A_856 = arith.constant 0 : i32
    %dma_start3A_857 = tpu.memref_slice %arg12[%dma_start3A_855, %dma_start3A_856] : memref<200x128xf32, #tpu.memory_space<vmem>> -> memref<64x128xf32, #tpu.memory_space<vmem>>
    %dma_start3A_858 = arith.constant 0 : i32
    %dma_start3A_859 = tpu.memref_slice %arg4[%dma_start3A_854, %dma_start3A_858, %add3A_853] : memref<3x200x16384xf32, #tpu.memory_space<hbm>> -> memref<1x64x128xf32, #tpu.memory_space<hbm>>
    %dma_start3A_860 = tpu.memref_squeeze %dma_start3A_859 : memref<1x64x128xf32, #tpu.memory_space<hbm>> -> memref<64x128xf32, #tpu.memory_space<hbm>>
    %dma_start3A_861 = arith.constant 0 : i32
    %dma_start3A_862 = tpu.memref_slice %arg4[%dma_start3A_854, %dma_start3A_861, %add3A_853] : memref<3x200x16384xf32, #tpu.memory_space<hbm>> -> memref<1x64x128xf32, #tpu.memory_space<hbm>>
    %dma_start3A_863 = tpu.memref_squeeze %dma_start3A_862 : memref<1x64x128xf32, #tpu.memory_space<hbm>> -> memref<64x128xf32, #tpu.memory_space<hbm>>
    %dma_start3A_864 = arith.constant 0 : i32
    %dma_start3A_865 = arith.constant 0 : i32
    %dma_start3A_866 = tpu.memref_slice %arg12[%dma_start3A_864, %dma_start3A_865] : memref<200x128xf32, #tpu.memory_space<vmem>> -> memref<64x128xf32, #tpu.memory_space<vmem>>
    tpu.enqueue_dma source(%dma_start3A_866 : memref<64x128xf32, #tpu.memory_space<vmem>>) target(%dma_start3A_863 : memref<64x128xf32, #tpu.memory_space<hbm>>) target_semaphore(%arg15 : memref<!tpu.dma_semaphore, #tpu.memory_space<semaphore_mem>>)
    %add3A_867 = arith.constant 256 : i32
    %add3A_868 = arith.addi %mul3A_2, %add3A_867 : i32
    %dma_wait3A_869 = arith.constant 0 : i32
    %dma_wait3A_870 = arith.constant 64 : i32
    %dma_wait3A_871 = arith.constant 0 : i32
    %dma_wait3A_872 = tpu.memref_slice %arg10[%dma_wait3A_870, %dma_wait3A_871] : memref<200x128xf32, #tpu.memory_space<vmem>> -> memref<64x128xf32, #tpu.memory_space<vmem>>
    %dma_wait3A_873 = arith.constant 64 : i32
    %dma_wait3A_874 = tpu.memref_slice %arg4[%dma_wait3A_869, %dma_wait3A_873, %add3A_868] : memref<3x200x16384xf32, #tpu.memory_space<hbm>> -> memref<1x64x128xf32, #tpu.memory_space<hbm>>
    %dma_wait3A_875 = tpu.memref_squeeze %dma_wait3A_874 : memref<1x64x128xf32, #tpu.memory_space<hbm>> -> memref<64x128xf32, #tpu.memory_space<hbm>>
    %dma_wait3A_876 = arith.constant 64 : i32
    %dma_wait3A_877 = tpu.memref_slice %arg4[%dma_wait3A_869, %dma_wait3A_876, %add3A_868] : memref<3x200x16384xf32, #tpu.memory_space<hbm>> -> memref<1x64x128xf32, #tpu.memory_space<hbm>>
    %dma_wait3A_878 = tpu.memref_squeeze %dma_wait3A_877 : memref<1x64x128xf32, #tpu.memory_space<hbm>> -> memref<64x128xf32, #tpu.memory_space<hbm>>
    %dma_wait3A_879 = arith.constant 64 : i32
    %dma_wait3A_880 = arith.constant 0 : i32
    %dma_wait3A_881 = tpu.memref_slice %arg10[%dma_wait3A_879, %dma_wait3A_880] : memref<200x128xf32, #tpu.memory_space<vmem>> -> memref<64x128xf32, #tpu.memory_space<vmem>>
    tpu.wait_dma2 semaphore(%arg16 : memref<!tpu.dma_semaphore, #tpu.memory_space<semaphore_mem>>) src(%dma_wait3A_881 : memref<64x128xf32, #tpu.memory_space<vmem>>) dst(%dma_wait3A_878 : memref<64x128xf32, #tpu.memory_space<hbm>>)
    %add3A_882 = arith.constant 256 : i32
    %add3A_883 = arith.addi %mul3A_2, %add3A_882 : i32
    %dma_wait3A_884 = arith.constant 1 : i32
    %dma_wait3A_885 = arith.constant 64 : i32
    %dma_wait3A_886 = arith.constant 0 : i32
    %dma_wait3A_887 = tpu.memref_slice %arg11[%dma_wait3A_885, %dma_wait3A_886] : memref<200x128xf32, #tpu.memory_space<vmem>> -> memref<64x128xf32, #tpu.memory_space<vmem>>
    %dma_wait3A_888 = arith.constant 64 : i32
    %dma_wait3A_889 = tpu.memref_slice %arg4[%dma_wait3A_884, %dma_wait3A_888, %add3A_883] : memref<3x200x16384xf32, #tpu.memory_space<hbm>> -> memref<1x64x128xf32, #tpu.memory_space<hbm>>
    %dma_wait3A_890 = tpu.memref_squeeze %dma_wait3A_889 : memref<1x64x128xf32, #tpu.memory_space<hbm>> -> memref<64x128xf32, #tpu.memory_space<hbm>>
    %dma_wait3A_891 = arith.constant 64 : i32
    %dma_wait3A_892 = tpu.memref_slice %arg4[%dma_wait3A_884, %dma_wait3A_891, %add3A_883] : memref<3x200x16384xf32, #tpu.memory_space<hbm>> -> memref<1x64x128xf32, #tpu.memory_space<hbm>>
    %dma_wait3A_893 = tpu.memref_squeeze %dma_wait3A_892 : memref<1x64x128xf32, #tpu.memory_space<hbm>> -> memref<64x128xf32, #tpu.memory_space<hbm>>
    %dma_wait3A_894 = arith.constant 64 : i32
    %dma_wait3A_895 = arith.constant 0 : i32
    %dma_wait3A_896 = tpu.memref_slice %arg11[%dma_wait3A_894, %dma_wait3A_895] : memref<200x128xf32, #tpu.memory_space<vmem>> -> memref<64x128xf32, #tpu.memory_space<vmem>>
    tpu.wait_dma2 semaphore(%arg16 : memref<!tpu.dma_semaphore, #tpu.memory_space<semaphore_mem>>) src(%dma_wait3A_896 : memref<64x128xf32, #tpu.memory_space<vmem>>) dst(%dma_wait3A_893 : memref<64x128xf32, #tpu.memory_space<hbm>>)
    %add3A_897 = arith.constant 256 : i32
    %add3A_898 = arith.addi %mul3A_2, %add3A_897 : i32
    %dma_wait3A_899 = arith.constant 2 : i32
    %dma_wait3A_900 = arith.constant 64 : i32
    %dma_wait3A_901 = arith.constant 0 : i32
    %dma_wait3A_902 = tpu.memref_slice %arg12[%dma_wait3A_900, %dma_wait3A_901] : memref<200x128xf32, #tpu.memory_space<vmem>> -> memref<64x128xf32, #tpu.memory_space<vmem>>
    %dma_wait3A_903 = arith.constant 64 : i32
    %dma_wait3A_904 = tpu.memref_slice %arg4[%dma_wait3A_899, %dma_wait3A_903, %add3A_898] : memref<3x200x16384xf32, #tpu.memory_space<hbm>> -> memref<1x64x128xf32, #tpu.memory_space<hbm>>
    %dma_wait3A_905 = tpu.memref_squeeze %dma_wait3A_904 : memref<1x64x128xf32, #tpu.memory_space<hbm>> -> memref<64x128xf32, #tpu.memory_space<hbm>>
    %dma_wait3A_906 = arith.constant 64 : i32
    %dma_wait3A_907 = tpu.memref_slice %arg4[%dma_wait3A_899, %dma_wait3A_906, %add3A_898] : memref<3x200x16384xf32, #tpu.memory_space<hbm>> -> memref<1x64x128xf32, #tpu.memory_space<hbm>>
    %dma_wait3A_908 = tpu.memref_squeeze %dma_wait3A_907 : memref<1x64x128xf32, #tpu.memory_space<hbm>> -> memref<64x128xf32, #tpu.memory_space<hbm>>
    %dma_wait3A_909 = arith.constant 64 : i32
    %dma_wait3A_910 = arith.constant 0 : i32
    %dma_wait3A_911 = tpu.memref_slice %arg12[%dma_wait3A_909, %dma_wait3A_910] : memref<200x128xf32, #tpu.memory_space<vmem>> -> memref<64x128xf32, #tpu.memory_space<vmem>>
    tpu.wait_dma2 semaphore(%arg16 : memref<!tpu.dma_semaphore, #tpu.memory_space<semaphore_mem>>) src(%dma_wait3A_911 : memref<64x128xf32, #tpu.memory_space<vmem>>) dst(%dma_wait3A_908 : memref<64x128xf32, #tpu.memory_space<hbm>>)
    %parallel_loop3A_912 = arith.constant 512 : i32
    %parallel_loop3A_913 = arith.constant 1024 : i32
    %parallel_loop3A_914 = arith.constant 1 : i32
    scf.for %parallel_loop3A_1188 = %parallel_loop3A_912 to %parallel_loop3A_913 step %parallel_loop3A_914  : i32 {
      %parallel_loop3A_1189 = arith.constant 8 : i32
      %parallel_loop3A_1190 = arith.divsi %parallel_loop3A_1188, %parallel_loop3A_1189 : i32
      %parallel_loop3A_1191 = arith.constant 0 : i32
      %parallel_loop3A_1192 = arith.cmpi sgt, %parallel_loop3A_1188, %parallel_loop3A_1191 : i32
      %parallel_loop3A_1193 = arith.extui %parallel_loop3A_1192 : i1 to i32
      %parallel_loop3A_1194 = arith.constant 0 : i32
      %parallel_loop3A_1195 = arith.cmpi slt, %parallel_loop3A_1188, %parallel_loop3A_1194 : i32
      %parallel_loop3A_1196 = arith.extui %parallel_loop3A_1195 : i1 to i32
      %parallel_loop3A_1197 = arith.subi %parallel_loop3A_1193, %parallel_loop3A_1196 : i32
      %parallel_loop3A_1198 = arith.constant 0 : i32
      %parallel_loop3A_1199 = arith.cmpi sgt, %parallel_loop3A_1189, %parallel_loop3A_1198 : i32
      %parallel_loop3A_1200 = arith.extui %parallel_loop3A_1199 : i1 to i32
      %parallel_loop3A_1201 = arith.constant 0 : i32
      %parallel_loop3A_1202 = arith.cmpi slt, %parallel_loop3A_1189, %parallel_loop3A_1201 : i32
      %parallel_loop3A_1203 = arith.extui %parallel_loop3A_1202 : i1 to i32
      %parallel_loop3A_1204 = arith.subi %parallel_loop3A_1200, %parallel_loop3A_1203 : i32
      %parallel_loop3A_1205 = arith.cmpi ne, %parallel_loop3A_1197, %parallel_loop3A_1204 : i32
      %parallel_loop3A_1206 = arith.remsi %parallel_loop3A_1188, %parallel_loop3A_1189 : i32
      %parallel_loop3A_1207 = arith.constant 0 : i32
      %parallel_loop3A_1208 = arith.cmpi ne, %parallel_loop3A_1206, %parallel_loop3A_1207 : i32
      %parallel_loop3A_1209 = arith.andi %parallel_loop3A_1205, %parallel_loop3A_1208 : i1
      %parallel_loop3A_1210 = arith.constant 1 : i32
      %parallel_loop3A_1211 = arith.subi %parallel_loop3A_1190, %parallel_loop3A_1210 : i32
      %parallel_loop3A_1212 = arith.select %parallel_loop3A_1209, %parallel_loop3A_1211, %parallel_loop3A_1190 : i32
      %parallel_loop3A_1213 = arith.constant 8 : i32
      %parallel_loop3A_1214 = arith.muli %parallel_loop3A_1212, %parallel_loop3A_1213 : i32
      %parallel_loop3A_1215 = arith.subi %parallel_loop3A_1188, %parallel_loop3A_1214 : i32
      %parallel_loop3A_1216 = arith.constant 16 : i32
      %parallel_loop3A_1217 = arith.muli %parallel_loop3A_1215, %parallel_loop3A_1216 : i32
      %parallel_loop3A_1218 = arith.index_cast %parallel_loop3A_1212 : i32 to index
      %parallel_loop3A_1219 = arith.index_cast %parallel_loop3A_1217 : i32 to index
      %parallel_loop3A_1220 = tpu.vector_load %arg9[%parallel_loop3A_1218, %parallel_loop3A_1219] {strides = array<i32>} : memref<200x128xi32, #tpu.memory_space<vmem>>, vector<16xi32>,
      %parallel_loop3A_1221 = tpu.vector_load_idx %arg5[%parallel_loop3A_1220] : memref<16xf32, #tpu.memory_space<vmem>>[vector<16xi32>], vector<16xf32>,
      %parallel_loop3A_1222 = arith.index_cast %parallel_loop3A_1212 : i32 to index
      %parallel_loop3A_1223 = arith.index_cast %parallel_loop3A_1217 : i32 to index
      %parallel_loop3A_1224 = tpu.vector_load %arg10[%parallel_loop3A_1222, %parallel_loop3A_1223] {strides = array<i32>} : memref<200x128xf32, #tpu.memory_space<vmem>>, vector<16xf32>,
      tpu.vector_store %arg10[%parallel_loop3A_1222, %parallel_loop3A_1223], %parallel_loop3A_1221 {strides = array<i32>} : memref<200x128xf32, #tpu.memory_space<vmem>>, vector<16xf32>,
      %parallel_loop3A_1225 = tpu.vector_load_idx %arg6[%parallel_loop3A_1220] : memref<16xf32, #tpu.memory_space<vmem>>[vector<16xi32>], vector<16xf32>,
      %parallel_loop3A_1226 = arith.index_cast %parallel_loop3A_1212 : i32 to index
      %parallel_loop3A_1227 = arith.index_cast %parallel_loop3A_1217 : i32 to index
      %parallel_loop3A_1228 = tpu.vector_load %arg11[%parallel_loop3A_1226, %parallel_loop3A_1227] {strides = array<i32>} : memref<200x128xf32, #tpu.memory_space<vmem>>, vector<16xf32>,
      tpu.vector_store %arg11[%parallel_loop3A_1226, %parallel_loop3A_1227], %parallel_loop3A_1225 {strides = array<i32>} : memref<200x128xf32, #tpu.memory_space<vmem>>, vector<16xf32>,
      %parallel_loop3A_1229 = tpu.vector_load_idx %arg7[%parallel_loop3A_1220] : memref<16xf32, #tpu.memory_space<vmem>>[vector<16xi32>], vector<16xf32>,
      %parallel_loop3A_1230 = arith.index_cast %parallel_loop3A_1212 : i32 to index
      %parallel_loop3A_1231 = arith.index_cast %parallel_loop3A_1217 : i32 to index
      %parallel_loop3A_1232 = tpu.vector_load %arg12[%parallel_loop3A_1230, %parallel_loop3A_1231] {strides = array<i32>} : memref<200x128xf32, #tpu.memory_space<vmem>>, vector<16xf32>,
      tpu.vector_store %arg12[%parallel_loop3A_1230, %parallel_loop3A_1231], %parallel_loop3A_1229 {strides = array<i32>} : memref<200x128xf32, #tpu.memory_space<vmem>>, vector<16xf32>,
    } {sc.loop_unroll_factor = 2 : i64, sc.parallel_access}
    %add3A_915 = arith.constant 384 : i32
    %add3A_916 = arith.addi %mul3A_2, %add3A_915 : i32
    %dma_start3A_917 = arith.constant 0 : i32
    %dma_start3A_918 = arith.constant 64 : i32
    %dma_start3A_919 = arith.constant 0 : i32
    %dma_start3A_920 = tpu.memref_slice %arg10[%dma_start3A_918, %dma_start3A_919] : memref<200x128xf32, #tpu.memory_space<vmem>> -> memref<64x128xf32, #tpu.memory_space<vmem>>
    %dma_start3A_921 = arith.constant 64 : i32
    %dma_start3A_922 = tpu.memref_slice %arg4[%dma_start3A_917, %dma_start3A_921, %add3A_916] : memref<3x200x16384xf32, #tpu.memory_space<hbm>> -> memref<1x64x128xf32, #tpu.memory_space<hbm>>
    %dma_start3A_923 = tpu.memref_squeeze %dma_start3A_922 : memref<1x64x128xf32, #tpu.memory_space<hbm>> -> memref<64x128xf32, #tpu.memory_space<hbm>>
    %dma_start3A_924 = arith.constant 64 : i32
    %dma_start3A_925 = tpu.memref_slice %arg4[%dma_start3A_917, %dma_start3A_924, %add3A_916] : memref<3x200x16384xf32, #tpu.memory_space<hbm>> -> memref<1x64x128xf32, #tpu.memory_space<hbm>>
    %dma_start3A_926 = tpu.memref_squeeze %dma_start3A_925 : memref<1x64x128xf32, #tpu.memory_space<hbm>> -> memref<64x128xf32, #tpu.memory_space<hbm>>
    %dma_start3A_927 = arith.constant 64 : i32
    %dma_start3A_928 = arith.constant 0 : i32
    %dma_start3A_929 = tpu.memref_slice %arg10[%dma_start3A_927, %dma_start3A_928] : memref<200x128xf32, #tpu.memory_space<vmem>> -> memref<64x128xf32, #tpu.memory_space<vmem>>
    tpu.enqueue_dma source(%dma_start3A_929 : memref<64x128xf32, #tpu.memory_space<vmem>>) target(%dma_start3A_926 : memref<64x128xf32, #tpu.memory_space<hbm>>) target_semaphore(%arg16 : memref<!tpu.dma_semaphore, #tpu.memory_space<semaphore_mem>>)
    %add3A_930 = arith.constant 384 : i32
    %add3A_931 = arith.addi %mul3A_2, %add3A_930 : i32
    %dma_start3A_932 = arith.constant 1 : i32
    %dma_start3A_933 = arith.constant 64 : i32
    %dma_start3A_934 = arith.constant 0 : i32
    %dma_start3A_935 = tpu.memref_slice %arg11[%dma_start3A_933, %dma_start3A_934] : memref<200x128xf32, #tpu.memory_space<vmem>> -> memref<64x128xf32, #tpu.memory_space<vmem>>
    %dma_start3A_936 = arith.constant 64 : i32
    %dma_start3A_937 = tpu.memref_slice %arg4[%dma_start3A_932, %dma_start3A_936, %add3A_931] : memref<3x200x16384xf32, #tpu.memory_space<hbm>> -> memref<1x64x128xf32, #tpu.memory_space<hbm>>
    %dma_start3A_938 = tpu.memref_squeeze %dma_start3A_937 : memref<1x64x128xf32, #tpu.memory_space<hbm>> -> memref<64x128xf32, #tpu.memory_space<hbm>>
    %dma_start3A_939 = arith.constant 64 : i32
    %dma_start3A_940 = tpu.memref_slice %arg4[%dma_start3A_932, %dma_start3A_939, %add3A_931] : memref<3x200x16384xf32, #tpu.memory_space<hbm>> -> memref<1x64x128xf32, #tpu.memory_space<hbm>>
    %dma_start3A_941 = tpu.memref_squeeze %dma_start3A_940 : memref<1x64x128xf32, #tpu.memory_space<hbm>> -> memref<64x128xf32, #tpu.memory_space<hbm>>
    %dma_start3A_942 = arith.constant 64 : i32
    %dma_start3A_943 = arith.constant 0 : i32
    %dma_start3A_944 = tpu.memref_slice %arg11[%dma_start3A_942, %dma_start3A_943] : memref<200x128xf32, #tpu.memory_space<vmem>> -> memref<64x128xf32, #tpu.memory_space<vmem>>
    tpu.enqueue_dma source(%dma_start3A_944 : memref<64x128xf32, #tpu.memory_space<vmem>>) target(%dma_start3A_941 : memref<64x128xf32, #tpu.memory_space<hbm>>) target_semaphore(%arg16 : memref<!tpu.dma_semaphore, #tpu.memory_space<semaphore_mem>>)
    %add3A_945 = arith.constant 384 : i32
    %add3A_946 = arith.addi %mul3A_2, %add3A_945 : i32
    %dma_start3A_947 = arith.constant 2 : i32
    %dma_start3A_948 = arith.constant 64 : i32
    %dma_start3A_949 = arith.constant 0 : i32
    %dma_start3A_950 = tpu.memref_slice %arg12[%dma_start3A_948, %dma_start3A_949] : memref<200x128xf32, #tpu.memory_space<vmem>> -> memref<64x128xf32, #tpu.memory_space<vmem>>
    %dma_start3A_951 = arith.constant 64 : i32
    %dma_start3A_952 = tpu.memref_slice %arg4[%dma_start3A_947, %dma_start3A_951, %add3A_946] : memref<3x200x16384xf32, #tpu.memory_space<hbm>> -> memref<1x64x128xf32, #tpu.memory_space<hbm>>
    %dma_start3A_953 = tpu.memref_squeeze %dma_start3A_952 : memref<1x64x128xf32, #tpu.memory_space<hbm>> -> memref<64x128xf32, #tpu.memory_space<hbm>>
    %dma_start3A_954 = arith.constant 64 : i32
    %dma_start3A_955 = tpu.memref_slice %arg4[%dma_start3A_947, %dma_start3A_954, %add3A_946] : memref<3x200x16384xf32, #tpu.memory_space<hbm>> -> memref<1x64x128xf32, #tpu.memory_space<hbm>>
    %dma_start3A_956 = tpu.memref_squeeze %dma_start3A_955 : memref<1x64x128xf32, #tpu.memory_space<hbm>> -> memref<64x128xf32, #tpu.memory_space<hbm>>
    %dma_start3A_957 = arith.constant 64 : i32
    %dma_start3A_958 = arith.constant 0 : i32
    %dma_start3A_959 = tpu.memref_slice %arg12[%dma_start3A_957, %dma_start3A_958] : memref<200x128xf32, #tpu.memory_space<vmem>> -> memref<64x128xf32, #tpu.memory_space<vmem>>
    tpu.enqueue_dma source(%dma_start3A_959 : memref<64x128xf32, #tpu.memory_space<vmem>>) target(%dma_start3A_956 : memref<64x128xf32, #tpu.memory_space<hbm>>) target_semaphore(%arg16 : memref<!tpu.dma_semaphore, #tpu.memory_space<semaphore_mem>>)
    %add3A_960 = arith.constant 256 : i32
    %add3A_961 = arith.addi %mul3A_2, %add3A_960 : i32
    %dma_wait3A_962 = arith.constant 0 : i32
    %dma_wait3A_963 = arith.constant 128 : i32
    %dma_wait3A_964 = arith.constant 0 : i32
    %dma_wait3A_965 = tpu.memref_slice %arg10[%dma_wait3A_963, %dma_wait3A_964] : memref<200x128xf32, #tpu.memory_space<vmem>> -> memref<72x128xf32, #tpu.memory_space<vmem>>
    %dma_wait3A_966 = arith.constant 128 : i32
    %dma_wait3A_967 = tpu.memref_slice %arg4[%dma_wait3A_962, %dma_wait3A_966, %add3A_961] : memref<3x200x16384xf32, #tpu.memory_space<hbm>> -> memref<1x72x128xf32, #tpu.memory_space<hbm>>
    %dma_wait3A_968 = tpu.memref_squeeze %dma_wait3A_967 : memref<1x72x128xf32, #tpu.memory_space<hbm>> -> memref<72x128xf32, #tpu.memory_space<hbm>>
    %dma_wait3A_969 = arith.constant 128 : i32
    %dma_wait3A_970 = tpu.memref_slice %arg4[%dma_wait3A_962, %dma_wait3A_969, %add3A_961] : memref<3x200x16384xf32, #tpu.memory_space<hbm>> -> memref<1x72x128xf32, #tpu.memory_space<hbm>>
    %dma_wait3A_971 = tpu.memref_squeeze %dma_wait3A_970 : memref<1x72x128xf32, #tpu.memory_space<hbm>> -> memref<72x128xf32, #tpu.memory_space<hbm>>
    %dma_wait3A_972 = arith.constant 128 : i32
    %dma_wait3A_973 = arith.constant 0 : i32
    %dma_wait3A_974 = tpu.memref_slice %arg10[%dma_wait3A_972, %dma_wait3A_973] : memref<200x128xf32, #tpu.memory_space<vmem>> -> memref<72x128xf32, #tpu.memory_space<vmem>>
    tpu.wait_dma2 semaphore(%arg17 : memref<!tpu.dma_semaphore, #tpu.memory_space<semaphore_mem>>) src(%dma_wait3A_974 : memref<72x128xf32, #tpu.memory_space<vmem>>) dst(%dma_wait3A_971 : memref<72x128xf32, #tpu.memory_space<hbm>>)
    %add3A_975 = arith.constant 256 : i32
    %add3A_976 = arith.addi %mul3A_2, %add3A_975 : i32
    %dma_wait3A_977 = arith.constant 1 : i32
    %dma_wait3A_978 = arith.constant 128 : i32
    %dma_wait3A_979 = arith.constant 0 : i32
    %dma_wait3A_980 = tpu.memref_slice %arg11[%dma_wait3A_978, %dma_wait3A_979] : memref<200x128xf32, #tpu.memory_space<vmem>> -> memref<72x128xf32, #tpu.memory_space<vmem>>
    %dma_wait3A_981 = arith.constant 128 : i32
    %dma_wait3A_982 = tpu.memref_slice %arg4[%dma_wait3A_977, %dma_wait3A_981, %add3A_976] : memref<3x200x16384xf32, #tpu.memory_space<hbm>> -> memref<1x72x128xf32, #tpu.memory_space<hbm>>
    %dma_wait3A_983 = tpu.memref_squeeze %dma_wait3A_982 : memref<1x72x128xf32, #tpu.memory_space<hbm>> -> memref<72x128xf32, #tpu.memory_space<hbm>>
    %dma_wait3A_984 = arith.constant 128 : i32
    %dma_wait3A_985 = tpu.memref_slice %arg4[%dma_wait3A_977, %dma_wait3A_984, %add3A_976] : memref<3x200x16384xf32, #tpu.memory_space<hbm>> -> memref<1x72x128xf32, #tpu.memory_space<hbm>>
    %dma_wait3A_986 = tpu.memref_squeeze %dma_wait3A_985 : memref<1x72x128xf32, #tpu.memory_space<hbm>> -> memref<72x128xf32, #tpu.memory_space<hbm>>
    %dma_wait3A_987 = arith.constant 128 : i32
    %dma_wait3A_988 = arith.constant 0 : i32
    %dma_wait3A_989 = tpu.memref_slice %arg11[%dma_wait3A_987, %dma_wait3A_988] : memref<200x128xf32, #tpu.memory_space<vmem>> -> memref<72x128xf32, #tpu.memory_space<vmem>>
    tpu.wait_dma2 semaphore(%arg17 : memref<!tpu.dma_semaphore, #tpu.memory_space<semaphore_mem>>) src(%dma_wait3A_989 : memref<72x128xf32, #tpu.memory_space<vmem>>) dst(%dma_wait3A_986 : memref<72x128xf32, #tpu.memory_space<hbm>>)
    %add3A_990 = arith.constant 256 : i32
    %add3A_991 = arith.addi %mul3A_2, %add3A_990 : i32
    %dma_wait3A_992 = arith.constant 2 : i32
    %dma_wait3A_993 = arith.constant 128 : i32
    %dma_wait3A_994 = arith.constant 0 : i32
    %dma_wait3A_995 = tpu.memref_slice %arg12[%dma_wait3A_993, %dma_wait3A_994] : memref<200x128xf32, #tpu.memory_space<vmem>> -> memref<72x128xf32, #tpu.memory_space<vmem>>
    %dma_wait3A_996 = arith.constant 128 : i32
    %dma_wait3A_997 = tpu.memref_slice %arg4[%dma_wait3A_992, %dma_wait3A_996, %add3A_991] : memref<3x200x16384xf32, #tpu.memory_space<hbm>> -> memref<1x72x128xf32, #tpu.memory_space<hbm>>
    %dma_wait3A_998 = tpu.memref_squeeze %dma_wait3A_997 : memref<1x72x128xf32, #tpu.memory_space<hbm>> -> memref<72x128xf32, #tpu.memory_space<hbm>>
    %dma_wait3A_999 = arith.constant 128 : i32
    %dma_wait3A_1000 = tpu.memref_slice %arg4[%dma_wait3A_992, %dma_wait3A_999, %add3A_991] : memref<3x200x16384xf32, #tpu.memory_space<hbm>> -> memref<1x72x128xf32, #tpu.memory_space<hbm>>
    %dma_wait3A_1001 = tpu.memref_squeeze %dma_wait3A_1000 : memref<1x72x128xf32, #tpu.memory_space<hbm>> -> memref<72x128xf32, #tpu.memory_space<hbm>>
    %dma_wait3A_1002 = arith.constant 128 : i32
    %dma_wait3A_1003 = arith.constant 0 : i32
    %dma_wait3A_1004 = tpu.memref_slice %arg12[%dma_wait3A_1002, %dma_wait3A_1003] : memref<200x128xf32, #tpu.memory_space<vmem>> -> memref<72x128xf32, #tpu.memory_space<vmem>>
    tpu.wait_dma2 semaphore(%arg17 : memref<!tpu.dma_semaphore, #tpu.memory_space<semaphore_mem>>) src(%dma_wait3A_1004 : memref<72x128xf32, #tpu.memory_space<vmem>>) dst(%dma_wait3A_1001 : memref<72x128xf32, #tpu.memory_space<hbm>>)
    %parallel_loop3A_1005 = arith.constant 1024 : i32
    %parallel_loop3A_1006 = arith.constant 1600 : i32
    %parallel_loop3A_1007 = arith.constant 1 : i32
    scf.for %parallel_loop3A_1188 = %parallel_loop3A_1005 to %parallel_loop3A_1006 step %parallel_loop3A_1007  : i32 {
      %parallel_loop3A_1189 = arith.constant 8 : i32
      %parallel_loop3A_1190 = arith.divsi %parallel_loop3A_1188, %parallel_loop3A_1189 : i32
      %parallel_loop3A_1191 = arith.constant 0 : i32
      %parallel_loop3A_1192 = arith.cmpi sgt, %parallel_loop3A_1188, %parallel_loop3A_1191 : i32
      %parallel_loop3A_1193 = arith.extui %parallel_loop3A_1192 : i1 to i32
      %parallel_loop3A_1194 = arith.constant 0 : i32
      %parallel_loop3A_1195 = arith.cmpi slt, %parallel_loop3A_1188, %parallel_loop3A_1194 : i32
      %parallel_loop3A_1196 = arith.extui %parallel_loop3A_1195 : i1 to i32
      %parallel_loop3A_1197 = arith.subi %parallel_loop3A_1193, %parallel_loop3A_1196 : i32
      %parallel_loop3A_1198 = arith.constant 0 : i32
      %parallel_loop3A_1199 = arith.cmpi sgt, %parallel_loop3A_1189, %parallel_loop3A_1198 : i32
      %parallel_loop3A_1200 = arith.extui %parallel_loop3A_1199 : i1 to i32
      %parallel_loop3A_1201 = arith.constant 0 : i32
      %parallel_loop3A_1202 = arith.cmpi slt, %parallel_loop3A_1189, %parallel_loop3A_1201 : i32
      %parallel_loop3A_1203 = arith.extui %parallel_loop3A_1202 : i1 to i32
      %parallel_loop3A_1204 = arith.subi %parallel_loop3A_1200, %parallel_loop3A_1203 : i32
      %parallel_loop3A_1205 = arith.cmpi ne, %parallel_loop3A_1197, %parallel_loop3A_1204 : i32
      %parallel_loop3A_1206 = arith.remsi %parallel_loop3A_1188, %parallel_loop3A_1189 : i32
      %parallel_loop3A_1207 = arith.constant 0 : i32
      %parallel_loop3A_1208 = arith.cmpi ne, %parallel_loop3A_1206, %parallel_loop3A_1207 : i32
      %parallel_loop3A_1209 = arith.andi %parallel_loop3A_1205, %parallel_loop3A_1208 : i1
      %parallel_loop3A_1210 = arith.constant 1 : i32
      %parallel_loop3A_1211 = arith.subi %parallel_loop3A_1190, %parallel_loop3A_1210 : i32
      %parallel_loop3A_1212 = arith.select %parallel_loop3A_1209, %parallel_loop3A_1211, %parallel_loop3A_1190 : i32
      %parallel_loop3A_1213 = arith.constant 8 : i32
      %parallel_loop3A_1214 = arith.muli %parallel_loop3A_1212, %parallel_loop3A_1213 : i32
      %parallel_loop3A_1215 = arith.subi %parallel_loop3A_1188, %parallel_loop3A_1214 : i32
      %parallel_loop3A_1216 = arith.constant 16 : i32
      %parallel_loop3A_1217 = arith.muli %parallel_loop3A_1215, %parallel_loop3A_1216 : i32
      %parallel_loop3A_1218 = arith.index_cast %parallel_loop3A_1212 : i32 to index
      %parallel_loop3A_1219 = arith.index_cast %parallel_loop3A_1217 : i32 to index
      %parallel_loop3A_1220 = tpu.vector_load %arg9[%parallel_loop3A_1218, %parallel_loop3A_1219] {strides = array<i32>} : memref<200x128xi32, #tpu.memory_space<vmem>>, vector<16xi32>,
      %parallel_loop3A_1221 = tpu.vector_load_idx %arg5[%parallel_loop3A_1220] : memref<16xf32, #tpu.memory_space<vmem>>[vector<16xi32>], vector<16xf32>,
      %parallel_loop3A_1222 = arith.index_cast %parallel_loop3A_1212 : i32 to index
      %parallel_loop3A_1223 = arith.index_cast %parallel_loop3A_1217 : i32 to index
      %parallel_loop3A_1224 = tpu.vector_load %arg10[%parallel_loop3A_1222, %parallel_loop3A_1223] {strides = array<i32>} : memref<200x128xf32, #tpu.memory_space<vmem>>, vector<16xf32>,
      tpu.vector_store %arg10[%parallel_loop3A_1222, %parallel_loop3A_1223], %parallel_loop3A_1221 {strides = array<i32>} : memref<200x128xf32, #tpu.memory_space<vmem>>, vector<16xf32>,
      %parallel_loop3A_1225 = tpu.vector_load_idx %arg6[%parallel_loop3A_1220] : memref<16xf32, #tpu.memory_space<vmem>>[vector<16xi32>], vector<16xf32>,
      %parallel_loop3A_1226 = arith.index_cast %parallel_loop3A_1212 : i32 to index
      %parallel_loop3A_1227 = arith.index_cast %parallel_loop3A_1217 : i32 to index
      %parallel_loop3A_1228 = tpu.vector_load %arg11[%parallel_loop3A_1226, %parallel_loop3A_1227] {strides = array<i32>} : memref<200x128xf32, #tpu.memory_space<vmem>>, vector<16xf32>,
      tpu.vector_store %arg11[%parallel_loop3A_1226, %parallel_loop3A_1227], %parallel_loop3A_1225 {strides = array<i32>} : memref<200x128xf32, #tpu.memory_space<vmem>>, vector<16xf32>,
      %parallel_loop3A_1229 = tpu.vector_load_idx %arg7[%parallel_loop3A_1220] : memref<16xf32, #tpu.memory_space<vmem>>[vector<16xi32>], vector<16xf32>,
      %parallel_loop3A_1230 = arith.index_cast %parallel_loop3A_1212 : i32 to index
      %parallel_loop3A_1231 = arith.index_cast %parallel_loop3A_1217 : i32 to index
      %parallel_loop3A_1232 = tpu.vector_load %arg12[%parallel_loop3A_1230, %parallel_loop3A_1231] {strides = array<i32>} : memref<200x128xf32, #tpu.memory_space<vmem>>, vector<16xf32>,
      tpu.vector_store %arg12[%parallel_loop3A_1230, %parallel_loop3A_1231], %parallel_loop3A_1229 {strides = array<i32>} : memref<200x128xf32, #tpu.memory_space<vmem>>, vector<16xf32>,
    } {sc.loop_unroll_factor = 2 : i64, sc.parallel_access}
    %add3A_1008 = arith.constant 384 : i32
    %add3A_1009 = arith.addi %mul3A_2, %add3A_1008 : i32
    %dma_start3A_1010 = arith.constant 0 : i32
    %dma_start3A_1011 = arith.constant 128 : i32
    %dma_start3A_1012 = arith.constant 0 : i32
    %dma_start3A_1013 = tpu.memref_slice %arg10[%dma_start3A_1011, %dma_start3A_1012] : memref<200x128xf32, #tpu.memory_space<vmem>> -> memref<72x128xf32, #tpu.memory_space<vmem>>
    %dma_start3A_1014 = arith.constant 128 : i32
    %dma_start3A_1015 = tpu.memref_slice %arg4[%dma_start3A_1010, %dma_start3A_1014, %add3A_1009] : memref<3x200x16384xf32, #tpu.memory_space<hbm>> -> memref<1x72x128xf32, #tpu.memory_space<hbm>>
    %dma_start3A_1016 = tpu.memref_squeeze %dma_start3A_1015 : memref<1x72x128xf32, #tpu.memory_space<hbm>> -> memref<72x128xf32, #tpu.memory_space<hbm>>
    %dma_start3A_1017 = arith.constant 128 : i32
    %dma_start3A_1018 = tpu.memref_slice %arg4[%dma_start3A_1010, %dma_start3A_1017, %add3A_1009] : memref<3x200x16384xf32, #tpu.memory_space<hbm>> -> memref<1x72x128xf32, #tpu.memory_space<hbm>>
    %dma_start3A_1019 = tpu.memref_squeeze %dma_start3A_1018 : memref<1x72x128xf32, #tpu.memory_space<hbm>> -> memref<72x128xf32, #tpu.memory_space<hbm>>
    %dma_start3A_1020 = arith.constant 128 : i32
    %dma_start3A_1021 = arith.constant 0 : i32
    %dma_start3A_1022 = tpu.memref_slice %arg10[%dma_start3A_1020, %dma_start3A_1021] : memref<200x128xf32, #tpu.memory_space<vmem>> -> memref<72x128xf32, #tpu.memory_space<vmem>>
    tpu.enqueue_dma source(%dma_start3A_1022 : memref<72x128xf32, #tpu.memory_space<vmem>>) target(%dma_start3A_1019 : memref<72x128xf32, #tpu.memory_space<hbm>>) target_semaphore(%arg17 : memref<!tpu.dma_semaphore, #tpu.memory_space<semaphore_mem>>)
    %add3A_1023 = arith.constant 384 : i32
    %add3A_1024 = arith.addi %mul3A_2, %add3A_1023 : i32
    %dma_start3A_1025 = arith.constant 1 : i32
    %dma_start3A_1026 = arith.constant 128 : i32
    %dma_start3A_1027 = arith.constant 0 : i32
    %dma_start3A_1028 = tpu.memref_slice %arg11[%dma_start3A_1026, %dma_start3A_1027] : memref<200x128xf32, #tpu.memory_space<vmem>> -> memref<72x128xf32, #tpu.memory_space<vmem>>
    %dma_start3A_1029 = arith.constant 128 : i32
    %dma_start3A_1030 = tpu.memref_slice %arg4[%dma_start3A_1025, %dma_start3A_1029, %add3A_1024] : memref<3x200x16384xf32, #tpu.memory_space<hbm>> -> memref<1x72x128xf32, #tpu.memory_space<hbm>>
    %dma_start3A_1031 = tpu.memref_squeeze %dma_start3A_1030 : memref<1x72x128xf32, #tpu.memory_space<hbm>> -> memref<72x128xf32, #tpu.memory_space<hbm>>
    %dma_start3A_1032 = arith.constant 128 : i32
    %dma_start3A_1033 = tpu.memref_slice %arg4[%dma_start3A_1025, %dma_start3A_1032, %add3A_1024] : memref<3x200x16384xf32, #tpu.memory_space<hbm>> -> memref<1x72x128xf32, #tpu.memory_space<hbm>>
    %dma_start3A_1034 = tpu.memref_squeeze %dma_start3A_1033 : memref<1x72x128xf32, #tpu.memory_space<hbm>> -> memref<72x128xf32, #tpu.memory_space<hbm>>
    %dma_start3A_1035 = arith.constant 128 : i32
    %dma_start3A_1036 = arith.constant 0 : i32
    %dma_start3A_1037 = tpu.memref_slice %arg11[%dma_start3A_1035, %dma_start3A_1036] : memref<200x128xf32, #tpu.memory_space<vmem>> -> memref<72x128xf32, #tpu.memory_space<vmem>>
    tpu.enqueue_dma source(%dma_start3A_1037 : memref<72x128xf32, #tpu.memory_space<vmem>>) target(%dma_start3A_1034 : memref<72x128xf32, #tpu.memory_space<hbm>>) target_semaphore(%arg17 : memref<!tpu.dma_semaphore, #tpu.memory_space<semaphore_mem>>)
    %add3A_1038 = arith.constant 384 : i32
    %add3A_1039 = arith.addi %mul3A_2, %add3A_1038 : i32
    %dma_start3A_1040 = arith.constant 2 : i32
    %dma_start3A_1041 = arith.constant 128 : i32
    %dma_start3A_1042 = arith.constant 0 : i32
    %dma_start3A_1043 = tpu.memref_slice %arg12[%dma_start3A_1041, %dma_start3A_1042] : memref<200x128xf32, #tpu.memory_space<vmem>> -> memref<72x128xf32, #tpu.memory_space<vmem>>
    %dma_start3A_1044 = arith.constant 128 : i32
    %dma_start3A_1045 = tpu.memref_slice %arg4[%dma_start3A_1040, %dma_start3A_1044, %add3A_1039] : memref<3x200x16384xf32, #tpu.memory_space<hbm>> -> memref<1x72x128xf32, #tpu.memory_space<hbm>>
    %dma_start3A_1046 = tpu.memref_squeeze %dma_start3A_1045 : memref<1x72x128xf32, #tpu.memory_space<hbm>> -> memref<72x128xf32, #tpu.memory_space<hbm>>
    %dma_start3A_1047 = arith.constant 128 : i32
    %dma_start3A_1048 = tpu.memref_slice %arg4[%dma_start3A_1040, %dma_start3A_1047, %add3A_1039] : memref<3x200x16384xf32, #tpu.memory_space<hbm>> -> memref<1x72x128xf32, #tpu.memory_space<hbm>>
    %dma_start3A_1049 = tpu.memref_squeeze %dma_start3A_1048 : memref<1x72x128xf32, #tpu.memory_space<hbm>> -> memref<72x128xf32, #tpu.memory_space<hbm>>
    %dma_start3A_1050 = arith.constant 128 : i32
    %dma_start3A_1051 = arith.constant 0 : i32
    %dma_start3A_1052 = tpu.memref_slice %arg12[%dma_start3A_1050, %dma_start3A_1051] : memref<200x128xf32, #tpu.memory_space<vmem>> -> memref<72x128xf32, #tpu.memory_space<vmem>>
    tpu.enqueue_dma source(%dma_start3A_1052 : memref<72x128xf32, #tpu.memory_space<vmem>>) target(%dma_start3A_1049 : memref<72x128xf32, #tpu.memory_space<hbm>>) target_semaphore(%arg17 : memref<!tpu.dma_semaphore, #tpu.memory_space<semaphore_mem>>)
    %add3A_1053 = arith.constant 384 : i32
    %add3A_1054 = arith.addi %mul3A_2, %add3A_1053 : i32
    %dma_wait3A_1055 = arith.constant 0 : i32
    %dma_wait3A_1056 = arith.constant 0 : i32
    %dma_wait3A_1057 = arith.constant 0 : i32
    %dma_wait3A_1058 = tpu.memref_slice %arg10[%dma_wait3A_1056, %dma_wait3A_1057] : memref<200x128xf32, #tpu.memory_space<vmem>> -> memref<64x128xf32, #tpu.memory_space<vmem>>
    %dma_wait3A_1059 = arith.constant 0 : i32
    %dma_wait3A_1060 = tpu.memref_slice %arg4[%dma_wait3A_1055, %dma_wait3A_1059, %add3A_1054] : memref<3x200x16384xf32, #tpu.memory_space<hbm>> -> memref<1x64x128xf32, #tpu.memory_space<hbm>>
    %dma_wait3A_1061 = tpu.memref_squeeze %dma_wait3A_1060 : memref<1x64x128xf32, #tpu.memory_space<hbm>> -> memref<64x128xf32, #tpu.memory_space<hbm>>
    %dma_wait3A_1062 = arith.constant 0 : i32
    %dma_wait3A_1063 = tpu.memref_slice %arg4[%dma_wait3A_1055, %dma_wait3A_1062, %add3A_1054] : memref<3x200x16384xf32, #tpu.memory_space<hbm>> -> memref<1x64x128xf32, #tpu.memory_space<hbm>>
    %dma_wait3A_1064 = tpu.memref_squeeze %dma_wait3A_1063 : memref<1x64x128xf32, #tpu.memory_space<hbm>> -> memref<64x128xf32, #tpu.memory_space<hbm>>
    %dma_wait3A_1065 = arith.constant 0 : i32
    %dma_wait3A_1066 = arith.constant 0 : i32
    %dma_wait3A_1067 = tpu.memref_slice %arg10[%dma_wait3A_1065, %dma_wait3A_1066] : memref<200x128xf32, #tpu.memory_space<vmem>> -> memref<64x128xf32, #tpu.memory_space<vmem>>
    tpu.wait_dma2 semaphore(%arg15 : memref<!tpu.dma_semaphore, #tpu.memory_space<semaphore_mem>>) src(%dma_wait3A_1067 : memref<64x128xf32, #tpu.memory_space<vmem>>) dst(%dma_wait3A_1064 : memref<64x128xf32, #tpu.memory_space<hbm>>)
    %add3A_1068 = arith.constant 384 : i32
    %add3A_1069 = arith.addi %mul3A_2, %add3A_1068 : i32
    %dma_wait3A_1070 = arith.constant 1 : i32
    %dma_wait3A_1071 = arith.constant 0 : i32
    %dma_wait3A_1072 = arith.constant 0 : i32
    %dma_wait3A_1073 = tpu.memref_slice %arg11[%dma_wait3A_1071, %dma_wait3A_1072] : memref<200x128xf32, #tpu.memory_space<vmem>> -> memref<64x128xf32, #tpu.memory_space<vmem>>
    %dma_wait3A_1074 = arith.constant 0 : i32
    %dma_wait3A_1075 = tpu.memref_slice %arg4[%dma_wait3A_1070, %dma_wait3A_1074, %add3A_1069] : memref<3x200x16384xf32, #tpu.memory_space<hbm>> -> memref<1x64x128xf32, #tpu.memory_space<hbm>>
    %dma_wait3A_1076 = tpu.memref_squeeze %dma_wait3A_1075 : memref<1x64x128xf32, #tpu.memory_space<hbm>> -> memref<64x128xf32, #tpu.memory_space<hbm>>
    %dma_wait3A_1077 = arith.constant 0 : i32
    %dma_wait3A_1078 = tpu.memref_slice %arg4[%dma_wait3A_1070, %dma_wait3A_1077, %add3A_1069] : memref<3x200x16384xf32, #tpu.memory_space<hbm>> -> memref<1x64x128xf32, #tpu.memory_space<hbm>>
    %dma_wait3A_1079 = tpu.memref_squeeze %dma_wait3A_1078 : memref<1x64x128xf32, #tpu.memory_space<hbm>> -> memref<64x128xf32, #tpu.memory_space<hbm>>
    %dma_wait3A_1080 = arith.constant 0 : i32
    %dma_wait3A_1081 = arith.constant 0 : i32
    %dma_wait3A_1082 = tpu.memref_slice %arg11[%dma_wait3A_1080, %dma_wait3A_1081] : memref<200x128xf32, #tpu.memory_space<vmem>> -> memref<64x128xf32, #tpu.memory_space<vmem>>
    tpu.wait_dma2 semaphore(%arg15 : memref<!tpu.dma_semaphore, #tpu.memory_space<semaphore_mem>>) src(%dma_wait3A_1082 : memref<64x128xf32, #tpu.memory_space<vmem>>) dst(%dma_wait3A_1079 : memref<64x128xf32, #tpu.memory_space<hbm>>)
    %add3A_1083 = arith.constant 384 : i32
    %add3A_1084 = arith.addi %mul3A_2, %add3A_1083 : i32
    %dma_wait3A_1085 = arith.constant 2 : i32
    %dma_wait3A_1086 = arith.constant 0 : i32
    %dma_wait3A_1087 = arith.constant 0 : i32
    %dma_wait3A_1088 = tpu.memref_slice %arg12[%dma_wait3A_1086, %dma_wait3A_1087] : memref<200x128xf32, #tpu.memory_space<vmem>> -> memref<64x128xf32, #tpu.memory_space<vmem>>
    %dma_wait3A_1089 = arith.constant 0 : i32
    %dma_wait3A_1090 = tpu.memref_slice %arg4[%dma_wait3A_1085, %dma_wait3A_1089, %add3A_1084] : memref<3x200x16384xf32, #tpu.memory_space<hbm>> -> memref<1x64x128xf32, #tpu.memory_space<hbm>>
    %dma_wait3A_1091 = tpu.memref_squeeze %dma_wait3A_1090 : memref<1x64x128xf32, #tpu.memory_space<hbm>> -> memref<64x128xf32, #tpu.memory_space<hbm>>
    %dma_wait3A_1092 = arith.constant 0 : i32
    %dma_wait3A_1093 = tpu.memref_slice %arg4[%dma_wait3A_1085, %dma_wait3A_1092, %add3A_1084] : memref<3x200x16384xf32, #tpu.memory_space<hbm>> -> memref<1x64x128xf32, #tpu.memory_space<hbm>>
    %dma_wait3A_1094 = tpu.memref_squeeze %dma_wait3A_1093 : memref<1x64x128xf32, #tpu.memory_space<hbm>> -> memref<64x128xf32, #tpu.memory_space<hbm>>
    %dma_wait3A_1095 = arith.constant 0 : i32
    %dma_wait3A_1096 = arith.constant 0 : i32
    %dma_wait3A_1097 = tpu.memref_slice %arg12[%dma_wait3A_1095, %dma_wait3A_1096] : memref<200x128xf32, #tpu.memory_space<vmem>> -> memref<64x128xf32, #tpu.memory_space<vmem>>
    tpu.wait_dma2 semaphore(%arg15 : memref<!tpu.dma_semaphore, #tpu.memory_space<semaphore_mem>>) src(%dma_wait3A_1097 : memref<64x128xf32, #tpu.memory_space<vmem>>) dst(%dma_wait3A_1094 : memref<64x128xf32, #tpu.memory_space<hbm>>)
    %add3A_1098 = arith.constant 384 : i32
    %add3A_1099 = arith.addi %mul3A_2, %add3A_1098 : i32
    %dma_wait3A_1100 = arith.constant 0 : i32
    %dma_wait3A_1101 = arith.constant 64 : i32
    %dma_wait3A_1102 = arith.constant 0 : i32
    %dma_wait3A_1103 = tpu.memref_slice %arg10[%dma_wait3A_1101, %dma_wait3A_1102] : memref<200x128xf32, #tpu.memory_space<vmem>> -> memref<64x128xf32, #tpu.memory_space<vmem>>
    %dma_wait3A_1104 = arith.constant 64 : i32
    %dma_wait3A_1105 = tpu.memref_slice %arg4[%dma_wait3A_1100, %dma_wait3A_1104, %add3A_1099] : memref<3x200x16384xf32, #tpu.memory_space<hbm>> -> memref<1x64x128xf32, #tpu.memory_space<hbm>>
    %dma_wait3A_1106 = tpu.memref_squeeze %dma_wait3A_1105 : memref<1x64x128xf32, #tpu.memory_space<hbm>> -> memref<64x128xf32, #tpu.memory_space<hbm>>
    %dma_wait3A_1107 = arith.constant 64 : i32
    %dma_wait3A_1108 = tpu.memref_slice %arg4[%dma_wait3A_1100, %dma_wait3A_1107, %add3A_1099] : memref<3x200x16384xf32, #tpu.memory_space<hbm>> -> memref<1x64x128xf32, #tpu.memory_space<hbm>>
    %dma_wait3A_1109 = tpu.memref_squeeze %dma_wait3A_1108 : memref<1x64x128xf32, #tpu.memory_space<hbm>> -> memref<64x128xf32, #tpu.memory_space<hbm>>
    %dma_wait3A_1110 = arith.constant 64 : i32
    %dma_wait3A_1111 = arith.constant 0 : i32
    %dma_wait3A_1112 = tpu.memref_slice %arg10[%dma_wait3A_1110, %dma_wait3A_1111] : memref<200x128xf32, #tpu.memory_space<vmem>> -> memref<64x128xf32, #tpu.memory_space<vmem>>
    tpu.wait_dma2 semaphore(%arg16 : memref<!tpu.dma_semaphore, #tpu.memory_space<semaphore_mem>>) src(%dma_wait3A_1112 : memref<64x128xf32, #tpu.memory_space<vmem>>) dst(%dma_wait3A_1109 : memref<64x128xf32, #tpu.memory_space<hbm>>)
    %add3A_1113 = arith.constant 384 : i32
    %add3A_1114 = arith.addi %mul3A_2, %add3A_1113 : i32
    %dma_wait3A_1115 = arith.constant 1 : i32
    %dma_wait3A_1116 = arith.constant 64 : i32
    %dma_wait3A_1117 = arith.constant 0 : i32
    %dma_wait3A_1118 = tpu.memref_slice %arg11[%dma_wait3A_1116, %dma_wait3A_1117] : memref<200x128xf32, #tpu.memory_space<vmem>> -> memref<64x128xf32, #tpu.memory_space<vmem>>
    %dma_wait3A_1119 = arith.constant 64 : i32
    %dma_wait3A_1120 = tpu.memref_slice %arg4[%dma_wait3A_1115, %dma_wait3A_1119, %add3A_1114] : memref<3x200x16384xf32, #tpu.memory_space<hbm>> -> memref<1x64x128xf32, #tpu.memory_space<hbm>>
    %dma_wait3A_1121 = tpu.memref_squeeze %dma_wait3A_1120 : memref<1x64x128xf32, #tpu.memory_space<hbm>> -> memref<64x128xf32, #tpu.memory_space<hbm>>
    %dma_wait3A_1122 = arith.constant 64 : i32
    %dma_wait3A_1123 = tpu.memref_slice %arg4[%dma_wait3A_1115, %dma_wait3A_1122, %add3A_1114] : memref<3x200x16384xf32, #tpu.memory_space<hbm>> -> memref<1x64x128xf32, #tpu.memory_space<hbm>>
    %dma_wait3A_1124 = tpu.memref_squeeze %dma_wait3A_1123 : memref<1x64x128xf32, #tpu.memory_space<hbm>> -> memref<64x128xf32, #tpu.memory_space<hbm>>
    %dma_wait3A_1125 = arith.constant 64 : i32
    %dma_wait3A_1126 = arith.constant 0 : i32
    %dma_wait3A_1127 = tpu.memref_slice %arg11[%dma_wait3A_1125, %dma_wait3A_1126] : memref<200x128xf32, #tpu.memory_space<vmem>> -> memref<64x128xf32, #tpu.memory_space<vmem>>
    tpu.wait_dma2 semaphore(%arg16 : memref<!tpu.dma_semaphore, #tpu.memory_space<semaphore_mem>>) src(%dma_wait3A_1127 : memref<64x128xf32, #tpu.memory_space<vmem>>) dst(%dma_wait3A_1124 : memref<64x128xf32, #tpu.memory_space<hbm>>)
    %add3A_1128 = arith.constant 384 : i32
    %add3A_1129 = arith.addi %mul3A_2, %add3A_1128 : i32
    %dma_wait3A_1130 = arith.constant 2 : i32
    %dma_wait3A_1131 = arith.constant 64 : i32
    %dma_wait3A_1132 = arith.constant 0 : i32
    %dma_wait3A_1133 = tpu.memref_slice %arg12[%dma_wait3A_1131, %dma_wait3A_1132] : memref<200x128xf32, #tpu.memory_space<vmem>> -> memref<64x128xf32, #tpu.memory_space<vmem>>
    %dma_wait3A_1134 = arith.constant 64 : i32
    %dma_wait3A_1135 = tpu.memref_slice %arg4[%dma_wait3A_1130, %dma_wait3A_1134, %add3A_1129] : memref<3x200x16384xf32, #tpu.memory_space<hbm>> -> memref<1x64x128xf32, #tpu.memory_space<hbm>>
    %dma_wait3A_1136 = tpu.memref_squeeze %dma_wait3A_1135 : memref<1x64x128xf32, #tpu.memory_space<hbm>> -> memref<64x128xf32, #tpu.memory_space<hbm>>
    %dma_wait3A_1137 = arith.constant 64 : i32
    %dma_wait3A_1138 = tpu.memref_slice %arg4[%dma_wait3A_1130, %dma_wait3A_1137, %add3A_1129] : memref<3x200x16384xf32, #tpu.memory_space<hbm>> -> memref<1x64x128xf32, #tpu.memory_space<hbm>>
    %dma_wait3A_1139 = tpu.memref_squeeze %dma_wait3A_1138 : memref<1x64x128xf32, #tpu.memory_space<hbm>> -> memref<64x128xf32, #tpu.memory_space<hbm>>
    %dma_wait3A_1140 = arith.constant 64 : i32
    %dma_wait3A_1141 = arith.constant 0 : i32
    %dma_wait3A_1142 = tpu.memref_slice %arg12[%dma_wait3A_1140, %dma_wait3A_1141] : memref<200x128xf32, #tpu.memory_space<vmem>> -> memref<64x128xf32, #tpu.memory_space<vmem>>
    tpu.wait_dma2 semaphore(%arg16 : memref<!tpu.dma_semaphore, #tpu.memory_space<semaphore_mem>>) src(%dma_wait3A_1142 : memref<64x128xf32, #tpu.memory_space<vmem>>) dst(%dma_wait3A_1139 : memref<64x128xf32, #tpu.memory_space<hbm>>)
    %add3A_1143 = arith.constant 384 : i32
    %add3A_1144 = arith.addi %mul3A_2, %add3A_1143 : i32
    %dma_wait3A_1145 = arith.constant 0 : i32
    %dma_wait3A_1146 = arith.constant 128 : i32
    %dma_wait3A_1147 = arith.constant 0 : i32
    %dma_wait3A_1148 = tpu.memref_slice %arg10[%dma_wait3A_1146, %dma_wait3A_1147] : memref<200x128xf32, #tpu.memory_space<vmem>> -> memref<72x128xf32, #tpu.memory_space<vmem>>
    %dma_wait3A_1149 = arith.constant 128 : i32
    %dma_wait3A_1150 = tpu.memref_slice %arg4[%dma_wait3A_1145, %dma_wait3A_1149, %add3A_1144] : memref<3x200x16384xf32, #tpu.memory_space<hbm>> -> memref<1x72x128xf32, #tpu.memory_space<hbm>>
    %dma_wait3A_1151 = tpu.memref_squeeze %dma_wait3A_1150 : memref<1x72x128xf32, #tpu.memory_space<hbm>> -> memref<72x128xf32, #tpu.memory_space<hbm>>
    %dma_wait3A_1152 = arith.constant 128 : i32
    %dma_wait3A_1153 = tpu.memref_slice %arg4[%dma_wait3A_1145, %dma_wait3A_1152, %add3A_1144] : memref<3x200x16384xf32, #tpu.memory_space<hbm>> -> memref<1x72x128xf32, #tpu.memory_space<hbm>>
    %dma_wait3A_1154 = tpu.memref_squeeze %dma_wait3A_1153 : memref<1x72x128xf32, #tpu.memory_space<hbm>> -> memref<72x128xf32, #tpu.memory_space<hbm>>
    %dma_wait3A_1155 = arith.constant 128 : i32
    %dma_wait3A_1156 = arith.constant 0 : i32
    %dma_wait3A_1157 = tpu.memref_slice %arg10[%dma_wait3A_1155, %dma_wait3A_1156] : memref<200x128xf32, #tpu.memory_space<vmem>> -> memref<72x128xf32, #tpu.memory_space<vmem>>
    tpu.wait_dma2 semaphore(%arg17 : memref<!tpu.dma_semaphore, #tpu.memory_space<semaphore_mem>>) src(%dma_wait3A_1157 : memref<72x128xf32, #tpu.memory_space<vmem>>) dst(%dma_wait3A_1154 : memref<72x128xf32, #tpu.memory_space<hbm>>)
    %add3A_1158 = arith.constant 384 : i32
    %add3A_1159 = arith.addi %mul3A_2, %add3A_1158 : i32
    %dma_wait3A_1160 = arith.constant 1 : i32
    %dma_wait3A_1161 = arith.constant 128 : i32
    %dma_wait3A_1162 = arith.constant 0 : i32
    %dma_wait3A_1163 = tpu.memref_slice %arg11[%dma_wait3A_1161, %dma_wait3A_1162] : memref<200x128xf32, #tpu.memory_space<vmem>> -> memref<72x128xf32, #tpu.memory_space<vmem>>
    %dma_wait3A_1164 = arith.constant 128 : i32
    %dma_wait3A_1165 = tpu.memref_slice %arg4[%dma_wait3A_1160, %dma_wait3A_1164, %add3A_1159] : memref<3x200x16384xf32, #tpu.memory_space<hbm>> -> memref<1x72x128xf32, #tpu.memory_space<hbm>>
    %dma_wait3A_1166 = tpu.memref_squeeze %dma_wait3A_1165 : memref<1x72x128xf32, #tpu.memory_space<hbm>> -> memref<72x128xf32, #tpu.memory_space<hbm>>
    %dma_wait3A_1167 = arith.constant 128 : i32
    %dma_wait3A_1168 = tpu.memref_slice %arg4[%dma_wait3A_1160, %dma_wait3A_1167, %add3A_1159] : memref<3x200x16384xf32, #tpu.memory_space<hbm>> -> memref<1x72x128xf32, #tpu.memory_space<hbm>>
    %dma_wait3A_1169 = tpu.memref_squeeze %dma_wait3A_1168 : memref<1x72x128xf32, #tpu.memory_space<hbm>> -> memref<72x128xf32, #tpu.memory_space<hbm>>
    %dma_wait3A_1170 = arith.constant 128 : i32
    %dma_wait3A_1171 = arith.constant 0 : i32
    %dma_wait3A_1172 = tpu.memref_slice %arg11[%dma_wait3A_1170, %dma_wait3A_1171] : memref<200x128xf32, #tpu.memory_space<vmem>> -> memref<72x128xf32, #tpu.memory_space<vmem>>
    tpu.wait_dma2 semaphore(%arg17 : memref<!tpu.dma_semaphore, #tpu.memory_space<semaphore_mem>>) src(%dma_wait3A_1172 : memref<72x128xf32, #tpu.memory_space<vmem>>) dst(%dma_wait3A_1169 : memref<72x128xf32, #tpu.memory_space<hbm>>)
    %add3A_1173 = arith.constant 384 : i32
    %add3A_1174 = arith.addi %mul3A_2, %add3A_1173 : i32
    %dma_wait3A_1175 = arith.constant 2 : i32
    %dma_wait3A_1176 = arith.constant 128 : i32
    %dma_wait3A_1177 = arith.constant 0 : i32
    %dma_wait3A_1178 = tpu.memref_slice %arg12[%dma_wait3A_1176, %dma_wait3A_1177] : memref<200x128xf32, #tpu.memory_space<vmem>> -> memref<72x128xf32, #tpu.memory_space<vmem>>
    %dma_wait3A_1179 = arith.constant 128 : i32
    %dma_wait3A_1180 = tpu.memref_slice %arg4[%dma_wait3A_1175, %dma_wait3A_1179, %add3A_1174] : memref<3x200x16384xf32, #tpu.memory_space<hbm>> -> memref<1x72x128xf32, #tpu.memory_space<hbm>>
    %dma_wait3A_1181 = tpu.memref_squeeze %dma_wait3A_1180 : memref<1x72x128xf32, #tpu.memory_space<hbm>> -> memref<72x128xf32, #tpu.memory_space<hbm>>
    %dma_wait3A_1182 = arith.constant 128 : i32
    %dma_wait3A_1183 = tpu.memref_slice %arg4[%dma_wait3A_1175, %dma_wait3A_1182, %add3A_1174] : memref<3x200x16384xf32, #tpu.memory_space<hbm>> -> memref<1x72x128xf32, #tpu.memory_space<hbm>>
    %dma_wait3A_1184 = tpu.memref_squeeze %dma_wait3A_1183 : memref<1x72x128xf32, #tpu.memory_space<hbm>> -> memref<72x128xf32, #tpu.memory_space<hbm>>
    %dma_wait3A_1185 = arith.constant 128 : i32
    %dma_wait3A_1186 = arith.constant 0 : i32
    %dma_wait3A_1187 = tpu.memref_slice %arg12[%dma_wait3A_1185, %dma_wait3A_1186] : memref<200x128xf32, #tpu.memory_space<vmem>> -> memref<72x128xf32, #tpu.memory_space<vmem>>
    tpu.wait_dma2 semaphore(%arg17 : memref<!tpu.dma_semaphore, #tpu.memory_space<semaphore_mem>>) src(%dma_wait3A_1187 : memref<72x128xf32, #tpu.memory_space<vmem>>) dst(%dma_wait3A_1184 : memref<72x128xf32, #tpu.memory_space<hbm>>)
    return
  }
}

</mosaic_0001>

<sc_bundles>
// kernel: kernel.3.cloned.1.call-start
scs
__scs_entry_jumppad:
0x0: {  	(pc) =	sbr.rel $0x88, $3  }
0x1: {  	(tag) =	ssettag $0x0;
	lr =	simm.s32 $0x1  }
0x2: {  	[smem:$0x3F9F] =	sst lr;
	_ =	strace $0xD0000000  }
0x3: {  	_ = 	snop  }
0x4: {  	_ = 	snop  }
0x5: {  	_ = 	snop  }
0x6: {  	_ = 	snop  }
0x7: {  	_ = 	snop  }
__scs_overlays_trampoline_lowered:
0x8: {  	[smem:$0x3FAE] =	sst s0  }
0x9: {  	[smem:$0x3FAF] =	sst s1  }
0xa: {  	[smem:$0x3FB0] =	sst s2  }
0xb: {  	[smem:$0x3FB1] =	sst s3  }
0xc: {  	[smem:$0x3FB2] =	sst s4  }
0xd: {  	[smem:$0x3FB3] =	sst s5  }
0xe: {  	[smem:$0x3FB4] =	sst s6  }
0xf: {  	[smem:$0x3FB5] =	sst s7  }
0x10: {  	[smem:$0x3FB6] =	sst s8  }
0x11: {  	[smem:$0x3FB7] =	sst s9;
	s0 =	simm.s32 @!p0 $0x0  }
0x12: {  	s1 =	sld [smem:$0x3F9D];
	s0 =	simm.s32 @p0 $0x1  }
0x13: {  	[smem:$0x3FB8] =	sst s0;
	s0 =	simm.s32 @!p1 $0x0  }
0x14: {  	s2 =	sld [smem:$0x3F9C];
	s0 =	simm.s32 @p1 $0x1  }
0x15: {  	[smem:$0x3FB9] =	sst s0;
	s0 =	simm.s32 @!p2 $0x0  }
0x16: {  	s3 =	sld [smem:$0x3FDB];
	s0 =	simm.s32 @p2 $0x1  }
0x17: {  	s4 =	simm.s32 $0x1BF5;
	[smem:$0x3FBB] =	sst s0  }
0x18: {  	s0 =	sld [smem:$0x3F9E];
	_ =	swait.ge [sflag:s4], $0x0  }
0x19: {  	s7 =	sld [smem:$0x3F9F]  }
0x1a: {  	s8 =	sadd.s32 $0xFFFFE003, lr  }
0x1b: {  	s9 =	sadd.s32 $0xFFFFFEF7, lr;
	s5 =	simm.s32 $0xFFFFFFFF;
	p2 =	slt.u32 s8, $0xFFFFF086  }
0x1c: {  	p1 =	slt.u32 s9, $0xF7A;
	s5 =	simm.s32 @!p2 $0x0  }
0x1d: {  	s5 =	simm.s32 @p1 $0x1;
	p0 =	seq.s32 s7, s2  }
0x1e: {  	s7 =	smul.u32 @!p0 $0xF7A, s2;
	p2 =	seq.s32 @!p0 s5, $0x0  }
0x1f: {  	s9 =	smul.u32 $0xF7A, s1;
	s8 =	simm.s32 @!p0 $0x1BF5;
	p2 =	por !p2, p0  }
0x20: {  	[sflag:s8] =	ssyncset.s32 @!p0 $0xFFFFF086;
	s6 =	sadd.s32 @!p0 s3, s7;
	s7 =	simm.s32 @!p0 $0x108  }
0x21: {  	s3 =	sadd.s32 s3, s9;
	s6 =	sadd.s32 @!p0 $0x88, s6;
	s7 =	simm.s32 @p2 $0x1082  }
0x22: {  	[simem:s7], [sflag:s8] =	dma.local @!p0 [hbm:s6], $0xF7A  }
0x23: {  	s9 =	sor.u32 $0xD0000000, s2;
	s6 =	simm.s32 $0x108;
	_ =	swait.ge @!p0 [sflag:s8], $0x0  }
0x24: {  	s3 =	sadd.s32 $0x88, s3;
	s6 =	simm.s32 @!p1 $0x1082;
	[sflag:s4] =	ssyncset.s32 $0xFFFFF086  }
0x25: {  	[simem:s6], [sflag:s4] =	dma.local [hbm:s3], $0xF7A  }
0x26: {  	[smem:$0x3F9F] =	sst s1;
	(tag) =	ssettag s2;
	_ =	strace s9  }
0x27: {  	s1 =	sld [smem:$0x3FAF]  }
0x28: {  	s2 =	sld [smem:$0x3FB0]  }
0x29: {  	s4 =	sld [smem:$0x3FB2]  }
0x2a: {  	p0 =	seq.s32 s5, $0x0;
	s5 =	sld [smem:$0x3FB3]  }
0x2b: {  	s6 =	sld [smem:$0x3FB4]  }
0x2c: {  	s7 =	sld [smem:$0x3FB5]  }
0x2d: {  	s3 =	simm.s32 $0x108;
	s8 =	sld [smem:$0x3FB6]  }
0x2e: {  	s3 =	simm.s32 @!p0 $0x1082;
	s9 =	sld [smem:$0x3FB7]  }
0x2f: {  	lr =	sadd.s32 s0, s3;
	s0 =	sld [smem:$0x3FAE]  }
0x30: {  	s3 =	sld [smem:$0x3FB1]  }
0x31: {  	[smem:$0x3FBA] =	sst s10  }
0x32: {  	s10 =	sld [smem:$0x3FB8];
	_ =	sdelay $0x3  }
0x33: {  	p0 =	seq.s32 s10, $0x1;
	s10 =	sld [smem:$0x3FBA];
	_ =	sdelay $0x3  }
0x34: {  	[smem:$0x3FBA] =	sst s10  }
0x35: {  	s10 =	sld [smem:$0x3FB9];
	_ =	sdelay $0x3  }
0x36: {  	p1 =	seq.s32 s10, $0x1;
	s10 =	sld [smem:$0x3FBA];
	_ =	sdelay $0x3  }
0x37: {  	[smem:$0x3FBA] =	sst s10  }
0x38: {  	s10 =	sld [smem:$0x3FBB]  }
0x39: {  	_ = 	snop;
	(pc) =	sbr.ind lr, $3  }
0x3a: {  	_ = 	snop  }
0x3b: {  	_ = 	snop  }
0x3c: {  	p2 =	seq.s32 s10, $0x1;
	s10 =	sld [smem:$0x3FBA]  }
0x3d: {  	_ =	shalt  }
0x3e: {  	_ =	shalt  }
0x3f: {  	_ =	shalt  }
0x40: {  	_ =	shalt  }
0x41: {  	_ =	shalt  }
0x42: {  	_ =	shalt  }
0x43: {  	_ =	shalt  }
0x44: {  	_ =	shalt  }
0x45: {  	_ =	shalt  }
0x46: {  	_ =	shalt  }
0x47: {  	_ =	shalt  }
0x48: {  	_ =	shalt  }
0x49: {  	_ =	shalt  }
0x4a: {  	_ =	shalt  }
0x4b: {  	_ =	shalt  }
0x4c: {  	_ =	shalt  }
0x4d: {  	_ =	shalt  }
0x4e: {  	_ =	shalt  }
0x4f: {  	_ =	shalt  }
0x50: {  	_ =	shalt  }
0x51: {  	_ =	shalt  }
0x52: {  	_ =	shalt  }
0x53: {  	_ =	shalt  }
0x54: {  	_ =	shalt  }
0x55: {  	_ =	shalt  }
0x56: {  	_ =	shalt  }
0x57: {  	_ =	shalt  }
0x58: {  	_ =	shalt  }
0x59: {  	_ =	shalt  }
0x5a: {  	_ =	shalt  }
0x5b: {  	_ =	shalt  }
0x5c: {  	_ =	shalt  }
0x5d: {  	_ =	shalt  }
0x5e: {  	_ =	shalt  }
0x5f: {  	_ =	shalt  }
0x60: {  	_ =	shalt  }
0x61: {  	_ =	shalt  }
0x62: {  	_ =	shalt  }
0x63: {  	_ =	shalt  }
0x64: {  	_ =	shalt  }
0x65: {  	_ =	shalt  }
0x66: {  	_ =	shalt  }
0x67: {  	_ =	shalt  }
0x68: {  	_ =	shalt  }
0x69: {  	_ =	shalt  }
0x6a: {  	_ =	shalt  }
0x6b: {  	_ =	shalt  }
0x6c: {  	_ =	shalt  }
0x6d: {  	_ =	shalt  }
0x6e: {  	_ =	shalt  }
0x6f: {  	_ =	shalt  }
0x70: {  	_ =	shalt  }
0x71: {  	_ =	shalt  }
0x72: {  	_ =	shalt  }
0x73: {  	_ =	shalt  }
0x74: {  	_ =	shalt  }
0x75: {  	_ =	shalt  }
0x76: {  	_ =	shalt  }
0x77: {  	_ =	shalt  }
0x78: {  	_ =	shalt  }
0x79: {  	_ =	shalt  }
0x7a: {  	_ =	shalt  }
0x7b: {  	_ =	shalt  }
0x7c: {  	_ =	shalt  }
0x7d: {  	_ =	shalt  }
0x7e: {  	_ =	shalt  }
0x7f: {  	_ =	shalt  }
0x80: {  	_ =	shalt  }
0x81: {  	_ =	shalt  }
0x82: {  	_ =	shalt  }
0x83: {  	_ =	shalt  }
0x84: {  	_ =	shalt  }
0x85: {  	_ =	shalt  }
0x86: {  	_ =	shalt  }
0x87: {  	_ =	shalt  }
.Lfunc_end0:
.L_simem_size_0:
called_computation_lowered:
.L_overlay_start_0:
0x88: {  	s2 =	sld [smem:$0x3FD9]  }
0x89: {  	s3 =	sld [smem:$0x3FFE];
	_ =	sdelay $0x1  }
0x8a: {  	s1 =	srdreg.scid  }
0x8b: {  	s0 =	sand.u32 $0x1, s1  }
0x8c: {  	s17 =	sshll.u32 s0, $0xA;
	s2 =	sadd.s32 s3, s2  }
0x8d: {  	s2 =	sadd.s32 s2, s17  }
0x8e: {  	[smem:$0x3FC6] =	sst s2  }
0x8f: {  	_ = 	snop  }
0x90: {  	s2 =	sld [smem:$0x3FC9]  }
0x91: {  	s18 =	sld [smem:$0x3FD0];
	(tm) =	ssettm $0x1  }
0x92: {  	s4 =	sld [smem:$0x3FFB];
	_ =	sdelay $0x3  }
0x93: {  	_ =	strace s4  }
0x94: {  	s4 =	sld [smem:$0x3FFC];
	_ =	sdelay $0x3  }
0x95: {  	_ =	strace s4  }
0x96: {  	s4 =	sld [smem:$0x3FFD];
	_ =	sdelay $0x3  }
0x97: {  	_ =	strace s4  }
0x98: {  	_ =	strace $0x8FFFFFFF  }
0x99: {  	s19 =	sld [smem:$0x3FDB];
	_ =	sdelay $0x1  }
0x9a: {  	s5 =	simm.s32 $_scs_section_size  }
0x9b: {  	s6 =	simm.s32 $_size__tile_overlayer_lowered;
	s7 =	simm.s32 $_tile_overlayer_lowered  }
0x9c: {  	s22 =	simm.s32 $0x1BFF;
	s21 =	sshll.u32 s7, $0x1;
	s4 =	sadd.s32 s5, s19  }
0x9d: {  	s8 =	simm.s32 $0x0;
	s20 =	sshll.u32 s6, $0x1;
	s6 =	sadd.s32 s21, s4  }
0x9e: {  	[timem:s8], [sflag:s22] =	dma.local [hbm:s6], s20  }
0x9f: {  	_ =	swait.ge [sflag:s22], s20  }
0xa0: {  	s5 =	ssub.s32 $0x0, s20;
	[sflag:s22] =	ssyncset.done $0x0  }
0xa1: {  	[sflag:s22] =	ssyncadd.s32 s5;
	_ =	sdelay $0x1  }
0xa2: {  	s23 =	simm.s32 $0x1B8B  }
0xa3: {  	_ =	swait.ge [sflag:s23], $0x1  }
0xa4: {  	[sflag:s23] =	ssyncset.done $0x0  }
0xa5: {  	s25 =	simm.s32 $0x1B8E;
	s24 =	sld [smem:$0x3FFE];
	[sflag:s23] =	ssyncadd.s32 $0xFFFFFFFF  }
0xa6: {  	s26 =	simm.s32 $execute0_lowered;
	[smem:$0x3FD2] =	sst s25  }
0xa7: {  	s6 =	sshll.u32 s26, $0x1;
	_ =	strace $0x80000046;
	[dreg:$0x1] =	wrdreg $0xFFFFFFFF  }
0xa8: {  	s28 =	simm.s32 $_size_execute0_lowered;
	s4 =	sadd.s32 s4, s6;
	[dreg:$0x0] =	wrdreg $0x0  }
0xa9: {  	s6 =	sshll.u32 s28, $0x1;
	[dreg:$0x2] =	wrdreg s4  }
0xaa: {  	[dreg:$0x3] =	wrdreg s6  }
0xab: {  	[dreg:$0x4] =	wrdreg $0xC0  }
0xac: {  	_ =	task [dreg:s8], $0x5FFFF  }
0xad: {  	[dreg:$0x1] =	wrdreg $0xFFFFFFFF  }
0xae: {  	[dreg:$0x0] =	wrdreg $0x60  }
0xaf: {  	[dreg:$0x2] =	wrdreg s2  }
0xb0: {  	[dreg:$0x3] =	wrdreg s24  }
0xb1: {  	[dreg:$0x4] =	wrdreg s18  }
0xb2: {  	[dreg:$0x5] =	wrdreg $0x9  }
0xb3: {  	_ =	task.clear_ibuf [dreg:s8], $0x6FFFF;
	_ =	strace $0x90000046  }
0xb4: {  	s29 =	simm.s32 $0x9;
	_ =	strace $0x80000048  }
0xb5: {  	_ =	swait.ge [sflag:s29], $0x1  }
0xb6: {  	[sflag:s29] =	ssyncadd.s32 $0xFFFFFFFF  }
0xb7: {  	_ =	strace $0x90000048  }
0xb8: {  	_ =	sfence  }
0xb9: {  	s30 =	sld [smem:$0x0];
	_ =	sdelay $0x2  }
0xba: {  	s31 =	sshll.u32 s1, $0xD;
	s1 =	sshrl.u32 s1, $0x2  }
0xbb: {  	s3 =	sand.u32 $0x4000, s31;
	s1 =	sadd.s32 s1, s30  }
0xbc: {  	s0 =	sor.u32 s3, s0;
	s1 =	sshll.u32 s1, $0x11  }
0xbd: {  	s0 =	sor.u32 s1, s0  }
0xbe: {  	s0 =	sadd.s32 $0x8F2B, s0  }
0xbf: {  	[sflag:s0] =	ssyncadd.remote.s32 $0x1  }
0xc0: {  	_ =	sfence.sel $0xFFFF  }
0xc1: {  	[dreg:$0x0] =	wrdreg $0xFFFFFFFF;
	(pc) =	sbr.abs _section_cstart, $3  }
0xc2: {  	[dreg:$0x1] =	wrdreg $0xFFFFFFFF  }
0xc3: {  	_ =	task.clear_ibuf [dreg:s8], $0x2FFFF;
	_ =	strace $0x9FFFFFFF  }
0xc4: {  	(tm) =	ssettm $0x7FFFFFFF  }
0xc5: {  	_ =	shalt  }
tec
execute0_lowered:
.L_overlay_start_1:
0x0: {  	(tag) =	ssettag $0x1  }
0x1: {  	s0 =	rddreg [dreg:$0x0]  }
0x2: {  	s8 =	rddreg [dreg:$0x1]  }
0x3: {  	s1 =	rddreg [dreg:$0x2];
	s3 =	simm.s32 $0x0;
	s2 =	srdreg.scid  }
0x4: {  	s5 =	stileid.u32;
	[smem:$0x7FF] =	sst s3  }
0x5: {  	s2 =	sand.u32 $0x1, s2;
	s5 =	sshll.u32 s5, $0xA;
	s12 =	sadd.s32 $0x2, s8  }
0x6: {  	s13 =	sadd.s32 $0x4, s8;
	s4 =	ssub.s32 $0x2, s2;
	s2 =	sshll.u32 s2, $0x9  }
0x7: {  	_ =	strace $0x80000047;
	[dreg:$0x6] =	wrdreg s12;
	s2 =	sor.u32 s2, s5  }
0x8: {  	[dreg:$0x7] =	wrdreg s13;
	s5 =	sadd.s32 s0, s2;
	s10 =	sor.u32 $0x80, s2  }
0x9: {  	s7 =	sadd.s32 s1, s2;
	[dreg:$0x4] =	wrdreg s5;
	s11 =	sadd.s32 s0, s10  }
0xa: {  	s14 =	sadd.s32 $0x64000, s7;
	[dreg:$0x5] =	wrdreg s11  }
0xb: {  	s15 =	sadd.s32 $0xC8000, s7;
	[dreg:$0x8] =	wrdreg s14  }
0xc: {  	s16 =	sadd.s32 $0x20000, s7;
	[dreg:$0x9] =	wrdreg s15  }
0xd: {  	s17 =	sadd.s32 $0x84000, s7;
	[dreg:$0xa] =	wrdreg s16  }
0xe: {  	s18 =	sadd.s32 $0xE8000, s7;
	[dreg:$0xb] =	wrdreg s17  }
0xf: {  	s19 =	sadd.s32 $0x40000, s7;
	[dreg:$0xc] =	wrdreg s18  }
0x10: {  	s20 =	sadd.s32 $0xA4000, s7;
	[dreg:$0xd] =	wrdreg s19  }
0x11: {  	s21 =	sor.u32 $0x100, s2;
	s22 =	sadd.s32 $0x108000, s7;
	[dreg:$0xe] =	wrdreg s20  }
0x12: {  	s23 =	sadd.s32 s0, s21;
	[dreg:$0xf] =	wrdreg s22  }
0x13: {  	s5 =	sadd.s32 s1, s10;
	[dreg:$0x10] =	wrdreg s23  }
0x14: {  	s24 =	sadd.s32 $0x64080, s7;
	[dreg:$0x11] =	wrdreg s5  }
0x15: {  	s2 =	sor.u32 $0x180, s2;
	s25 =	sadd.s32 $0xC8080, s7;
	[dreg:$0x12] =	wrdreg s24  }
0x16: {  	s0 =	sadd.s32 s0, s2;
	[dreg:$0x13] =	wrdreg s25  }
0x17: {  	s6 =	sshrl.u32 s4, $0x1;
	s26 =	sadd.s32 s1, s21;
	[dreg:$0x14] =	wrdreg s0  }
0x18: {  	s4 =	ssub.s32 s4, s6;
	s2 =	sadd.s32 s1, s2;
	[dreg:$0x15] =	wrdreg s26  }
0x19: {  	s6 =	smax.u32 s4, $0x1;
	[dreg:$0x16] =	wrdreg s2  }
0x1a: {  	s8 =	sadd.s32 $0x84080, s7;
	[dreg:$0x18] =	wrdreg s6  }
0x1b: {  	s9 =	sadd.s32 $0xE8080, s7;
	[dreg:$0x19] =	wrdreg s8  }
0x1c: {  	s10 =	sadd.s32 $0x40080, s7;
	[dreg:$0x1a] =	wrdreg s9  }
0x1d: {  	s12 =	sadd.s32 $0x108080, s7;
	[dreg:$0x1b] =	wrdreg s10  }
0x1e: {  	s13 =	sadd.s32 $0x64100, s7;
	[dreg:$0x1d] =	wrdreg s12  }
0x1f: {  	s21 =	sadd.s32 $0x64180, s7;
	[dreg:$0x1e] =	wrdreg s13  }
0x20: {  	s5 =	sadd.s32 $0x20080, s7;
	[smem:$0x7F8] =	sst s21  }
0x21: {  	s11 =	sadd.s32 $0xA4080, s7;
	[dreg:$0x17] =	wrdreg s5  }
0x22: {  	s14 =	sadd.s32 $0xC8100, s7;
	[dreg:$0x1c] =	wrdreg s11  }
0x23: {  	s28 =	simm.s32 $0xE980;
	s15 =	sadd.s32 $0x20100, s7;
	[dreg:$0x1f] =	wrdreg s14  }
0x24: {  	s29 =	simm.s32 $0x14D80;
	s16 =	sadd.s32 $0x84100, s7;
	[smem:$0x7F2] =	sst s15  }
0x25: {  	s30 =	simm.s32 $0x1B180;
	s17 =	sadd.s32 $0xE8100, s7;
	[smem:$0x7F3] =	sst s16  }
0x26: {  	s31 =	simm.s32 $0x10980;
	s18 =	sadd.s32 $0x40100, s7;
	[smem:$0x7F4] =	sst s17  }
0x27: {  	s1 =	simm.s32 $0x2;
	s19 =	sadd.s32 $0xA4100, s7;
	[smem:$0x7F5] =	sst s18  }
0x28: {  	s4 =	simm.s32 $0x3;
	s20 =	sadd.s32 $0x108100, s7;
	[smem:$0x7F6] =	sst s19  }
0x29: {  	s22 =	sadd.s32 $0xC8180, s7;
	s23 =	sadd.s32 $0x20180, s7;
	[smem:$0x7F7] =	sst s20  }
0x2a: {  	s24 =	sadd.s32 $0x84180, s7;
	s25 =	sadd.s32 $0xE8180, s7;
	[smem:$0x7F9] =	sst s22  }
0x2b: {  	s26 =	sadd.s32 $0x40180, s7;
	s21 =	simm.s32 $0x12D80;
	[smem:$0x7FA] =	sst s23  }
0x2c: {  	s0 =	simm.s32 $0x16D80;
	s2 =	simm.s32 $0x1D180;
	[smem:$0x7FB] =	sst s24  }
0x2d: {  	s6 =	simm.s32 $0x5;
	s8 =	simm.s32 $0x0;
	[smem:$0x7FC] =	sst s25  }
0x2e: {  	[smem:$0x7FD] =	sst s26;
	s16 =	sadd.s32 $0xA4180, s7;
	s17 =	sadd.s32 $0x108180, s7  }
0x2f: {  	s18 =	simm.s32 $0x400;
	s19 =	simm.s32 $0x20000;
	s22 =	simm.s32 $0x80  }
0x30: {  	s23 =	simm.s32 $0x100;
	s24 =	simm.s32 $0x6;
	s20 =	simm.s32 $0x1  }
0x31: {  	s25 =	simm.s32 $0xC980;
	s26 =	simm.s32 $0x19180;
	s5 =	simm.s32 $0x4  }
.LBB2_1:
0x32: {  	s9 =	rddreg [dreg:$0x4];
	s10 =	simm.s32 $0x180  }
0x33: {  	[tilespmem:s10], [sflag:$0x1] =	stream.strided.gather [hbm4b:s9+s18], $0x6400, s19, s18, $0x38;
	[tilespmem:$0x1F580] =	vst v63  }
0x34: {  	s11 =	rddreg [dreg:$0x5];
	s12 =	simm.s32 $0x6580  }
0x35: {  	[tilespmem:s12], [sflag:$0x2] =	stream.strided.gather [hbm4b:s11+s18], $0x6400, s19, s18, $0x38;
	[tilespmem:$0x1F580] =	vst v63  }
0x36: {  	s13 =	rddreg [dreg:$0x1]  }
0x37: {  	[tilespmem:s3], [sflag:$0x6] =	stream.linear.gather [hbm4b:s13+s3], $0x10, $0x38;
	[tilespmem:$0x1F580] =	vst v63  }
0x38: {  	s14 =	rddreg [dreg:$0x6]  }
0x39: {  	[tilespmem:s22], [sflag:$0x6] =	stream.linear.gather [hbm4b:s14+s3], $0x10, $0x38;
	[tilespmem:$0x1F580] =	vst v63  }
0x3a: {  	s15 =	rddreg [dreg:$0x7]  }
0x3b: {  	[tilespmem:s23], [sflag:$0x6] =	stream.linear.gather [hbm4b:s15+s3], $0x10, $0x38;
	[tilespmem:$0x1F580] =	vst v63  }
0x3c: {  	_ =	swait.ge [sflag:s24], $0x10  }
0x3d: {  	[sflag:s24] =	ssyncset.done $0x0  }
0x3e: {  	[sflag:s24] =	ssyncadd.s32 $0xFFFFFFF0  }
0x3f: {  	_ =	swait.ge [sflag:s24], $0x10  }
0x40: {  	[sflag:s24] =	ssyncset.done $0x0  }
0x41: {  	[sflag:s24] =	ssyncadd.s32 $0xFFFFFFF0  }
0x42: {  	_ =	swait.ge [sflag:s24], $0x10  }
0x43: {  	[sflag:s24] =	ssyncset.done $0x0  }
0x44: {  	[sflag:s24] =	ssyncadd.s32 $0xFFFFFFF0  }
0x45: {  	_ =	swait.ge [sflag:s20], $0x6400  }
0x46: {  	[sflag:s20] =	ssyncset.done $0x0  }
0x47: {  	s10 =	simm.s32 $0x190;
	[sflag:s20] =	ssyncadd.s32 $0xFFFF9C00  }
0x48: {  	v3 =	vld [tilespmem:s10+$0x0];
	_ =	sdelay $0x3  }
0x49: {  	s11 =	simm.s32 $0x1B0;
	v5 =	vld [tilespmem:s10+$0xFFFFFFF0]  }
0x4a: {  	v6 =	vld [tilespmem:s11+$0x0];
	_ =	sdelay $0x1  }
0x4b: {  	v0 =	vld [tilespmem:s11+$0xFFFFFFF0]  }
0x4c: {  	v1 =	vld.idx.msk [tilespmem:v3+s3+$0x0], $0xffff  }
0x4d: {  	s13 =	simm.s32 $0x1D0  }
0x4e: {  	v2 =	vld [tilespmem:s13+$0x0];
	_ =	sdelay $0x1  }
0x4f: {  	s12 =	simm.s32 $0xC990;
	v4 =	vld.idx.msk [tilespmem:v5+s3+$0x0], $0xffff  }
0x50: {  	v8 =	vld.idx.msk [tilespmem:v6+s3+$0x0], $0xffff;
	[tilespmem:s12+$0x0] =	vst v1  }
0x51: {  	v7 =	vld.idx.msk [tilespmem:v3+s22+$0x0], $0xffff  }
0x52: {  	v1 =	vld [tilespmem:s13+$0xFFFFFFF0]  }
0x53: {  	s11 =	simm.s32 $0x1F0;
	v9 =	vld.idx.msk [tilespmem:v0+s3+$0x0], $0xffff  }
0x54: {  	s15 =	simm.s32 $0xC9B0;
	[tilespmem:s12+$0xFFFFFFF0] =	vst v4;
	v4 =	vld [tilespmem:s11+$0x0]  }
0x55: {  	s14 =	simm.s32 $0x12D90;
	[tilespmem:s15+$0x0] =	vst v8;
	v8 =	vld.idx.msk [tilespmem:v2+s3+$0x0], $0xffff  }
0x56: {  	[tilespmem:s14+$0x0] =	vst v7;
	v7 =	vld.idx.msk [tilespmem:v6+s22+$0x0], $0xffff  }
0x57: {  	v10 =	vld.idx.msk [tilespmem:v5+s22+$0x0], $0xffff  }
0x58: {  	v11 =	vld.idx.msk [tilespmem:v3+s23+$0x0], $0xffff  }
0x59: {  	v3 =	vld [tilespmem:s11+$0xFFFFFFF0]  }
0x5a: {  	s9 =	simm.s32 $0x12DB0;
	[tilespmem:s15+$0xFFFFFFF0] =	vst v9;
	v9 =	vld.idx.msk [tilespmem:v1+s3+$0x0], $0xffff  }
0x5b: {  	[tilespmem:s9+$0x0] =	vst v7;
	v7 =	vld.idx.msk [tilespmem:v0+s22+$0x0], $0xffff  }
0x5c: {  	s12 =	simm.s32 $0xC9D0;
	[tilespmem:s14+$0xFFFFFFF0] =	vst v10;
	v6 =	vld.idx.msk [tilespmem:v6+s23+$0x0], $0xffff  }
0x5d: {  	[tilespmem:s12+$0x0] =	vst v8;
	s11 =	simm.s32 $0x19190;
	v5 =	vld.idx.msk [tilespmem:v5+s23+$0x0], $0xffff  }
0x5e: {  	v8 =	vld.idx.msk [tilespmem:v2+s22+$0x0], $0xffff;
	[tilespmem:s11+$0x0] =	vst v11  }
0x5f: {  	s10 =	simm.s32 $0x19190;
	s13 =	simm.s32 $0x6;
	s14 =	simm.s32 $0x210;
	v10 =	vld.idx.msk [tilespmem:v4+s3+$0x0], $0xffff;
	[tilespmem:s12+$0xFFFFFFF0] =	vst v9;
	v9 =	vmov v4  }
.LBB2_2:
0x60: {  	v11 =	vld [tilespmem:s14+$0x0];
	s13 =	sadd.s32 $0x2, s13;
	[tilespmem:s9+$0xFFFFFFF0] =	vst v7;
	s11 =	sadd.s32 $0x20, s11  }
0x61: {  	v12 =	vld [tilespmem:s14+$0xFFFFFFF0];
	p0 =	slt.u32 s13, $0x1FE;
	[tilespmem:s11+$0x0] =	vst v6  }
0x62: {  	s9 =	sadd.s32 $0x20, s9;
	v13 =	vld.idx.msk [tilespmem:v3+s3+$0x0], $0xffff;
	[tilespmem:s10+$0xFFFFFFF0] =	vst v5;
	s10 =	smov.u32 s11  }
0x63: {  	v7 =	vld.idx.msk [tilespmem:v1+s22+$0x0], $0xffff;
	[tilespmem:s9+$0x0] =	vst v8  }
.Ltmp0:
0x64: {  	s12 =	sadd.s32 $0x20, s12;
	v6 =	vld.idx.msk [tilespmem:v2+s23+$0x0], $0xffff;
	v2 =	vmov v4;
	(pc) =	sbr.rel @p0 .LBB2_2-.Ltmp0, $3  }
0x65: {  	[tilespmem:s12+$0x0] =	vst v10;
	v5 =	vld.idx.msk [tilespmem:v0+s23+$0x0], $0xffff;
	v4 =	vmov v11;
	v0 =	vmov v1;
	v1 =	vmov v3  }
0x66: {  	v8 =	vld.idx.msk [tilespmem:v9+s22+$0x0], $0xffff;
	v9 =	vmov v11;
	v3 =	vmov v12;
	_ =	sdelay $0x1  }
0x67: {  	s14 =	sadd.s32 $0x20, s14;
	v10 =	vld.idx.msk [tilespmem:v11+s3+$0x0], $0xffff;
	[tilespmem:s12+$0xFFFFFFF0] =	vst v13  }
0x68: {  	_ =	sdelay $0x3  }
0x69: {  	v11 =	vld.idx.msk [tilespmem:v3+s3+$0x0], $0xffff;
	_ =	sdelay $0x2  }
0x6a: {  	s12 =	sadd.s32 $0x20, s12  }
0x6b: {  	[tilespmem:s12+$0x0] =	vst v10;
	v10 =	vld.idx.msk [tilespmem:v1+s22+$0x0], $0xffff  }
0x6c: {  	v9 =	vld.idx.msk [tilespmem:v9+s22+$0x0], $0xffff;
	[tilespmem:s12+$0xFFFFFFF0] =	vst v11  }
0x6d: {  	[tilespmem:s9+$0xFFFFFFF0] =	vst v7;
	s11 =	sadd.s32 $0x20, s11;
	v7 =	vld.idx.msk [tilespmem:v3+s22+$0x0], $0xffff  }
0x6e: {  	s14 =	sadd.s32 $0x20, s9;
	[tilespmem:s11+$0x0] =	vst v6  }
0x6f: {  	v0 =	vld.idx.msk [tilespmem:v0+s23+$0x0], $0xffff;
	[tilespmem:s14+$0x0] =	vst v8  }
0x70: {  	s15 =	sadd.s32 $0x20, s14;
	v2 =	vld.idx.msk [tilespmem:v2+s23+$0x0], $0xffff;
	[tilespmem:s14+$0xFFFFFFF0] =	vst v10  }
0x71: {  	[tilespmem:s15+$0x0] =	vst v9;
	v1 =	vld.idx.msk [tilespmem:v1+s23+$0x0], $0xffff  }
0x72: {  	v4 =	vld.idx.msk [tilespmem:v4+s23+$0x0], $0xffff;
	[tilespmem:s15+$0xFFFFFFF0] =	vst v7  }
0x73: {  	[tilespmem:s10+$0xFFFFFFF0] =	vst v5;
	v3 =	vld.idx.msk [tilespmem:v3+s23+$0x0], $0xffff  }
0x74: {  	s12 =	sadd.s32 $0x20, s11;
	[tilespmem:s11+$0xFFFFFFF0] =	vst v0  }
0x75: {  	[tilespmem:s12+$0x0] =	vst v2  }
0x76: {  	s13 =	sadd.s32 $0x20, s12;
	[tilespmem:s12+$0xFFFFFFF0] =	vst v1  }
0x77: {  	[tilespmem:s13+$0x0] =	vst v4  }
0x78: {  	[tilespmem:s13+$0xFFFFFFF0] =	vst v3  }
0x79: {  	[hbm4b:s7+s18] =	stream.strided.scatter [tilespmem:s25], [sflag:$0x3], $0x2000, s19, s18, $0x38;
	[tilespmem:$0x1F580] =	vst v63  }
0x7a: {  	s9 =	rddreg [dreg:$0x8]  }
0x7b: {  	[hbm4b:s9+s18] =	stream.strided.scatter [tilespmem:s21], [sflag:$0x3], $0x2000, s19, s18, $0x38;
	[tilespmem:$0x1F580] =	vst v63  }
0x7c: {  	s15 =	simm.s32 $0x2190;
	s14 =	rddreg [dreg:$0x9]  }
0x7d: {  	[hbm4b:s14+s18] =	stream.strided.scatter [tilespmem:s26], [sflag:$0x3], $0x2000, s19, s18, $0x38;
	[tilespmem:$0x1F580] =	vst v63  }
0x7e: {  	v3 =	vld [tilespmem:s15+$0x0];
	_ =	sdelay $0x3  }
0x7f: {  	s10 =	simm.s32 $0x21B0;
	v5 =	vld [tilespmem:s15+$0xFFFFFFF0]  }
0x80: {  	v6 =	vld [tilespmem:s10+$0x0];
	_ =	sdelay $0x1  }
0x81: {  	v0 =	vld [tilespmem:s10+$0xFFFFFFF0]  }
0x82: {  	v1 =	vld.idx.msk [tilespmem:v3+s3+$0x0], $0xffff  }
0x83: {  	s12 =	simm.s32 $0x21D0  }
0x84: {  	v2 =	vld [tilespmem:s12+$0x0];
	_ =	sdelay $0x1  }
0x85: {  	s11 =	simm.s32 $0xE990;
	v4 =	vld.idx.msk [tilespmem:v5+s3+$0x0], $0xffff  }
0x86: {  	v8 =	vld.idx.msk [tilespmem:v6+s3+$0x0], $0xffff;
	[tilespmem:s11+$0x0] =	vst v1  }
0x87: {  	v7 =	vld.idx.msk [tilespmem:v3+s22+$0x0], $0xffff  }
0x88: {  	v1 =	vld [tilespmem:s12+$0xFFFFFFF0]  }
0x89: {  	s15 =	simm.s32 $0x21F0;
	v9 =	vld.idx.msk [tilespmem:v0+s3+$0x0], $0xffff  }
0x8a: {  	s14 =	simm.s32 $0xE9B0;
	[tilespmem:s11+$0xFFFFFFF0] =	vst v4;
	v4 =	vld [tilespmem:s15+$0x0]  }
0x8b: {  	s13 =	simm.s32 $0x14D90;
	[tilespmem:s14+$0x0] =	vst v8;
	v8 =	vld.idx.msk [tilespmem:v2+s3+$0x0], $0xffff  }
0x8c: {  	[tilespmem:s13+$0x0] =	vst v7;
	v7 =	vld.idx.msk [tilespmem:v6+s22+$0x0], $0xffff  }
0x8d: {  	v10 =	vld.idx.msk [tilespmem:v5+s22+$0x0], $0xffff  }
0x8e: {  	v11 =	vld.idx.msk [tilespmem:v3+s23+$0x0], $0xffff  }
0x8f: {  	v3 =	vld [tilespmem:s15+$0xFFFFFFF0]  }
0x90: {  	s9 =	simm.s32 $0x14DB0;
	[tilespmem:s14+$0xFFFFFFF0] =	vst v9;
	v9 =	vld.idx.msk [tilespmem:v1+s3+$0x0], $0xffff  }
0x91: {  	[tilespmem:s9+$0x0] =	vst v7;
	v7 =	vld.idx.msk [tilespmem:v0+s22+$0x0], $0xffff  }
0x92: {  	s12 =	simm.s32 $0xE9D0;
	[tilespmem:s13+$0xFFFFFFF0] =	vst v10;
	v6 =	vld.idx.msk [tilespmem:v6+s23+$0x0], $0xffff  }
0x93: {  	s11 =	simm.s32 $0x1B190;
	[tilespmem:s12+$0x0] =	vst v8;
	v5 =	vld.idx.msk [tilespmem:v5+s23+$0x0], $0xffff  }
0x94: {  	v8 =	vld.idx.msk [tilespmem:v2+s22+$0x0], $0xffff;
	[tilespmem:s11+$0x0] =	vst v11  }
0x95: {  	s10 =	simm.s32 $0x1B190;
	s14 =	simm.s32 $0x2210;
	s13 =	simm.s32 $0x206;
	v10 =	vld.idx.msk [tilespmem:v4+s3+$0x0], $0xffff;
	[tilespmem:s12+$0xFFFFFFF0] =	vst v9;
	v9 =	vmov v4  }
.LBB2_4:
0x96: {  	v11 =	vld [tilespmem:s14+$0x0];
	s13 =	sadd.s32 $0x2, s13;
	[tilespmem:s9+$0xFFFFFFF0] =	vst v7;
	s11 =	sadd.s32 $0x20, s11  }
0x97: {  	v12 =	vld [tilespmem:s14+$0xFFFFFFF0];
	p0 =	slt.u32 s13, $0x3FE;
	[tilespmem:s11+$0x0] =	vst v6  }
0x98: {  	s9 =	sadd.s32 $0x20, s9;
	v13 =	vld.idx.msk [tilespmem:v3+s3+$0x0], $0xffff;
	[tilespmem:s10+$0xFFFFFFF0] =	vst v5;
	s10 =	smov.u32 s11  }
0x99: {  	v7 =	vld.idx.msk [tilespmem:v1+s22+$0x0], $0xffff;
	[tilespmem:s9+$0x0] =	vst v8  }
.Ltmp1:
0x9a: {  	s12 =	sadd.s32 $0x20, s12;
	v6 =	vld.idx.msk [tilespmem:v2+s23+$0x0], $0xffff;
	v2 =	vmov v4;
	(pc) =	sbr.rel @p0 .LBB2_4-.Ltmp1, $3  }
0x9b: {  	[tilespmem:s12+$0x0] =	vst v10;
	v5 =	vld.idx.msk [tilespmem:v0+s23+$0x0], $0xffff;
	v4 =	vmov v11;
	v0 =	vmov v1;
	v1 =	vmov v3  }
0x9c: {  	v8 =	vld.idx.msk [tilespmem:v9+s22+$0x0], $0xffff;
	v9 =	vmov v11;
	v3 =	vmov v12;
	_ =	sdelay $0x1  }
0x9d: {  	s14 =	sadd.s32 $0x20, s14;
	v10 =	vld.idx.msk [tilespmem:v11+s3+$0x0], $0xffff;
	[tilespmem:s12+$0xFFFFFFF0] =	vst v13  }
0x9e: {  	_ =	sdelay $0x3  }
0x9f: {  	v11 =	vld.idx.msk [tilespmem:v3+s3+$0x0], $0xffff;
	_ =	sdelay $0x2  }
0xa0: {  	s12 =	sadd.s32 $0x20, s12  }
0xa1: {  	[tilespmem:s12+$0x0] =	vst v10;
	v10 =	vld.idx.msk [tilespmem:v1+s22+$0x0], $0xffff  }
0xa2: {  	v9 =	vld.idx.msk [tilespmem:v9+s22+$0x0], $0xffff;
	[tilespmem:s12+$0xFFFFFFF0] =	vst v11  }
0xa3: {  	[tilespmem:s9+$0xFFFFFFF0] =	vst v7;
	s11 =	sadd.s32 $0x20, s11;
	v7 =	vld.idx.msk [tilespmem:v3+s22+$0x0], $0xffff  }
0xa4: {  	s14 =	sadd.s32 $0x20, s9;
	[tilespmem:s11+$0x0] =	vst v6  }
0xa5: {  	v0 =	vld.idx.msk [tilespmem:v0+s23+$0x0], $0xffff;
	[tilespmem:s14+$0x0] =	vst v8  }
0xa6: {  	s15 =	sadd.s32 $0x20, s14;
	v2 =	vld.idx.msk [tilespmem:v2+s23+$0x0], $0xffff;
	[tilespmem:s14+$0xFFFFFFF0] =	vst v10  }
0xa7: {  	[tilespmem:s15+$0x0] =	vst v9;
	v1 =	vld.idx.msk [tilespmem:v1+s23+$0x0], $0xffff  }
0xa8: {  	v4 =	vld.idx.msk [tilespmem:v4+s23+$0x0], $0xffff;
	[tilespmem:s15+$0xFFFFFFF0] =	vst v7  }
0xa9: {  	[tilespmem:s10+$0xFFFFFFF0] =	vst v5;
	v3 =	vld.idx.msk [tilespmem:v3+s23+$0x0], $0xffff  }
0xaa: {  	s12 =	sadd.s32 $0x20, s11;
	[tilespmem:s11+$0xFFFFFFF0] =	vst v0  }
0xab: {  	[tilespmem:s12+$0x0] =	vst v2  }
0xac: {  	s13 =	sadd.s32 $0x20, s12;
	[tilespmem:s12+$0xFFFFFFF0] =	vst v1  }
0xad: {  	[tilespmem:s13+$0x0] =	vst v4  }
0xae: {  	[tilespmem:s13+$0xFFFFFFF0] =	vst v3  }
0xaf: {  	s9 =	rddreg [dreg:$0xa]  }
0xb0: {  	[hbm4b:s9+s18] =	stream.strided.scatter [tilespmem:s28], [sflag:$0x4], $0x2000, s19, s18, $0x38;
	[tilespmem:$0x1F580] =	vst v63  }
0xb1: {  	s14 =	rddreg [dreg:$0xb]  }
0xb2: {  	[hbm4b:s14+s18] =	stream.strided.scatter [tilespmem:s29], [sflag:$0x4], $0x2000, s19, s18, $0x38;
	[tilespmem:$0x1F580] =	vst v63  }
0xb3: {  	s10 =	simm.s32 $0x0;
	s15 =	rddreg [dreg:$0xc]  }
0xb4: {  	[hbm4b:s15+s18] =	stream.strided.scatter [tilespmem:s30], [sflag:$0x4], $0x2000, s19, s18, $0x38;
	[tilespmem:$0x1F580] =	vst v63  }
0xb5: {  	v3 =	vld [tilespmem:s10+$0x4190];
	_ =	sdelay $0x2  }
0xb6: {  	s9 =	simm.s32 $0x20;
	v4 =	vld [tilespmem:s10+$0x4180]  }
0xb7: {  	v6 =	vld [tilespmem:s9+$0x4190];
	_ =	sdelay $0x1  }
0xb8: {  	s11 =	simm.s32 $0x40;
	v0 =	vld [tilespmem:s9+$0x4180]  }
0xb9: {  	v2 =	vld [tilespmem:s11+$0x4190]  }
0xba: {  	v1 =	vld.idx.msk [tilespmem:v3+s3+$0x0], $0xffff;
	_ =	sdelay $0x2  }
0xbb: {  	v5 =	vld.idx.msk [tilespmem:v4+s3+$0x0], $0xffff  }
0xbc: {  	v8 =	vld.idx.msk [tilespmem:v6+s3+$0x0], $0xffff  }
0xbd: {  	[tilespmem:s10+$0x10990] =	vst v1;
	v1 =	vld [tilespmem:s11+$0x4180]  }
0xbe: {  	v7 =	vld.idx.msk [tilespmem:v3+s22+$0x0], $0xffff  }
0xbf: {  	v9 =	vld.idx.msk [tilespmem:v0+s3+$0x0], $0xffff  }
0xc0: {  	s12 =	simm.s32 $0x60;
	v12 =	vld.idx.msk [tilespmem:v2+s3+$0x0], $0xffff;
	[tilespmem:s10+$0x10980] =	vst v5  }
0xc1: {  	[tilespmem:s9+$0x10990] =	vst v8;
	v5 =	vld [tilespmem:s12+$0x4190]  }
0xc2: {  	v8 =	vld.idx.msk [tilespmem:v6+s22+$0x0], $0xffff  }
0xc3: {  	v10 =	vld.idx.msk [tilespmem:v4+s22+$0x0], $0xffff;
	[tilespmem:s10+$0x16D90] =	vst v7  }
0xc4: {  	v11 =	vld.idx.msk [tilespmem:v3+s23+$0x0], $0xffff  }
0xc5: {  	v3 =	vld [tilespmem:s12+$0x4180]  }
0xc6: {  	[tilespmem:s9+$0x10980] =	vst v9;
	v7 =	vld.idx.msk [tilespmem:v1+s3+$0x0], $0xffff  }
0xc7: {  	[tilespmem:s9+$0x16D90] =	vst v8;
	v8 =	vld.idx.msk [tilespmem:v0+s22+$0x0], $0xffff  }
0xc8: {  	[tilespmem:s10+$0x16D80] =	vst v10;
	v9 =	vld.idx.msk [tilespmem:v6+s23+$0x0], $0xffff  }
0xc9: {  	[tilespmem:s11+$0x10990] =	vst v12;
	v6 =	vld.idx.msk [tilespmem:v4+s23+$0x0], $0xffff  }
0xca: {  	s13 =	simm.s32 $0x406;
	s14 =	simm.s32 $0x200;
	v10 =	vmov v5;
	v4 =	vmov v5;
	[tilespmem:s10+$0x1D190] =	vst v11;
	v11 =	vld.idx.msk [tilespmem:v2+s22+$0x0], $0xffff  }
.LBB2_6:
0xcb: {  	s15 =	sshra.s32 s14, $0x2;
	s13 =	sadd.s32 $0x2, s13;
	v12 =	vld.idx.msk [tilespmem:v5+s3+$0x0], $0xffff;
	[tilespmem:s11+$0x10980] =	vst v7  }
0xcc: {  	v5 =	vld [tilespmem:s15+$0x4190];
	p0 =	slt.u32 s13, $0x63E;
	[tilespmem:s9+$0x16D80] =	vst v8  }
0xcd: {  	v13 =	vld [tilespmem:s15+$0x4180];
	[tilespmem:s9+$0x1D190] =	vst v9  }
0xce: {  	v7 =	vld.idx.msk [tilespmem:v3+s3+$0x0], $0xffff;
	[tilespmem:s10+$0x1D180] =	vst v6;
	s10 =	smov.u32 s9;
	s9 =	smov.u32 s11;
	s11 =	smov.u32 s12  }
.Ltmp2:
0xcf: {  	s12 =	smov.u32 s15;
	v8 =	vld.idx.msk [tilespmem:v1+s22+$0x0], $0xffff;
	[tilespmem:s9+$0x16D90] =	vst v11;
	(pc) =	sbr.rel @p0 .LBB2_6-.Ltmp2, $4  }
0xd0: {  	v9 =	vld.idx.msk [tilespmem:v2+s23+$0x0], $0xffff;
	v2 =	vmov v4  }
0xd1: {  	[tilespmem:s11+$0x10990] =	vst v12;
	v6 =	vld.idx.msk [tilespmem:v0+s23+$0x0], $0xffff;
	v4 =	vmov v5;
	v0 =	vmov v1;
	v1 =	vmov v3  }
0xd2: {  	v11 =	vld.idx.msk [tilespmem:v10+s22+$0x0], $0xffff;
	v10 =	vmov v5;
	v3 =	vmov v13  }
0xd3: {  	s14 =	sadd.s32 $0x80, s14  }
0xd4: {  	_ =	sdelay $0x3  }
0xd5: {  	v5 =	vld.idx.msk [tilespmem:v5+s3+$0x0], $0xffff  }
0xd6: {  	v12 =	vld.idx.msk [tilespmem:v3+s3+$0x0], $0xffff;
	_ =	sdelay $0x2  }
0xd7: {  	[tilespmem:s11+$0x10980] =	vst v7  }
0xd8: {  	v7 =	vld.idx.msk [tilespmem:v1+s22+$0x0], $0xffff;
	[tilespmem:s12+$0x10990] =	vst v5  }
0xd9: {  	[tilespmem:s12+$0x10980] =	vst v12;
	v5 =	vld.idx.msk [tilespmem:v10+s22+$0x0], $0xffff  }
0xda: {  	[tilespmem:s9+$0x16D80] =	vst v8;
	v8 =	vld.idx.msk [tilespmem:v3+s22+$0x0], $0xffff  }
0xdb: {  	[tilespmem:s9+$0x1D190] =	vst v9  }
0xdc: {  	v0 =	vld.idx.msk [tilespmem:v0+s23+$0x0], $0xffff;
	[tilespmem:s11+$0x16D90] =	vst v11  }
0xdd: {  	v2 =	vld.idx.msk [tilespmem:v2+s23+$0x0], $0xffff;
	[tilespmem:s11+$0x16D80] =	vst v7  }
0xde: {  	v1 =	vld.idx.msk [tilespmem:v1+s23+$0x0], $0xffff;
	[tilespmem:s12+$0x16D90] =	vst v5  }
0xdf: {  	[tilespmem:s12+$0x16D80] =	vst v8;
	v4 =	vld.idx.msk [tilespmem:v4+s23+$0x0], $0xffff  }
0xe0: {  	[tilespmem:s10+$0x1D180] =	vst v6;
	v3 =	vld.idx.msk [tilespmem:v3+s23+$0x0], $0xffff  }
0xe1: {  	[tilespmem:s9+$0x1D180] =	vst v0  }
0xe2: {  	[tilespmem:s11+$0x1D190] =	vst v2  }
0xe3: {  	[tilespmem:s11+$0x1D180] =	vst v1  }
0xe4: {  	[tilespmem:s12+$0x1D190] =	vst v4  }
0xe5: {  	[tilespmem:s12+$0x1D180] =	vst v3  }
0xe6: {  	s9 =	rddreg [dreg:$0xd]  }
0xe7: {  	[hbm4b:s9+s18] =	stream.strided.scatter [tilespmem:s31], [sflag:$0x5], $0x2400, s19, s18, $0x38;
	[tilespmem:$0x1F580] =	vst v63  }
0xe8: {  	s11 =	rddreg [dreg:$0xe]  }
0xe9: {  	[hbm4b:s11+s18] =	stream.strided.scatter [tilespmem:s0], [sflag:$0x5], $0x2400, s19, s18, $0x38;
	[tilespmem:$0x1F580] =	vst v63  }
0xea: {  	s12 =	rddreg [dreg:$0xf]  }
0xeb: {  	[hbm4b:s12+s18] =	stream.strided.scatter [tilespmem:s2], [sflag:$0x5], $0x2400, s19, s18, $0x38;
	[tilespmem:$0x1F580] =	vst v63  }
0xec: {  	s14 =	simm.s32 $0x180;
	s13 =	rddreg [dreg:$0x10]  }
0xed: {  	[tilespmem:s14], [sflag:$0x1] =	stream.strided.gather [hbm4b:s13+s18], $0x6400, s19, s18, $0x38;
	[tilespmem:$0x1F580] =	vst v63  }
0xee: {  	_ =	swait.ge [sflag:s1], $0x6400  }
0xef: {  	[sflag:s1] =	ssyncset.done $0x0  }
0xf0: {  	[sflag:s1] =	ssyncadd.s32 $0xFFFF9C00  }
0xf1: {  	_ =	swait.ge [sflag:s4], $0x2000  }
0xf2: {  	[sflag:s4] =	ssyncset.done $0x0  }
0xf3: {  	[sflag:s4] =	ssyncadd.s32 $0xFFFFE000  }
0xf4: {  	_ =	swait.ge [sflag:s4], $0x2000  }
0xf5: {  	[sflag:s4] =	ssyncset.done $0x0  }
0xf6: {  	[sflag:s4] =	ssyncadd.s32 $0xFFFFE000  }
0xf7: {  	_ =	swait.ge [sflag:s4], $0x2000  }
0xf8: {  	[sflag:s4] =	ssyncset.done $0x0  }
0xf9: {  	s15 =	simm.s32 $0x6590;
	[sflag:s4] =	ssyncadd.s32 $0xFFFFE000  }
0xfa: {  	v3 =	vld [tilespmem:s15+$0x0];
	_ =	sdelay $0x3  }
0xfb: {  	s10 =	simm.s32 $0x65B0;
	v5 =	vld [tilespmem:s15+$0xFFFFFFF0]  }
0xfc: {  	v6 =	vld [tilespmem:s10+$0x0];
	_ =	sdelay $0x1  }
0xfd: {  	v0 =	vld [tilespmem:s10+$0xFFFFFFF0]  }
0xfe: {  	v1 =	vld.idx.msk [tilespmem:v3+s3+$0x0], $0xffff  }
0xff: {  	s12 =	simm.s32 $0x65D0  }
0x100: {  	v2 =	vld [tilespmem:s12+$0x0];
	_ =	sdelay $0x1  }
0x101: {  	s11 =	simm.s32 $0xC990;
	v4 =	vld.idx.msk [tilespmem:v5+s3+$0x0], $0xffff  }
0x102: {  	v8 =	vld.idx.msk [tilespmem:v6+s3+$0x0], $0xffff;
	[tilespmem:s11+$0x0] =	vst v1  }
0x103: {  	v7 =	vld.idx.msk [tilespmem:v3+s22+$0x0], $0xffff  }
0x104: {  	v1 =	vld [tilespmem:s12+$0xFFFFFFF0]  }
0x105: {  	s15 =	simm.s32 $0x65F0;
	v9 =	vld.idx.msk [tilespmem:v0+s3+$0x0], $0xffff  }
0x106: {  	s14 =	simm.s32 $0xC9B0;
	[tilespmem:s11+$0xFFFFFFF0] =	vst v4;
	v4 =	vld [tilespmem:s15+$0x0]  }
0x107: {  	s13 =	simm.s32 $0x12D90;
	[tilespmem:s14+$0x0] =	vst v8;
	v8 =	vld.idx.msk [tilespmem:v2+s3+$0x0], $0xffff  }
0x108: {  	[tilespmem:s13+$0x0] =	vst v7;
	v7 =	vld.idx.msk [tilespmem:v6+s22+$0x0], $0xffff  }
0x109: {  	v10 =	vld.idx.msk [tilespmem:v5+s22+$0x0], $0xffff  }
0x10a: {  	v11 =	vld.idx.msk [tilespmem:v3+s23+$0x0], $0xffff  }
0x10b: {  	v3 =	vld [tilespmem:s15+$0xFFFFFFF0]  }
0x10c: {  	s9 =	simm.s32 $0x12DB0;
	[tilespmem:s14+$0xFFFFFFF0] =	vst v9;
	v9 =	vld.idx.msk [tilespmem:v1+s3+$0x0], $0xffff  }
0x10d: {  	[tilespmem:s9+$0x0] =	vst v7;
	v7 =	vld.idx.msk [tilespmem:v0+s22+$0x0], $0xffff  }
0x10e: {  	s12 =	simm.s32 $0xC9D0;
	[tilespmem:s13+$0xFFFFFFF0] =	vst v10;
	v6 =	vld.idx.msk [tilespmem:v6+s23+$0x0], $0xffff  }
0x10f: {  	s11 =	simm.s32 $0x19190;
	[tilespmem:s12+$0x0] =	vst v8;
	v5 =	vld.idx.msk [tilespmem:v5+s23+$0x0], $0xffff  }
0x110: {  	v8 =	vld.idx.msk [tilespmem:v2+s22+$0x0], $0xffff;
	[tilespmem:s11+$0x0] =	vst v11  }
0x111: {  	s10 =	simm.s32 $0x19190;
	s14 =	simm.s32 $0x6610;
	s13 =	simm.s32 $0x6;
	v10 =	vld.idx.msk [tilespmem:v4+s3+$0x0], $0xffff;
	[tilespmem:s12+$0xFFFFFFF0] =	vst v9;
	v9 =	vmov v4  }
.LBB2_8:
0x112: {  	v11 =	vld [tilespmem:s14+$0x0];
	s13 =	sadd.s32 $0x2, s13;
	[tilespmem:s9+$0xFFFFFFF0] =	vst v7;
	s11 =	sadd.s32 $0x20, s11  }
0x113: {  	v12 =	vld [tilespmem:s14+$0xFFFFFFF0];
	p0 =	slt.u32 s13, $0x1FE;
	[tilespmem:s11+$0x0] =	vst v6  }
0x114: {  	s9 =	sadd.s32 $0x20, s9;
	v13 =	vld.idx.msk [tilespmem:v3+s3+$0x0], $0xffff;
	[tilespmem:s10+$0xFFFFFFF0] =	vst v5;
	s10 =	smov.u32 s11  }
0x115: {  	v7 =	vld.idx.msk [tilespmem:v1+s22+$0x0], $0xffff;
	[tilespmem:s9+$0x0] =	vst v8  }
.Ltmp3:
0x116: {  	s12 =	sadd.s32 $0x20, s12;
	v6 =	vld.idx.msk [tilespmem:v2+s23+$0x0], $0xffff;
	v2 =	vmov v4;
	(pc) =	sbr.rel @p0 .LBB2_8-.Ltmp3, $3  }
0x117: {  	[tilespmem:s12+$0x0] =	vst v10;
	v5 =	vld.idx.msk [tilespmem:v0+s23+$0x0], $0xffff;
	v4 =	vmov v11;
	v0 =	vmov v1;
	v1 =	vmov v3  }
0x118: {  	v8 =	vld.idx.msk [tilespmem:v9+s22+$0x0], $0xffff;
	v9 =	vmov v11;
	v3 =	vmov v12;
	_ =	sdelay $0x1  }
0x119: {  	s14 =	sadd.s32 $0x20, s14;
	v10 =	vld.idx.msk [tilespmem:v11+s3+$0x0], $0xffff;
	[tilespmem:s12+$0xFFFFFFF0] =	vst v13  }
0x11a: {  	_ =	sdelay $0x3  }
0x11b: {  	v11 =	vld.idx.msk [tilespmem:v3+s3+$0x0], $0xffff;
	_ =	sdelay $0x2  }
0x11c: {  	s12 =	sadd.s32 $0x20, s12  }
0x11d: {  	[tilespmem:s12+$0x0] =	vst v10;
	v10 =	vld.idx.msk [tilespmem:v1+s22+$0x0], $0xffff  }
0x11e: {  	v9 =	vld.idx.msk [tilespmem:v9+s22+$0x0], $0xffff;
	[tilespmem:s12+$0xFFFFFFF0] =	vst v11  }
0x11f: {  	[tilespmem:s9+$0xFFFFFFF0] =	vst v7;
	s11 =	sadd.s32 $0x20, s11;
	v7 =	vld.idx.msk [tilespmem:v3+s22+$0x0], $0xffff  }
0x120: {  	s14 =	sadd.s32 $0x20, s9;
	[tilespmem:s11+$0x0] =	vst v6  }
0x121: {  	v0 =	vld.idx.msk [tilespmem:v0+s23+$0x0], $0xffff;
	[tilespmem:s14+$0x0] =	vst v8  }
0x122: {  	s15 =	sadd.s32 $0x20, s14;
	v2 =	vld.idx.msk [tilespmem:v2+s23+$0x0], $0xffff;
	[tilespmem:s14+$0xFFFFFFF0] =	vst v10  }
0x123: {  	[tilespmem:s15+$0x0] =	vst v9;
	v1 =	vld.idx.msk [tilespmem:v1+s23+$0x0], $0xffff  }
0x124: {  	v4 =	vld.idx.msk [tilespmem:v4+s23+$0x0], $0xffff;
	[tilespmem:s15+$0xFFFFFFF0] =	vst v7  }
0x125: {  	[tilespmem:s10+$0xFFFFFFF0] =	vst v5;
	v3 =	vld.idx.msk [tilespmem:v3+s23+$0x0], $0xffff  }
0x126: {  	s10 =	sadd.s32 $0x20, s11;
	[tilespmem:s11+$0xFFFFFFF0] =	vst v0  }
0x127: {  	[tilespmem:s10+$0x0] =	vst v2  }
0x128: {  	s12 =	sadd.s32 $0x20, s10;
	[tilespmem:s10+$0xFFFFFFF0] =	vst v1  }
0x129: {  	[tilespmem:s12+$0x0] =	vst v4  }
0x12a: {  	[tilespmem:s12+$0xFFFFFFF0] =	vst v3  }
0x12b: {  	s9 =	rddreg [dreg:$0x11]  }
0x12c: {  	[hbm4b:s9+s18] =	stream.strided.scatter [tilespmem:s25], [sflag:$0x3], $0x2000, s19, s18, $0x38;
	[tilespmem:$0x1F580] =	vst v63  }
0x12d: {  	s13 =	rddreg [dreg:$0x12]  }
0x12e: {  	[hbm4b:s13+s18] =	stream.strided.scatter [tilespmem:s21], [sflag:$0x3], $0x2000, s19, s18, $0x38;
	[tilespmem:$0x1F580] =	vst v63  }
0x12f: {  	s14 =	rddreg [dreg:$0x13]  }
0x130: {  	[hbm4b:s14+s18] =	stream.strided.scatter [tilespmem:s26], [sflag:$0x3], $0x2000, s19, s18, $0x38;
	[tilespmem:$0x1F580] =	vst v63  }
0x131: {  	_ =	swait.ge [sflag:s5], $0x2000  }
0x132: {  	[sflag:s5] =	ssyncset.done $0x0  }
0x133: {  	[sflag:s5] =	ssyncadd.s32 $0xFFFFE000  }
0x134: {  	_ =	swait.ge [sflag:s5], $0x2000  }
0x135: {  	[sflag:s5] =	ssyncset.done $0x0  }
0x136: {  	[sflag:s5] =	ssyncadd.s32 $0xFFFFE000  }
0x137: {  	_ =	swait.ge [sflag:s5], $0x2000  }
0x138: {  	[sflag:s5] =	ssyncset.done $0x0  }
0x139: {  	s15 =	simm.s32 $0x8590;
	[sflag:s5] =	ssyncadd.s32 $0xFFFFE000  }
0x13a: {  	v3 =	vld [tilespmem:s15+$0x0];
	_ =	sdelay $0x3  }
0x13b: {  	s10 =	simm.s32 $0x85B0;
	v5 =	vld [tilespmem:s15+$0xFFFFFFF0]  }
0x13c: {  	v6 =	vld [tilespmem:s10+$0x0];
	_ =	sdelay $0x1  }
0x13d: {  	v0 =	vld [tilespmem:s10+$0xFFFFFFF0]  }
0x13e: {  	v1 =	vld.idx.msk [tilespmem:v3+s3+$0x0], $0xffff  }
0x13f: {  	s12 =	simm.s32 $0x85D0  }
0x140: {  	v2 =	vld [tilespmem:s12+$0x0];
	_ =	sdelay $0x1  }
0x141: {  	s11 =	simm.s32 $0xE990;
	v4 =	vld.idx.msk [tilespmem:v5+s3+$0x0], $0xffff  }
0x142: {  	v8 =	vld.idx.msk [tilespmem:v6+s3+$0x0], $0xffff;
	[tilespmem:s11+$0x0] =	vst v1  }
0x143: {  	v7 =	vld.idx.msk [tilespmem:v3+s22+$0x0], $0xffff  }
0x144: {  	v1 =	vld [tilespmem:s12+$0xFFFFFFF0]  }
0x145: {  	s15 =	simm.s32 $0x85F0;
	v9 =	vld.idx.msk [tilespmem:v0+s3+$0x0], $0xffff  }
0x146: {  	s14 =	simm.s32 $0xE9B0;
	[tilespmem:s11+$0xFFFFFFF0] =	vst v4;
	v4 =	vld [tilespmem:s15+$0x0]  }
0x147: {  	s13 =	simm.s32 $0x14D90;
	[tilespmem:s14+$0x0] =	vst v8;
	v8 =	vld.idx.msk [tilespmem:v2+s3+$0x0], $0xffff  }
0x148: {  	[tilespmem:s13+$0x0] =	vst v7;
	v7 =	vld.idx.msk [tilespmem:v6+s22+$0x0], $0xffff  }
0x149: {  	v10 =	vld.idx.msk [tilespmem:v5+s22+$0x0], $0xffff  }
0x14a: {  	v11 =	vld.idx.msk [tilespmem:v3+s23+$0x0], $0xffff  }
0x14b: {  	v3 =	vld [tilespmem:s15+$0xFFFFFFF0]  }
0x14c: {  	s9 =	simm.s32 $0x14DB0;
	[tilespmem:s14+$0xFFFFFFF0] =	vst v9;
	v9 =	vld.idx.msk [tilespmem:v1+s3+$0x0], $0xffff  }
0x14d: {  	[tilespmem:s9+$0x0] =	vst v7;
	v7 =	vld.idx.msk [tilespmem:v0+s22+$0x0], $0xffff  }
0x14e: {  	s12 =	simm.s32 $0xE9D0;
	[tilespmem:s13+$0xFFFFFFF0] =	vst v10;
	v6 =	vld.idx.msk [tilespmem:v6+s23+$0x0], $0xffff  }
0x14f: {  	s11 =	simm.s32 $0x1B190;
	[tilespmem:s12+$0x0] =	vst v8;
	v5 =	vld.idx.msk [tilespmem:v5+s23+$0x0], $0xffff  }
0x150: {  	v8 =	vld.idx.msk [tilespmem:v2+s22+$0x0], $0xffff;
	[tilespmem:s11+$0x0] =	vst v11  }
0x151: {  	s10 =	simm.s32 $0x1B190;
	s14 =	simm.s32 $0x8610;
	s13 =	simm.s32 $0x206;
	v10 =	vld.idx.msk [tilespmem:v4+s3+$0x0], $0xffff;
	[tilespmem:s12+$0xFFFFFFF0] =	vst v9;
	v9 =	vmov v4  }
.LBB2_10:
0x152: {  	v11 =	vld [tilespmem:s14+$0x0];
	s13 =	sadd.s32 $0x2, s13;
	[tilespmem:s9+$0xFFFFFFF0] =	vst v7;
	s11 =	sadd.s32 $0x20, s11  }
0x153: {  	v12 =	vld [tilespmem:s14+$0xFFFFFFF0];
	p0 =	slt.u32 s13, $0x3FE;
	[tilespmem:s11+$0x0] =	vst v6  }
0x154: {  	s9 =	sadd.s32 $0x20, s9;
	v13 =	vld.idx.msk [tilespmem:v3+s3+$0x0], $0xffff;
	[tilespmem:s10+$0xFFFFFFF0] =	vst v5;
	s10 =	smov.u32 s11  }
0x155: {  	v7 =	vld.idx.msk [tilespmem:v1+s22+$0x0], $0xffff;
	[tilespmem:s9+$0x0] =	vst v8  }
.Ltmp4:
0x156: {  	s12 =	sadd.s32 $0x20, s12;
	v6 =	vld.idx.msk [tilespmem:v2+s23+$0x0], $0xffff;
	v2 =	vmov v4;
	(pc) =	sbr.rel @p0 .LBB2_10-.Ltmp4, $3  }
0x157: {  	[tilespmem:s12+$0x0] =	vst v10;
	v5 =	vld.idx.msk [tilespmem:v0+s23+$0x0], $0xffff;
	v4 =	vmov v11;
	v0 =	vmov v1;
	v1 =	vmov v3  }
0x158: {  	v8 =	vld.idx.msk [tilespmem:v9+s22+$0x0], $0xffff;
	v9 =	vmov v11;
	v3 =	vmov v12;
	_ =	sdelay $0x1  }
0x159: {  	s14 =	sadd.s32 $0x20, s14;
	v10 =	vld.idx.msk [tilespmem:v11+s3+$0x0], $0xffff;
	[tilespmem:s12+$0xFFFFFFF0] =	vst v13  }
0x15a: {  	_ =	sdelay $0x3  }
0x15b: {  	v11 =	vld.idx.msk [tilespmem:v3+s3+$0x0], $0xffff;
	_ =	sdelay $0x2  }
0x15c: {  	s12 =	sadd.s32 $0x20, s12  }
0x15d: {  	[tilespmem:s12+$0x0] =	vst v10;
	v10 =	vld.idx.msk [tilespmem:v1+s22+$0x0], $0xffff  }
0x15e: {  	v9 =	vld.idx.msk [tilespmem:v9+s22+$0x0], $0xffff;
	[tilespmem:s12+$0xFFFFFFF0] =	vst v11  }
0x15f: {  	[tilespmem:s9+$0xFFFFFFF0] =	vst v7;
	s11 =	sadd.s32 $0x20, s11;
	v7 =	vld.idx.msk [tilespmem:v3+s22+$0x0], $0xffff  }
0x160: {  	s14 =	sadd.s32 $0x20, s9;
	[tilespmem:s11+$0x0] =	vst v6  }
0x161: {  	v0 =	vld.idx.msk [tilespmem:v0+s23+$0x0], $0xffff;
	[tilespmem:s14+$0x0] =	vst v8  }
0x162: {  	s15 =	sadd.s32 $0x20, s14;
	v2 =	vld.idx.msk [tilespmem:v2+s23+$0x0], $0xffff;
	[tilespmem:s14+$0xFFFFFFF0] =	vst v10  }
0x163: {  	[tilespmem:s15+$0x0] =	vst v9;
	v1 =	vld.idx.msk [tilespmem:v1+s23+$0x0], $0xffff  }
0x164: {  	v4 =	vld.idx.msk [tilespmem:v4+s23+$0x0], $0xffff;
	[tilespmem:s15+$0xFFFFFFF0] =	vst v7  }
0x165: {  	[tilespmem:s10+$0xFFFFFFF0] =	vst v5;
	v3 =	vld.idx.msk [tilespmem:v3+s23+$0x0], $0xffff  }
0x166: {  	s12 =	sadd.s32 $0x20, s11;
	[tilespmem:s11+$0xFFFFFFF0] =	vst v0  }
0x167: {  	[tilespmem:s12+$0x0] =	vst v2  }
0x168: {  	s13 =	sadd.s32 $0x20, s12;
	[tilespmem:s12+$0xFFFFFFF0] =	vst v1  }
0x169: {  	[tilespmem:s13+$0x0] =	vst v4  }
0x16a: {  	[tilespmem:s13+$0xFFFFFFF0] =	vst v3  }
0x16b: {  	s9 =	rddreg [dreg:$0x17]  }
0x16c: {  	[hbm4b:s9+s18] =	stream.strided.scatter [tilespmem:s28], [sflag:$0x4], $0x2000, s19, s18, $0x38;
	[tilespmem:$0x1F580] =	vst v63  }
0x16d: {  	s14 =	rddreg [dreg:$0x19]  }
0x16e: {  	[hbm4b:s14+s18] =	stream.strided.scatter [tilespmem:s29], [sflag:$0x4], $0x2000, s19, s18, $0x38;
	[tilespmem:$0x1F580] =	vst v63  }
0x16f: {  	s15 =	rddreg [dreg:$0x1a]  }
0x170: {  	[hbm4b:s15+s18] =	stream.strided.scatter [tilespmem:s30], [sflag:$0x4], $0x2000, s19, s18, $0x38;
	[tilespmem:$0x1F580] =	vst v63  }
0x171: {  	_ =	swait.ge [sflag:s6], $0x2400  }
0x172: {  	[sflag:s6] =	ssyncset.done $0x0  }
0x173: {  	[sflag:s6] =	ssyncadd.s32 $0xFFFFDC00  }
0x174: {  	_ =	swait.ge [sflag:s6], $0x2400  }
0x175: {  	[sflag:s6] =	ssyncset.done $0x0  }
0x176: {  	[sflag:s6] =	ssyncadd.s32 $0xFFFFDC00  }
0x177: {  	_ =	swait.ge [sflag:s6], $0x2400  }
0x178: {  	[sflag:s6] =	ssyncset.done $0x0  }
0x179: {  	s10 =	simm.s32 $0x0;
	[sflag:s6] =	ssyncadd.s32 $0xFFFFDC00  }
0x17a: {  	v3 =	vld [tilespmem:s10+$0xA590];
	_ =	sdelay $0x2  }
0x17b: {  	s9 =	simm.s32 $0x20;
	v4 =	vld [tilespmem:s10+$0xA580]  }
0x17c: {  	v6 =	vld [tilespmem:s9+$0xA590];
	_ =	sdelay $0x1  }
0x17d: {  	s11 =	simm.s32 $0x40;
	v0 =	vld [tilespmem:s9+$0xA580]  }
0x17e: {  	v2 =	vld [tilespmem:s11+$0xA590]  }
0x17f: {  	v1 =	vld.idx.msk [tilespmem:v3+s3+$0x0], $0xffff;
	_ =	sdelay $0x2  }
0x180: {  	v5 =	vld.idx.msk [tilespmem:v4+s3+$0x0], $0xffff  }
0x181: {  	v8 =	vld.idx.msk [tilespmem:v6+s3+$0x0], $0xffff  }
0x182: {  	[tilespmem:s10+$0x10990] =	vst v1;
	v1 =	vld [tilespmem:s11+$0xA580]  }
0x183: {  	v7 =	vld.idx.msk [tilespmem:v3+s22+$0x0], $0xffff  }
0x184: {  	v9 =	vld.idx.msk [tilespmem:v0+s3+$0x0], $0xffff  }
0x185: {  	s12 =	simm.s32 $0x60;
	v12 =	vld.idx.msk [tilespmem:v2+s3+$0x0], $0xffff;
	[tilespmem:s10+$0x10980] =	vst v5  }
0x186: {  	[tilespmem:s9+$0x10990] =	vst v8;
	v5 =	vld [tilespmem:s12+$0xA590]  }
0x187: {  	v8 =	vld.idx.msk [tilespmem:v6+s22+$0x0], $0xffff  }
0x188: {  	v10 =	vld.idx.msk [tilespmem:v4+s22+$0x0], $0xffff;
	[tilespmem:s10+$0x16D90] =	vst v7  }
0x189: {  	v11 =	vld.idx.msk [tilespmem:v3+s23+$0x0], $0xffff  }
0x18a: {  	v3 =	vld [tilespmem:s12+$0xA580]  }
0x18b: {  	[tilespmem:s9+$0x10980] =	vst v9;
	v7 =	vld.idx.msk [tilespmem:v1+s3+$0x0], $0xffff  }
0x18c: {  	[tilespmem:s9+$0x16D90] =	vst v8;
	v8 =	vld.idx.msk [tilespmem:v0+s22+$0x0], $0xffff  }
0x18d: {  	[tilespmem:s10+$0x16D80] =	vst v10;
	v9 =	vld.idx.msk [tilespmem:v6+s23+$0x0], $0xffff  }
0x18e: {  	[tilespmem:s11+$0x10990] =	vst v12;
	v6 =	vld.idx.msk [tilespmem:v4+s23+$0x0], $0xffff  }
0x18f: {  	s13 =	simm.s32 $0x406;
	s14 =	simm.s32 $0x200;
	v10 =	vmov v5;
	v4 =	vmov v5;
	[tilespmem:s10+$0x1D190] =	vst v11;
	v11 =	vld.idx.msk [tilespmem:v2+s22+$0x0], $0xffff  }
.LBB2_12:
0x190: {  	s15 =	sshra.s32 s14, $0x2;
	s13 =	sadd.s32 $0x2, s13;
	v12 =	vld.idx.msk [tilespmem:v5+s3+$0x0], $0xffff;
	[tilespmem:s11+$0x10980] =	vst v7  }
0x191: {  	v5 =	vld [tilespmem:s15+$0xA590];
	p0 =	slt.u32 s13, $0x63E;
	[tilespmem:s9+$0x16D80] =	vst v8  }
0x192: {  	v13 =	vld [tilespmem:s15+$0xA580];
	[tilespmem:s9+$0x1D190] =	vst v9  }
0x193: {  	v7 =	vld.idx.msk [tilespmem:v3+s3+$0x0], $0xffff;
	[tilespmem:s10+$0x1D180] =	vst v6;
	s10 =	smov.u32 s9;
	s9 =	smov.u32 s11;
	s11 =	smov.u32 s12  }
.Ltmp5:
0x194: {  	s12 =	smov.u32 s15;
	v8 =	vld.idx.msk [tilespmem:v1+s22+$0x0], $0xffff;
	[tilespmem:s9+$0x16D90] =	vst v11;
	(pc) =	sbr.rel @p0 .LBB2_12-.Ltmp5, $4  }
0x195: {  	v9 =	vld.idx.msk [tilespmem:v2+s23+$0x0], $0xffff;
	v2 =	vmov v4  }
0x196: {  	[tilespmem:s11+$0x10990] =	vst v12;
	v6 =	vld.idx.msk [tilespmem:v0+s23+$0x0], $0xffff;
	v4 =	vmov v5;
	v0 =	vmov v1;
	v1 =	vmov v3  }
0x197: {  	v11 =	vld.idx.msk [tilespmem:v10+s22+$0x0], $0xffff;
	v10 =	vmov v5;
	v3 =	vmov v13  }
0x198: {  	s14 =	sadd.s32 $0x80, s14  }
0x199: {  	_ =	sdelay $0x3  }
0x19a: {  	v5 =	vld.idx.msk [tilespmem:v5+s3+$0x0], $0xffff  }
0x19b: {  	v12 =	vld.idx.msk [tilespmem:v3+s3+$0x0], $0xffff;
	_ =	sdelay $0x2  }
0x19c: {  	[tilespmem:s11+$0x10980] =	vst v7  }
0x19d: {  	v7 =	vld.idx.msk [tilespmem:v1+s22+$0x0], $0xffff;
	[tilespmem:s12+$0x10990] =	vst v5  }
0x19e: {  	[tilespmem:s12+$0x10980] =	vst v12;
	v5 =	vld.idx.msk [tilespmem:v10+s22+$0x0], $0xffff  }
0x19f: {  	[tilespmem:s9+$0x16D80] =	vst v8;
	v8 =	vld.idx.msk [tilespmem:v3+s22+$0x0], $0xffff  }
0x1a0: {  	[tilespmem:s9+$0x1D190] =	vst v9  }
0x1a1: {  	v0 =	vld.idx.msk [tilespmem:v0+s23+$0x0], $0xffff;
	[tilespmem:s11+$0x16D90] =	vst v11  }
0x1a2: {  	v2 =	vld.idx.msk [tilespmem:v2+s23+$0x0], $0xffff;
	[tilespmem:s11+$0x16D80] =	vst v7  }
0x1a3: {  	v1 =	vld.idx.msk [tilespmem:v1+s23+$0x0], $0xffff;
	[tilespmem:s12+$0x16D90] =	vst v5  }
0x1a4: {  	[tilespmem:s12+$0x16D80] =	vst v8;
	v4 =	vld.idx.msk [tilespmem:v4+s23+$0x0], $0xffff  }
0x1a5: {  	[tilespmem:s10+$0x1D180] =	vst v6;
	v3 =	vld.idx.msk [tilespmem:v3+s23+$0x0], $0xffff  }
0x1a6: {  	[tilespmem:s9+$0x1D180] =	vst v0  }
0x1a7: {  	[tilespmem:s11+$0x1D190] =	vst v2  }
0x1a8: {  	[tilespmem:s11+$0x1D180] =	vst v1  }
0x1a9: {  	[tilespmem:s12+$0x1D190] =	vst v4  }
0x1aa: {  	[tilespmem:s12+$0x1D180] =	vst v3  }
0x1ab: {  	s9 =	rddreg [dreg:$0x1b]  }
0x1ac: {  	[hbm4b:s9+s18] =	stream.strided.scatter [tilespmem:s31], [sflag:$0x5], $0x2400, s19, s18, $0x38;
	[tilespmem:$0x1F580] =	vst v63  }
0x1ad: {  	s11 =	rddreg [dreg:$0x1c]  }
0x1ae: {  	[hbm4b:s11+s18] =	stream.strided.scatter [tilespmem:s0], [sflag:$0x5], $0x2400, s19, s18, $0x38;
	[tilespmem:$0x1F580] =	vst v63  }
0x1af: {  	s12 =	rddreg [dreg:$0x1d]  }
0x1b0: {  	[hbm4b:s12+s18] =	stream.strided.scatter [tilespmem:s2], [sflag:$0x5], $0x2400, s19, s18, $0x38;
	[tilespmem:$0x1F580] =	vst v63  }
0x1b1: {  	s14 =	simm.s32 $0x6580;
	s13 =	rddreg [dreg:$0x14]  }
0x1b2: {  	[tilespmem:s14], [sflag:$0x2] =	stream.strided.gather [hbm4b:s13+s18], $0x6400, s19, s18, $0x38;
	[tilespmem:$0x1F580] =	vst v63  }
0x1b3: {  	_ =	swait.ge [sflag:s20], $0x6400  }
0x1b4: {  	[sflag:s20] =	ssyncset.done $0x0  }
0x1b5: {  	[sflag:s20] =	ssyncadd.s32 $0xFFFF9C00  }
0x1b6: {  	_ =	swait.ge [sflag:s4], $0x2000  }
0x1b7: {  	[sflag:s4] =	ssyncset.done $0x0  }
0x1b8: {  	[sflag:s4] =	ssyncadd.s32 $0xFFFFE000  }
0x1b9: {  	_ =	swait.ge [sflag:s4], $0x2000  }
0x1ba: {  	[sflag:s4] =	ssyncset.done $0x0  }
0x1bb: {  	[sflag:s4] =	ssyncadd.s32 $0xFFFFE000  }
0x1bc: {  	_ =	swait.ge [sflag:s4], $0x2000  }
0x1bd: {  	[sflag:s4] =	ssyncset.done $0x0  }
0x1be: {  	s15 =	simm.s32 $0x190;
	[sflag:s4] =	ssyncadd.s32 $0xFFFFE000  }
0x1bf: {  	v3 =	vld [tilespmem:s15+$0x0];
	_ =	sdelay $0x3  }
0x1c0: {  	s10 =	simm.s32 $0x1B0;
	v5 =	vld [tilespmem:s15+$0xFFFFFFF0]  }
0x1c1: {  	v6 =	vld [tilespmem:s10+$0x0];
	_ =	sdelay $0x1  }
0x1c2: {  	v0 =	vld [tilespmem:s10+$0xFFFFFFF0]  }
0x1c3: {  	v1 =	vld.idx.msk [tilespmem:v3+s3+$0x0], $0xffff  }
0x1c4: {  	s12 =	simm.s32 $0x1D0  }
0x1c5: {  	v2 =	vld [tilespmem:s12+$0x0];
	_ =	sdelay $0x1  }
0x1c6: {  	s11 =	simm.s32 $0xC990;
	v4 =	vld.idx.msk [tilespmem:v5+s3+$0x0], $0xffff  }
0x1c7: {  	v8 =	vld.idx.msk [tilespmem:v6+s3+$0x0], $0xffff;
	[tilespmem:s11+$0x0] =	vst v1  }
0x1c8: {  	v7 =	vld.idx.msk [tilespmem:v3+s22+$0x0], $0xffff  }
0x1c9: {  	v1 =	vld [tilespmem:s12+$0xFFFFFFF0]  }
0x1ca: {  	s15 =	simm.s32 $0x1F0;
	v9 =	vld.idx.msk [tilespmem:v0+s3+$0x0], $0xffff  }
0x1cb: {  	s14 =	simm.s32 $0xC9B0;
	[tilespmem:s11+$0xFFFFFFF0] =	vst v4;
	v4 =	vld [tilespmem:s15+$0x0]  }
0x1cc: {  	s13 =	simm.s32 $0x12D90;
	[tilespmem:s14+$0x0] =	vst v8;
	v8 =	vld.idx.msk [tilespmem:v2+s3+$0x0], $0xffff  }
0x1cd: {  	[tilespmem:s13+$0x0] =	vst v7;
	v7 =	vld.idx.msk [tilespmem:v6+s22+$0x0], $0xffff  }
0x1ce: {  	v10 =	vld.idx.msk [tilespmem:v5+s22+$0x0], $0xffff  }
0x1cf: {  	v11 =	vld.idx.msk [tilespmem:v3+s23+$0x0], $0xffff  }
0x1d0: {  	v3 =	vld [tilespmem:s15+$0xFFFFFFF0]  }
0x1d1: {  	s9 =	simm.s32 $0x12DB0;
	[tilespmem:s14+$0xFFFFFFF0] =	vst v9;
	v9 =	vld.idx.msk [tilespmem:v1+s3+$0x0], $0xffff  }
0x1d2: {  	[tilespmem:s9+$0x0] =	vst v7;
	v7 =	vld.idx.msk [tilespmem:v0+s22+$0x0], $0xffff  }
0x1d3: {  	s12 =	simm.s32 $0xC9D0;
	[tilespmem:s13+$0xFFFFFFF0] =	vst v10;
	v6 =	vld.idx.msk [tilespmem:v6+s23+$0x0], $0xffff  }
0x1d4: {  	s11 =	simm.s32 $0x19190;
	[tilespmem:s12+$0x0] =	vst v8;
	v5 =	vld.idx.msk [tilespmem:v5+s23+$0x0], $0xffff  }
0x1d5: {  	v8 =	vld.idx.msk [tilespmem:v2+s22+$0x0], $0xffff;
	[tilespmem:s11+$0x0] =	vst v11  }
0x1d6: {  	s10 =	simm.s32 $0x19190;
	s14 =	simm.s32 $0x210;
	s13 =	simm.s32 $0x6;
	v10 =	vld.idx.msk [tilespmem:v4+s3+$0x0], $0xffff;
	[tilespmem:s12+$0xFFFFFFF0] =	vst v9;
	v9 =	vmov v4  }
.LBB2_14:
0x1d7: {  	v11 =	vld [tilespmem:s14+$0x0];
	s13 =	sadd.s32 $0x2, s13;
	[tilespmem:s9+$0xFFFFFFF0] =	vst v7;
	s11 =	sadd.s32 $0x20, s11  }
0x1d8: {  	v12 =	vld [tilespmem:s14+$0xFFFFFFF0];
	p0 =	slt.u32 s13, $0x1FE;
	[tilespmem:s11+$0x0] =	vst v6  }
0x1d9: {  	s9 =	sadd.s32 $0x20, s9;
	v13 =	vld.idx.msk [tilespmem:v3+s3+$0x0], $0xffff;
	[tilespmem:s10+$0xFFFFFFF0] =	vst v5;
	s10 =	smov.u32 s11  }
0x1da: {  	v7 =	vld.idx.msk [tilespmem:v1+s22+$0x0], $0xffff;
	[tilespmem:s9+$0x0] =	vst v8  }
.Ltmp6:
0x1db: {  	s12 =	sadd.s32 $0x20, s12;
	v6 =	vld.idx.msk [tilespmem:v2+s23+$0x0], $0xffff;
	v2 =	vmov v4;
	(pc) =	sbr.rel @p0 .LBB2_14-.Ltmp6, $3  }
0x1dc: {  	[tilespmem:s12+$0x0] =	vst v10;
	v5 =	vld.idx.msk [tilespmem:v0+s23+$0x0], $0xffff;
	v4 =	vmov v11;
	v0 =	vmov v1;
	v1 =	vmov v3  }
0x1dd: {  	v8 =	vld.idx.msk [tilespmem:v9+s22+$0x0], $0xffff;
	v9 =	vmov v11;
	v3 =	vmov v12;
	_ =	sdelay $0x1  }
0x1de: {  	s14 =	sadd.s32 $0x20, s14;
	v10 =	vld.idx.msk [tilespmem:v11+s3+$0x0], $0xffff;
	[tilespmem:s12+$0xFFFFFFF0] =	vst v13  }
0x1df: {  	_ =	sdelay $0x3  }
0x1e0: {  	v11 =	vld.idx.msk [tilespmem:v3+s3+$0x0], $0xffff;
	_ =	sdelay $0x2  }
0x1e1: {  	s12 =	sadd.s32 $0x20, s12  }
0x1e2: {  	[tilespmem:s12+$0x0] =	vst v10;
	v10 =	vld.idx.msk [tilespmem:v1+s22+$0x0], $0xffff  }
0x1e3: {  	v9 =	vld.idx.msk [tilespmem:v9+s22+$0x0], $0xffff;
	[tilespmem:s12+$0xFFFFFFF0] =	vst v11  }
0x1e4: {  	[tilespmem:s9+$0xFFFFFFF0] =	vst v7;
	s11 =	sadd.s32 $0x20, s11;
	v7 =	vld.idx.msk [tilespmem:v3+s22+$0x0], $0xffff  }
0x1e5: {  	s14 =	sadd.s32 $0x20, s9;
	[tilespmem:s11+$0x0] =	vst v6  }
0x1e6: {  	v0 =	vld.idx.msk [tilespmem:v0+s23+$0x0], $0xffff;
	[tilespmem:s14+$0x0] =	vst v8  }
0x1e7: {  	s15 =	sadd.s32 $0x20, s14;
	v2 =	vld.idx.msk [tilespmem:v2+s23+$0x0], $0xffff;
	[tilespmem:s14+$0xFFFFFFF0] =	vst v10  }
0x1e8: {  	[tilespmem:s15+$0x0] =	vst v9;
	v1 =	vld.idx.msk [tilespmem:v1+s23+$0x0], $0xffff  }
0x1e9: {  	v4 =	vld.idx.msk [tilespmem:v4+s23+$0x0], $0xffff;
	[tilespmem:s15+$0xFFFFFFF0] =	vst v7  }
0x1ea: {  	[tilespmem:s10+$0xFFFFFFF0] =	vst v5;
	v3 =	vld.idx.msk [tilespmem:v3+s23+$0x0], $0xffff  }
0x1eb: {  	s10 =	sadd.s32 $0x20, s11;
	[tilespmem:s11+$0xFFFFFFF0] =	vst v0  }
0x1ec: {  	[tilespmem:s10+$0x0] =	vst v2  }
0x1ed: {  	s12 =	sadd.s32 $0x20, s10;
	[tilespmem:s10+$0xFFFFFFF0] =	vst v1  }
0x1ee: {  	[tilespmem:s12+$0x0] =	vst v4  }
0x1ef: {  	[tilespmem:s12+$0xFFFFFFF0] =	vst v3  }
0x1f0: {  	s9 =	rddreg [dreg:$0x15]  }
0x1f1: {  	[hbm4b:s9+s18] =	stream.strided.scatter [tilespmem:s25], [sflag:$0x3], $0x2000, s19, s18, $0x38;
	[tilespmem:$0x1F580] =	vst v63  }
0x1f2: {  	s13 =	rddreg [dreg:$0x1e]  }
0x1f3: {  	[hbm4b:s13+s18] =	stream.strided.scatter [tilespmem:s21], [sflag:$0x3], $0x2000, s19, s18, $0x38;
	[tilespmem:$0x1F580] =	vst v63  }
0x1f4: {  	s14 =	rddreg [dreg:$0x1f]  }
0x1f5: {  	[hbm4b:s14+s18] =	stream.strided.scatter [tilespmem:s26], [sflag:$0x3], $0x2000, s19, s18, $0x38;
	[tilespmem:$0x1F580] =	vst v63  }
0x1f6: {  	_ =	swait.ge [sflag:s5], $0x2000  }
0x1f7: {  	[sflag:s5] =	ssyncset.done $0x0  }
0x1f8: {  	[sflag:s5] =	ssyncadd.s32 $0xFFFFE000  }
0x1f9: {  	_ =	swait.ge [sflag:s5], $0x2000  }
0x1fa: {  	[sflag:s5] =	ssyncset.done $0x0  }
0x1fb: {  	[sflag:s5] =	ssyncadd.s32 $0xFFFFE000  }
0x1fc: {  	_ =	swait.ge [sflag:s5], $0x2000  }
0x1fd: {  	[sflag:s5] =	ssyncset.done $0x0  }
0x1fe: {  	s15 =	simm.s32 $0x2190;
	[sflag:s5] =	ssyncadd.s32 $0xFFFFE000  }
0x1ff: {  	v3 =	vld [tilespmem:s15+$0x0];
	_ =	sdelay $0x3  }
0x200: {  	s10 =	simm.s32 $0x21B0;
	v5 =	vld [tilespmem:s15+$0xFFFFFFF0]  }
0x201: {  	v6 =	vld [tilespmem:s10+$0x0];
	_ =	sdelay $0x1  }
0x202: {  	v0 =	vld [tilespmem:s10+$0xFFFFFFF0]  }
0x203: {  	v1 =	vld.idx.msk [tilespmem:v3+s3+$0x0], $0xffff  }
0x204: {  	s12 =	simm.s32 $0x21D0  }
0x205: {  	v2 =	vld [tilespmem:s12+$0x0];
	_ =	sdelay $0x1  }
0x206: {  	s11 =	simm.s32 $0xE990;
	v4 =	vld.idx.msk [tilespmem:v5+s3+$0x0], $0xffff  }
0x207: {  	v8 =	vld.idx.msk [tilespmem:v6+s3+$0x0], $0xffff;
	[tilespmem:s11+$0x0] =	vst v1  }
0x208: {  	v7 =	vld.idx.msk [tilespmem:v3+s22+$0x0], $0xffff  }
0x209: {  	v1 =	vld [tilespmem:s12+$0xFFFFFFF0]  }
0x20a: {  	s15 =	simm.s32 $0x21F0;
	v9 =	vld.idx.msk [tilespmem:v0+s3+$0x0], $0xffff  }
0x20b: {  	s14 =	simm.s32 $0xE9B0;
	[tilespmem:s11+$0xFFFFFFF0] =	vst v4;
	v4 =	vld [tilespmem:s15+$0x0]  }
0x20c: {  	s13 =	simm.s32 $0x14D90;
	[tilespmem:s14+$0x0] =	vst v8;
	v8 =	vld.idx.msk [tilespmem:v2+s3+$0x0], $0xffff  }
0x20d: {  	[tilespmem:s13+$0x0] =	vst v7;
	v7 =	vld.idx.msk [tilespmem:v6+s22+$0x0], $0xffff  }
0x20e: {  	v10 =	vld.idx.msk [tilespmem:v5+s22+$0x0], $0xffff  }
0x20f: {  	v11 =	vld.idx.msk [tilespmem:v3+s23+$0x0], $0xffff  }
0x210: {  	v3 =	vld [tilespmem:s15+$0xFFFFFFF0]  }
0x211: {  	s9 =	simm.s32 $0x14DB0;
	[tilespmem:s14+$0xFFFFFFF0] =	vst v9;
	v9 =	vld.idx.msk [tilespmem:v1+s3+$0x0], $0xffff  }
0x212: {  	[tilespmem:s9+$0x0] =	vst v7;
	v7 =	vld.idx.msk [tilespmem:v0+s22+$0x0], $0xffff  }
0x213: {  	s12 =	simm.s32 $0xE9D0;
	[tilespmem:s13+$0xFFFFFFF0] =	vst v10;
	v6 =	vld.idx.msk [tilespmem:v6+s23+$0x0], $0xffff  }
0x214: {  	s11 =	simm.s32 $0x1B190;
	[tilespmem:s12+$0x0] =	vst v8;
	v5 =	vld.idx.msk [tilespmem:v5+s23+$0x0], $0xffff  }
0x215: {  	v8 =	vld.idx.msk [tilespmem:v2+s22+$0x0], $0xffff;
	[tilespmem:s11+$0x0] =	vst v11  }
0x216: {  	s10 =	simm.s32 $0x1B190;
	s14 =	simm.s32 $0x2210;
	s13 =	simm.s32 $0x206;
	v10 =	vld.idx.msk [tilespmem:v4+s3+$0x0], $0xffff;
	[tilespmem:s12+$0xFFFFFFF0] =	vst v9;
	v9 =	vmov v4  }
.LBB2_16:
0x217: {  	v11 =	vld [tilespmem:s14+$0x0];
	s13 =	sadd.s32 $0x2, s13;
	[tilespmem:s9+$0xFFFFFFF0] =	vst v7;
	s11 =	sadd.s32 $0x20, s11  }
0x218: {  	v12 =	vld [tilespmem:s14+$0xFFFFFFF0];
	p0 =	slt.u32 s13, $0x3FE;
	[tilespmem:s11+$0x0] =	vst v6  }
0x219: {  	s9 =	sadd.s32 $0x20, s9;
	v13 =	vld.idx.msk [tilespmem:v3+s3+$0x0], $0xffff;
	[tilespmem:s10+$0xFFFFFFF0] =	vst v5;
	s10 =	smov.u32 s11  }
0x21a: {  	v7 =	vld.idx.msk [tilespmem:v1+s22+$0x0], $0xffff;
	[tilespmem:s9+$0x0] =	vst v8  }
.Ltmp7:
0x21b: {  	s12 =	sadd.s32 $0x20, s12;
	v6 =	vld.idx.msk [tilespmem:v2+s23+$0x0], $0xffff;
	v2 =	vmov v4;
	(pc) =	sbr.rel @p0 .LBB2_16-.Ltmp7, $3  }
0x21c: {  	[tilespmem:s12+$0x0] =	vst v10;
	v5 =	vld.idx.msk [tilespmem:v0+s23+$0x0], $0xffff;
	v4 =	vmov v11;
	v0 =	vmov v1;
	v1 =	vmov v3  }
0x21d: {  	v8 =	vld.idx.msk [tilespmem:v9+s22+$0x0], $0xffff;
	v9 =	vmov v11;
	v3 =	vmov v12;
	_ =	sdelay $0x1  }
0x21e: {  	s14 =	sadd.s32 $0x20, s14;
	v10 =	vld.idx.msk [tilespmem:v11+s3+$0x0], $0xffff;
	[tilespmem:s12+$0xFFFFFFF0] =	vst v13  }
0x21f: {  	_ =	sdelay $0x3  }
0x220: {  	v11 =	vld.idx.msk [tilespmem:v3+s3+$0x0], $0xffff;
	_ =	sdelay $0x2  }
0x221: {  	s12 =	sadd.s32 $0x20, s12  }
0x222: {  	[tilespmem:s12+$0x0] =	vst v10;
	v10 =	vld.idx.msk [tilespmem:v1+s22+$0x0], $0xffff  }
0x223: {  	v9 =	vld.idx.msk [tilespmem:v9+s22+$0x0], $0xffff;
	[tilespmem:s12+$0xFFFFFFF0] =	vst v11  }
0x224: {  	[tilespmem:s9+$0xFFFFFFF0] =	vst v7;
	s11 =	sadd.s32 $0x20, s11;
	v7 =	vld.idx.msk [tilespmem:v3+s22+$0x0], $0xffff  }
0x225: {  	s14 =	sadd.s32 $0x20, s9;
	[tilespmem:s11+$0x0] =	vst v6  }
0x226: {  	v0 =	vld.idx.msk [tilespmem:v0+s23+$0x0], $0xffff;
	[tilespmem:s14+$0x0] =	vst v8  }
0x227: {  	s15 =	sadd.s32 $0x20, s14;
	v2 =	vld.idx.msk [tilespmem:v2+s23+$0x0], $0xffff;
	[tilespmem:s14+$0xFFFFFFF0] =	vst v10  }
0x228: {  	[tilespmem:s15+$0x0] =	vst v9;
	v1 =	vld.idx.msk [tilespmem:v1+s23+$0x0], $0xffff  }
0x229: {  	v4 =	vld.idx.msk [tilespmem:v4+s23+$0x0], $0xffff;
	[tilespmem:s15+$0xFFFFFFF0] =	vst v7  }
0x22a: {  	[tilespmem:s10+$0xFFFFFFF0] =	vst v5;
	v3 =	vld.idx.msk [tilespmem:v3+s23+$0x0], $0xffff  }
0x22b: {  	s12 =	sadd.s32 $0x20, s11;
	[tilespmem:s11+$0xFFFFFFF0] =	vst v0  }
0x22c: {  	[tilespmem:s12+$0x0] =	vst v2  }
0x22d: {  	s13 =	sadd.s32 $0x20, s12;
	[tilespmem:s12+$0xFFFFFFF0] =	vst v1  }
0x22e: {  	[tilespmem:s13+$0x0] =	vst v4  }
0x22f: {  	[tilespmem:s13+$0xFFFFFFF0] =	vst v3  }
0x230: {  	s9 =	sld [smem:$0x7F2];
	_ =	sdelay $0x1  }
0x231: {  	s14 =	sld [smem:$0x7F3]  }
0x232: {  	[hbm4b:s9+s18] =	stream.strided.scatter [tilespmem:s28], [sflag:$0x4], $0x2000, s19, s18, $0x38;
	[tilespmem:$0x1F580] =	vst v63  }
0x233: {  	s15 =	sld [smem:$0x7F4]  }
0x234: {  	[hbm4b:s14+s18] =	stream.strided.scatter [tilespmem:s29], [sflag:$0x4], $0x2000, s19, s18, $0x38;
	[tilespmem:$0x1F580] =	vst v63  }
0x235: {  	_ = 	snop  }
0x236: {  	[hbm4b:s15+s18] =	stream.strided.scatter [tilespmem:s30], [sflag:$0x4], $0x2000, s19, s18, $0x38;
	[tilespmem:$0x1F580] =	vst v63  }
0x237: {  	_ =	swait.ge [sflag:s6], $0x2400  }
0x238: {  	[sflag:s6] =	ssyncset.done $0x0  }
0x239: {  	[sflag:s6] =	ssyncadd.s32 $0xFFFFDC00  }
0x23a: {  	_ =	swait.ge [sflag:s6], $0x2400  }
0x23b: {  	[sflag:s6] =	ssyncset.done $0x0  }
0x23c: {  	[sflag:s6] =	ssyncadd.s32 $0xFFFFDC00  }
0x23d: {  	_ =	swait.ge [sflag:s6], $0x2400  }
0x23e: {  	[sflag:s6] =	ssyncset.done $0x0  }
0x23f: {  	s10 =	simm.s32 $0x0;
	[sflag:s6] =	ssyncadd.s32 $0xFFFFDC00  }
0x240: {  	v3 =	vld [tilespmem:s10+$0x4190];
	_ =	sdelay $0x2  }
0x241: {  	s9 =	simm.s32 $0x20;
	v4 =	vld [tilespmem:s10+$0x4180]  }
0x242: {  	v6 =	vld [tilespmem:s9+$0x4190];
	_ =	sdelay $0x1  }
0x243: {  	s11 =	simm.s32 $0x40;
	v0 =	vld [tilespmem:s9+$0x4180]  }
0x244: {  	v2 =	vld [tilespmem:s11+$0x4190]  }
0x245: {  	v1 =	vld.idx.msk [tilespmem:v3+s3+$0x0], $0xffff;
	_ =	sdelay $0x2  }
0x246: {  	v5 =	vld.idx.msk [tilespmem:v4+s3+$0x0], $0xffff  }
0x247: {  	v8 =	vld.idx.msk [tilespmem:v6+s3+$0x0], $0xffff  }
0x248: {  	[tilespmem:s10+$0x10990] =	vst v1;
	v1 =	vld [tilespmem:s11+$0x4180]  }
0x249: {  	v7 =	vld.idx.msk [tilespmem:v3+s22+$0x0], $0xffff  }
0x24a: {  	v9 =	vld.idx.msk [tilespmem:v0+s3+$0x0], $0xffff  }
0x24b: {  	s12 =	simm.s32 $0x60;
	v12 =	vld.idx.msk [tilespmem:v2+s3+$0x0], $0xffff;
	[tilespmem:s10+$0x10980] =	vst v5  }
0x24c: {  	[tilespmem:s9+$0x10990] =	vst v8;
	v5 =	vld [tilespmem:s12+$0x4190]  }
0x24d: {  	v8 =	vld.idx.msk [tilespmem:v6+s22+$0x0], $0xffff  }
0x24e: {  	v10 =	vld.idx.msk [tilespmem:v4+s22+$0x0], $0xffff;
	[tilespmem:s10+$0x16D90] =	vst v7  }
0x24f: {  	v11 =	vld.idx.msk [tilespmem:v3+s23+$0x0], $0xffff  }
0x250: {  	v3 =	vld [tilespmem:s12+$0x4180]  }
0x251: {  	[tilespmem:s9+$0x10980] =	vst v9;
	v7 =	vld.idx.msk [tilespmem:v1+s3+$0x0], $0xffff  }
0x252: {  	[tilespmem:s9+$0x16D90] =	vst v8;
	v8 =	vld.idx.msk [tilespmem:v0+s22+$0x0], $0xffff  }
0x253: {  	[tilespmem:s10+$0x16D80] =	vst v10;
	v9 =	vld.idx.msk [tilespmem:v6+s23+$0x0], $0xffff  }
0x254: {  	[tilespmem:s11+$0x10990] =	vst v12;
	v6 =	vld.idx.msk [tilespmem:v4+s23+$0x0], $0xffff  }
0x255: {  	s13 =	simm.s32 $0x406;
	s14 =	simm.s32 $0x200;
	v10 =	vmov v5;
	v4 =	vmov v5;
	[tilespmem:s10+$0x1D190] =	vst v11;
	v11 =	vld.idx.msk [tilespmem:v2+s22+$0x0], $0xffff  }
.LBB2_18:
0x256: {  	s15 =	sshra.s32 s14, $0x2;
	s13 =	sadd.s32 $0x2, s13;
	v12 =	vld.idx.msk [tilespmem:v5+s3+$0x0], $0xffff;
	[tilespmem:s11+$0x10980] =	vst v7  }
0x257: {  	v5 =	vld [tilespmem:s15+$0x4190];
	p0 =	slt.u32 s13, $0x63E;
	[tilespmem:s9+$0x16D80] =	vst v8  }
0x258: {  	v13 =	vld [tilespmem:s15+$0x4180];
	[tilespmem:s9+$0x1D190] =	vst v9  }
0x259: {  	v7 =	vld.idx.msk [tilespmem:v3+s3+$0x0], $0xffff;
	[tilespmem:s10+$0x1D180] =	vst v6;
	s10 =	smov.u32 s9;
	s9 =	smov.u32 s11;
	s11 =	smov.u32 s12  }
.Ltmp8:
0x25a: {  	s12 =	smov.u32 s15;
	v8 =	vld.idx.msk [tilespmem:v1+s22+$0x0], $0xffff;
	[tilespmem:s9+$0x16D90] =	vst v11;
	(pc) =	sbr.rel @p0 .LBB2_18-.Ltmp8, $4  }
0x25b: {  	v9 =	vld.idx.msk [tilespmem:v2+s23+$0x0], $0xffff;
	v2 =	vmov v4  }
0x25c: {  	[tilespmem:s11+$0x10990] =	vst v12;
	v6 =	vld.idx.msk [tilespmem:v0+s23+$0x0], $0xffff;
	v4 =	vmov v5;
	v0 =	vmov v1;
	v1 =	vmov v3  }
0x25d: {  	v11 =	vld.idx.msk [tilespmem:v10+s22+$0x0], $0xffff;
	v10 =	vmov v5;
	v3 =	vmov v13  }
0x25e: {  	s14 =	sadd.s32 $0x80, s14  }
0x25f: {  	_ =	sdelay $0x3  }
0x260: {  	v5 =	vld.idx.msk [tilespmem:v5+s3+$0x0], $0xffff  }
0x261: {  	v12 =	vld.idx.msk [tilespmem:v3+s3+$0x0], $0xffff;
	_ =	sdelay $0x2  }
0x262: {  	[tilespmem:s11+$0x10980] =	vst v7  }
0x263: {  	v7 =	vld.idx.msk [tilespmem:v1+s22+$0x0], $0xffff;
	[tilespmem:s12+$0x10990] =	vst v5  }
0x264: {  	[tilespmem:s12+$0x10980] =	vst v12;
	v5 =	vld.idx.msk [tilespmem:v10+s22+$0x0], $0xffff  }
0x265: {  	[tilespmem:s9+$0x16D80] =	vst v8;
	v8 =	vld.idx.msk [tilespmem:v3+s22+$0x0], $0xffff  }
0x266: {  	[tilespmem:s9+$0x1D190] =	vst v9  }
0x267: {  	v0 =	vld.idx.msk [tilespmem:v0+s23+$0x0], $0xffff;
	[tilespmem:s11+$0x16D90] =	vst v11  }
0x268: {  	v2 =	vld.idx.msk [tilespmem:v2+s23+$0x0], $0xffff;
	[tilespmem:s11+$0x16D80] =	vst v7  }
0x269: {  	v1 =	vld.idx.msk [tilespmem:v1+s23+$0x0], $0xffff;
	[tilespmem:s12+$0x16D90] =	vst v5  }
0x26a: {  	[tilespmem:s12+$0x16D80] =	vst v8;
	v4 =	vld.idx.msk [tilespmem:v4+s23+$0x0], $0xffff  }
0x26b: {  	[tilespmem:s10+$0x1D180] =	vst v6;
	v3 =	vld.idx.msk [tilespmem:v3+s23+$0x0], $0xffff  }
0x26c: {  	[tilespmem:s9+$0x1D180] =	vst v0  }
0x26d: {  	[tilespmem:s11+$0x1D190] =	vst v2  }
0x26e: {  	[tilespmem:s11+$0x1D180] =	vst v1  }
0x26f: {  	[tilespmem:s12+$0x1D190] =	vst v4  }
0x270: {  	[tilespmem:s12+$0x1D180] =	vst v3  }
0x271: {  	s9 =	sld [smem:$0x7F5];
	_ =	sdelay $0x1  }
0x272: {  	s13 =	sld [smem:$0x7F6]  }
0x273: {  	[hbm4b:s9+s18] =	stream.strided.scatter [tilespmem:s31], [sflag:$0x5], $0x2400, s19, s18, $0x38;
	[tilespmem:$0x1F580] =	vst v63  }
0x274: {  	s14 =	sld [smem:$0x7F7]  }
0x275: {  	[hbm4b:s13+s18] =	stream.strided.scatter [tilespmem:s0], [sflag:$0x5], $0x2400, s19, s18, $0x38;
	[tilespmem:$0x1F580] =	vst v63  }
0x276: {  	_ = 	snop  }
0x277: {  	[hbm4b:s14+s18] =	stream.strided.scatter [tilespmem:s2], [sflag:$0x5], $0x2400, s19, s18, $0x38;
	[tilespmem:$0x1F580] =	vst v63  }
0x278: {  	_ =	swait.ge [sflag:s1], $0x6400  }
0x279: {  	[sflag:s1] =	ssyncset.done $0x0  }
0x27a: {  	[sflag:s1] =	ssyncadd.s32 $0xFFFF9C00  }
0x27b: {  	_ =	swait.ge [sflag:s4], $0x2000  }
0x27c: {  	[sflag:s4] =	ssyncset.done $0x0  }
0x27d: {  	[sflag:s4] =	ssyncadd.s32 $0xFFFFE000  }
0x27e: {  	_ =	swait.ge [sflag:s4], $0x2000  }
0x27f: {  	[sflag:s4] =	ssyncset.done $0x0  }
0x280: {  	[sflag:s4] =	ssyncadd.s32 $0xFFFFE000  }
0x281: {  	_ =	swait.ge [sflag:s4], $0x2000  }
0x282: {  	[sflag:s4] =	ssyncset.done $0x0  }
0x283: {  	s15 =	simm.s32 $0x6590;
	[sflag:s4] =	ssyncadd.s32 $0xFFFFE000  }
0x284: {  	v3 =	vld [tilespmem:s15+$0x0];
	_ =	sdelay $0x3  }
0x285: {  	s10 =	simm.s32 $0x65B0;
	v5 =	vld [tilespmem:s15+$0xFFFFFFF0]  }
0x286: {  	v6 =	vld [tilespmem:s10+$0x0];
	_ =	sdelay $0x1  }
0x287: {  	v0 =	vld [tilespmem:s10+$0xFFFFFFF0]  }
0x288: {  	v1 =	vld.idx.msk [tilespmem:v3+s3+$0x0], $0xffff  }
0x289: {  	s12 =	simm.s32 $0x65D0  }
0x28a: {  	v2 =	vld [tilespmem:s12+$0x0];
	_ =	sdelay $0x1  }
0x28b: {  	s11 =	simm.s32 $0xC990;
	v4 =	vld.idx.msk [tilespmem:v5+s3+$0x0], $0xffff  }
0x28c: {  	v8 =	vld.idx.msk [tilespmem:v6+s3+$0x0], $0xffff;
	[tilespmem:s11+$0x0] =	vst v1  }
0x28d: {  	v7 =	vld.idx.msk [tilespmem:v3+s22+$0x0], $0xffff  }
0x28e: {  	v1 =	vld [tilespmem:s12+$0xFFFFFFF0]  }
0x28f: {  	s15 =	simm.s32 $0x65F0;
	v9 =	vld.idx.msk [tilespmem:v0+s3+$0x0], $0xffff  }
0x290: {  	s14 =	simm.s32 $0xC9B0;
	[tilespmem:s11+$0xFFFFFFF0] =	vst v4;
	v4 =	vld [tilespmem:s15+$0x0]  }
0x291: {  	s13 =	simm.s32 $0x12D90;
	[tilespmem:s14+$0x0] =	vst v8;
	v8 =	vld.idx.msk [tilespmem:v2+s3+$0x0], $0xffff  }
0x292: {  	[tilespmem:s13+$0x0] =	vst v7;
	v7 =	vld.idx.msk [tilespmem:v6+s22+$0x0], $0xffff  }
0x293: {  	v10 =	vld.idx.msk [tilespmem:v5+s22+$0x0], $0xffff  }
0x294: {  	v11 =	vld.idx.msk [tilespmem:v3+s23+$0x0], $0xffff  }
0x295: {  	v3 =	vld [tilespmem:s15+$0xFFFFFFF0]  }
0x296: {  	s9 =	simm.s32 $0x12DB0;
	[tilespmem:s14+$0xFFFFFFF0] =	vst v9;
	v9 =	vld.idx.msk [tilespmem:v1+s3+$0x0], $0xffff  }
0x297: {  	[tilespmem:s9+$0x0] =	vst v7;
	v7 =	vld.idx.msk [tilespmem:v0+s22+$0x0], $0xffff  }
0x298: {  	s12 =	simm.s32 $0xC9D0;
	[tilespmem:s13+$0xFFFFFFF0] =	vst v10;
	v6 =	vld.idx.msk [tilespmem:v6+s23+$0x0], $0xffff  }
0x299: {  	s11 =	simm.s32 $0x19190;
	[tilespmem:s12+$0x0] =	vst v8;
	v5 =	vld.idx.msk [tilespmem:v5+s23+$0x0], $0xffff  }
0x29a: {  	v8 =	vld.idx.msk [tilespmem:v2+s22+$0x0], $0xffff;
	[tilespmem:s11+$0x0] =	vst v11  }
0x29b: {  	s10 =	simm.s32 $0x19190;
	s14 =	simm.s32 $0x6610;
	s13 =	simm.s32 $0x6;
	v10 =	vld.idx.msk [tilespmem:v4+s3+$0x0], $0xffff;
	[tilespmem:s12+$0xFFFFFFF0] =	vst v9;
	v9 =	vmov v4  }
.LBB2_20:
0x29c: {  	v11 =	vld [tilespmem:s14+$0x0];
	s13 =	sadd.s32 $0x2, s13;
	[tilespmem:s9+$0xFFFFFFF0] =	vst v7;
	s11 =	sadd.s32 $0x20, s11  }
0x29d: {  	v12 =	vld [tilespmem:s14+$0xFFFFFFF0];
	p0 =	slt.u32 s13, $0x1FE;
	[tilespmem:s11+$0x0] =	vst v6  }
0x29e: {  	s9 =	sadd.s32 $0x20, s9;
	v13 =	vld.idx.msk [tilespmem:v3+s3+$0x0], $0xffff;
	[tilespmem:s10+$0xFFFFFFF0] =	vst v5;
	s10 =	smov.u32 s11  }
0x29f: {  	v7 =	vld.idx.msk [tilespmem:v1+s22+$0x0], $0xffff;
	[tilespmem:s9+$0x0] =	vst v8  }
.Ltmp9:
0x2a0: {  	s12 =	sadd.s32 $0x20, s12;
	v6 =	vld.idx.msk [tilespmem:v2+s23+$0x0], $0xffff;
	v2 =	vmov v4;
	(pc) =	sbr.rel @p0 .LBB2_20-.Ltmp9, $3  }
0x2a1: {  	[tilespmem:s12+$0x0] =	vst v10;
	v5 =	vld.idx.msk [tilespmem:v0+s23+$0x0], $0xffff;
	v4 =	vmov v11;
	v0 =	vmov v1;
	v1 =	vmov v3  }
0x2a2: {  	v8 =	vld.idx.msk [tilespmem:v9+s22+$0x0], $0xffff;
	v9 =	vmov v11;
	v3 =	vmov v12;
	_ =	sdelay $0x1  }
0x2a3: {  	s14 =	sadd.s32 $0x20, s14;
	v10 =	vld.idx.msk [tilespmem:v11+s3+$0x0], $0xffff;
	[tilespmem:s12+$0xFFFFFFF0] =	vst v13  }
0x2a4: {  	_ =	sdelay $0x3  }
0x2a5: {  	v11 =	vld.idx.msk [tilespmem:v3+s3+$0x0], $0xffff;
	_ =	sdelay $0x2  }
0x2a6: {  	s12 =	sadd.s32 $0x20, s12  }
0x2a7: {  	[tilespmem:s12+$0x0] =	vst v10;
	v10 =	vld.idx.msk [tilespmem:v1+s22+$0x0], $0xffff  }
0x2a8: {  	v9 =	vld.idx.msk [tilespmem:v9+s22+$0x0], $0xffff;
	[tilespmem:s12+$0xFFFFFFF0] =	vst v11  }
0x2a9: {  	[tilespmem:s9+$0xFFFFFFF0] =	vst v7;
	s11 =	sadd.s32 $0x20, s11;
	v7 =	vld.idx.msk [tilespmem:v3+s22+$0x0], $0xffff  }
0x2aa: {  	s14 =	sadd.s32 $0x20, s9;
	[tilespmem:s11+$0x0] =	vst v6  }
0x2ab: {  	v0 =	vld.idx.msk [tilespmem:v0+s23+$0x0], $0xffff;
	[tilespmem:s14+$0x0] =	vst v8  }
0x2ac: {  	s15 =	sadd.s32 $0x20, s14;
	v2 =	vld.idx.msk [tilespmem:v2+s23+$0x0], $0xffff;
	[tilespmem:s14+$0xFFFFFFF0] =	vst v10  }
0x2ad: {  	[tilespmem:s15+$0x0] =	vst v9;
	v1 =	vld.idx.msk [tilespmem:v1+s23+$0x0], $0xffff  }
0x2ae: {  	v4 =	vld.idx.msk [tilespmem:v4+s23+$0x0], $0xffff;
	[tilespmem:s15+$0xFFFFFFF0] =	vst v7  }
0x2af: {  	[tilespmem:s10+$0xFFFFFFF0] =	vst v5;
	v3 =	vld.idx.msk [tilespmem:v3+s23+$0x0], $0xffff  }
0x2b0: {  	s10 =	sadd.s32 $0x20, s11;
	[tilespmem:s11+$0xFFFFFFF0] =	vst v0  }
0x2b1: {  	[tilespmem:s10+$0x0] =	vst v2  }
0x2b2: {  	s12 =	sadd.s32 $0x20, s10;
	[tilespmem:s10+$0xFFFFFFF0] =	vst v1  }
0x2b3: {  	[tilespmem:s12+$0x0] =	vst v4  }
0x2b4: {  	[tilespmem:s12+$0xFFFFFFF0] =	vst v3  }
0x2b5: {  	s9 =	rddreg [dreg:$0x16]  }
0x2b6: {  	s13 =	sld [smem:$0x7F8]  }
0x2b7: {  	[hbm4b:s9+s18] =	stream.strided.scatter [tilespmem:s25], [sflag:$0x3], $0x2000, s19, s18, $0x38;
	[tilespmem:$0x1F580] =	vst v63  }
0x2b8: {  	s14 =	sld [smem:$0x7F9]  }
0x2b9: {  	[hbm4b:s13+s18] =	stream.strided.scatter [tilespmem:s21], [sflag:$0x3], $0x2000, s19, s18, $0x38;
	[tilespmem:$0x1F580] =	vst v63  }
0x2ba: {  	_ = 	snop  }
0x2bb: {  	[hbm4b:s14+s18] =	stream.strided.scatter [tilespmem:s26], [sflag:$0x3], $0x2000, s19, s18, $0x38;
	[tilespmem:$0x1F580] =	vst v63  }
0x2bc: {  	_ =	swait.ge [sflag:s5], $0x2000  }
0x2bd: {  	[sflag:s5] =	ssyncset.done $0x0  }
0x2be: {  	[sflag:s5] =	ssyncadd.s32 $0xFFFFE000  }
0x2bf: {  	_ =	swait.ge [sflag:s5], $0x2000  }
0x2c0: {  	[sflag:s5] =	ssyncset.done $0x0  }
0x2c1: {  	[sflag:s5] =	ssyncadd.s32 $0xFFFFE000  }
0x2c2: {  	_ =	swait.ge [sflag:s5], $0x2000  }
0x2c3: {  	[sflag:s5] =	ssyncset.done $0x0  }
0x2c4: {  	s15 =	simm.s32 $0x8590;
	[sflag:s5] =	ssyncadd.s32 $0xFFFFE000  }
0x2c5: {  	v3 =	vld [tilespmem:s15+$0x0];
	_ =	sdelay $0x3  }
0x2c6: {  	s10 =	simm.s32 $0x85B0;
	v5 =	vld [tilespmem:s15+$0xFFFFFFF0]  }
0x2c7: {  	v6 =	vld [tilespmem:s10+$0x0];
	_ =	sdelay $0x1  }
0x2c8: {  	v0 =	vld [tilespmem:s10+$0xFFFFFFF0]  }
0x2c9: {  	v1 =	vld.idx.msk [tilespmem:v3+s3+$0x0], $0xffff  }
0x2ca: {  	s12 =	simm.s32 $0x85D0  }
0x2cb: {  	v2 =	vld [tilespmem:s12+$0x0];
	_ =	sdelay $0x1  }
0x2cc: {  	s11 =	simm.s32 $0xE990;
	v4 =	vld.idx.msk [tilespmem:v5+s3+$0x0], $0xffff  }
0x2cd: {  	v8 =	vld.idx.msk [tilespmem:v6+s3+$0x0], $0xffff;
	[tilespmem:s11+$0x0] =	vst v1  }
0x2ce: {  	v7 =	vld.idx.msk [tilespmem:v3+s22+$0x0], $0xffff  }
0x2cf: {  	v1 =	vld [tilespmem:s12+$0xFFFFFFF0]  }
0x2d0: {  	s15 =	simm.s32 $0x85F0;
	v9 =	vld.idx.msk [tilespmem:v0+s3+$0x0], $0xffff  }
0x2d1: {  	s14 =	simm.s32 $0xE9B0;
	[tilespmem:s11+$0xFFFFFFF0] =	vst v4;
	v4 =	vld [tilespmem:s15+$0x0]  }
0x2d2: {  	s13 =	simm.s32 $0x14D90;
	[tilespmem:s14+$0x0] =	vst v8;
	v8 =	vld.idx.msk [tilespmem:v2+s3+$0x0], $0xffff  }
0x2d3: {  	[tilespmem:s13+$0x0] =	vst v7;
	v7 =	vld.idx.msk [tilespmem:v6+s22+$0x0], $0xffff  }
0x2d4: {  	v10 =	vld.idx.msk [tilespmem:v5+s22+$0x0], $0xffff  }
0x2d5: {  	v11 =	vld.idx.msk [tilespmem:v3+s23+$0x0], $0xffff  }
0x2d6: {  	v3 =	vld [tilespmem:s15+$0xFFFFFFF0]  }
0x2d7: {  	s9 =	simm.s32 $0x14DB0;
	[tilespmem:s14+$0xFFFFFFF0] =	vst v9;
	v9 =	vld.idx.msk [tilespmem:v1+s3+$0x0], $0xffff  }
0x2d8: {  	[tilespmem:s9+$0x0] =	vst v7;
	v7 =	vld.idx.msk [tilespmem:v0+s22+$0x0], $0xffff  }
0x2d9: {  	s12 =	simm.s32 $0xE9D0;
	[tilespmem:s13+$0xFFFFFFF0] =	vst v10;
	v6 =	vld.idx.msk [tilespmem:v6+s23+$0x0], $0xffff  }
0x2da: {  	s11 =	simm.s32 $0x1B190;
	[tilespmem:s12+$0x0] =	vst v8;
	v5 =	vld.idx.msk [tilespmem:v5+s23+$0x0], $0xffff  }
0x2db: {  	v8 =	vld.idx.msk [tilespmem:v2+s22+$0x0], $0xffff;
	[tilespmem:s11+$0x0] =	vst v11  }
0x2dc: {  	s10 =	simm.s32 $0x1B190;
	s14 =	simm.s32 $0x8610;
	s13 =	simm.s32 $0x206;
	v10 =	vld.idx.msk [tilespmem:v4+s3+$0x0], $0xffff;
	[tilespmem:s12+$0xFFFFFFF0] =	vst v9;
	v9 =	vmov v4  }
.LBB2_22:
0x2dd: {  	v11 =	vld [tilespmem:s14+$0x0];
	s13 =	sadd.s32 $0x2, s13;
	[tilespmem:s9+$0xFFFFFFF0] =	vst v7;
	s11 =	sadd.s32 $0x20, s11  }
0x2de: {  	v12 =	vld [tilespmem:s14+$0xFFFFFFF0];
	p0 =	slt.u32 s13, $0x3FE;
	[tilespmem:s11+$0x0] =	vst v6  }
0x2df: {  	s9 =	sadd.s32 $0x20, s9;
	v13 =	vld.idx.msk [tilespmem:v3+s3+$0x0], $0xffff;
	[tilespmem:s10+$0xFFFFFFF0] =	vst v5;
	s10 =	smov.u32 s11  }
0x2e0: {  	v7 =	vld.idx.msk [tilespmem:v1+s22+$0x0], $0xffff;
	[tilespmem:s9+$0x0] =	vst v8  }
.Ltmp10:
0x2e1: {  	s12 =	sadd.s32 $0x20, s12;
	v6 =	vld.idx.msk [tilespmem:v2+s23+$0x0], $0xffff;
	v2 =	vmov v4;
	(pc) =	sbr.rel @p0 .LBB2_22-.Ltmp10, $3  }
0x2e2: {  	[tilespmem:s12+$0x0] =	vst v10;
	v5 =	vld.idx.msk [tilespmem:v0+s23+$0x0], $0xffff;
	v4 =	vmov v11;
	v0 =	vmov v1;
	v1 =	vmov v3  }
0x2e3: {  	v8 =	vld.idx.msk [tilespmem:v9+s22+$0x0], $0xffff;
	v9 =	vmov v11;
	v3 =	vmov v12;
	_ =	sdelay $0x1  }
0x2e4: {  	s14 =	sadd.s32 $0x20, s14;
	v10 =	vld.idx.msk [tilespmem:v11+s3+$0x0], $0xffff;
	[tilespmem:s12+$0xFFFFFFF0] =	vst v13  }
0x2e5: {  	_ =	sdelay $0x3  }
0x2e6: {  	v11 =	vld.idx.msk [tilespmem:v3+s3+$0x0], $0xffff;
	_ =	sdelay $0x2  }
0x2e7: {  	s12 =	sadd.s32 $0x20, s12  }
0x2e8: {  	[tilespmem:s12+$0x0] =	vst v10;
	v10 =	vld.idx.msk [tilespmem:v1+s22+$0x0], $0xffff  }
0x2e9: {  	v9 =	vld.idx.msk [tilespmem:v9+s22+$0x0], $0xffff;
	[tilespmem:s12+$0xFFFFFFF0] =	vst v11  }
0x2ea: {  	[tilespmem:s9+$0xFFFFFFF0] =	vst v7;
	s11 =	sadd.s32 $0x20, s11;
	v7 =	vld.idx.msk [tilespmem:v3+s22+$0x0], $0xffff  }
0x2eb: {  	s14 =	sadd.s32 $0x20, s9;
	[tilespmem:s11+$0x0] =	vst v6  }
0x2ec: {  	v0 =	vld.idx.msk [tilespmem:v0+s23+$0x0], $0xffff;
	[tilespmem:s14+$0x0] =	vst v8  }
0x2ed: {  	s15 =	sadd.s32 $0x20, s14;
	v2 =	vld.idx.msk [tilespmem:v2+s23+$0x0], $0xffff;
	[tilespmem:s14+$0xFFFFFFF0] =	vst v10  }
0x2ee: {  	[tilespmem:s15+$0x0] =	vst v9;
	v1 =	vld.idx.msk [tilespmem:v1+s23+$0x0], $0xffff  }
0x2ef: {  	v4 =	vld.idx.msk [tilespmem:v4+s23+$0x0], $0xffff;
	[tilespmem:s15+$0xFFFFFFF0] =	vst v7  }
0x2f0: {  	[tilespmem:s10+$0xFFFFFFF0] =	vst v5;
	v3 =	vld.idx.msk [tilespmem:v3+s23+$0x0], $0xffff  }
0x2f1: {  	s12 =	sadd.s32 $0x20, s11;
	[tilespmem:s11+$0xFFFFFFF0] =	vst v0  }
0x2f2: {  	[tilespmem:s12+$0x0] =	vst v2  }
0x2f3: {  	s13 =	sadd.s32 $0x20, s12;
	[tilespmem:s12+$0xFFFFFFF0] =	vst v1  }
0x2f4: {  	[tilespmem:s13+$0x0] =	vst v4  }
0x2f5: {  	[tilespmem:s13+$0xFFFFFFF0] =	vst v3  }
0x2f6: {  	s9 =	sld [smem:$0x7FA];
	_ =	sdelay $0x1  }
0x2f7: {  	s14 =	sld [smem:$0x7FB]  }
0x2f8: {  	[hbm4b:s9+s18] =	stream.strided.scatter [tilespmem:s28], [sflag:$0x4], $0x2000, s19, s18, $0x38;
	[tilespmem:$0x1F580] =	vst v63  }
0x2f9: {  	s15 =	sld [smem:$0x7FC]  }
0x2fa: {  	[hbm4b:s14+s18] =	stream.strided.scatter [tilespmem:s29], [sflag:$0x4], $0x2000, s19, s18, $0x38;
	[tilespmem:$0x1F580] =	vst v63  }
0x2fb: {  	_ = 	snop  }
0x2fc: {  	[hbm4b:s15+s18] =	stream.strided.scatter [tilespmem:s30], [sflag:$0x4], $0x2000, s19, s18, $0x38;
	[tilespmem:$0x1F580] =	vst v63  }
0x2fd: {  	_ =	swait.ge [sflag:s6], $0x2400  }
0x2fe: {  	[sflag:s6] =	ssyncset.done $0x0  }
0x2ff: {  	[sflag:s6] =	ssyncadd.s32 $0xFFFFDC00  }
0x300: {  	_ =	swait.ge [sflag:s6], $0x2400  }
0x301: {  	[sflag:s6] =	ssyncset.done $0x0  }
0x302: {  	[sflag:s6] =	ssyncadd.s32 $0xFFFFDC00  }
0x303: {  	_ =	swait.ge [sflag:s6], $0x2400  }
0x304: {  	[sflag:s6] =	ssyncset.done $0x0  }
0x305: {  	s10 =	simm.s32 $0x0;
	[sflag:s6] =	ssyncadd.s32 $0xFFFFDC00  }
0x306: {  	v3 =	vld [tilespmem:s10+$0xA590];
	_ =	sdelay $0x2  }
0x307: {  	s9 =	simm.s32 $0x20;
	v4 =	vld [tilespmem:s10+$0xA580]  }
0x308: {  	v6 =	vld [tilespmem:s9+$0xA590];
	_ =	sdelay $0x1  }
0x309: {  	s11 =	simm.s32 $0x40;
	v0 =	vld [tilespmem:s9+$0xA580]  }
0x30a: {  	v2 =	vld [tilespmem:s11+$0xA590]  }
0x30b: {  	v1 =	vld.idx.msk [tilespmem:v3+s3+$0x0], $0xffff;
	_ =	sdelay $0x2  }
0x30c: {  	v5 =	vld.idx.msk [tilespmem:v4+s3+$0x0], $0xffff  }
0x30d: {  	v8 =	vld.idx.msk [tilespmem:v6+s3+$0x0], $0xffff  }
0x30e: {  	[tilespmem:s10+$0x10990] =	vst v1;
	v1 =	vld [tilespmem:s11+$0xA580]  }
0x30f: {  	v7 =	vld.idx.msk [tilespmem:v3+s22+$0x0], $0xffff  }
0x310: {  	v9 =	vld.idx.msk [tilespmem:v0+s3+$0x0], $0xffff  }
0x311: {  	s12 =	simm.s32 $0x60;
	v12 =	vld.idx.msk [tilespmem:v2+s3+$0x0], $0xffff;
	[tilespmem:s10+$0x10980] =	vst v5  }
0x312: {  	[tilespmem:s9+$0x10990] =	vst v8;
	v5 =	vld [tilespmem:s12+$0xA590]  }
0x313: {  	v8 =	vld.idx.msk [tilespmem:v6+s22+$0x0], $0xffff  }
0x314: {  	v10 =	vld.idx.msk [tilespmem:v4+s22+$0x0], $0xffff;
	[tilespmem:s10+$0x16D90] =	vst v7  }
0x315: {  	v11 =	vld.idx.msk [tilespmem:v3+s23+$0x0], $0xffff  }
0x316: {  	v3 =	vld [tilespmem:s12+$0xA580]  }
0x317: {  	[tilespmem:s9+$0x10980] =	vst v9;
	v7 =	vld.idx.msk [tilespmem:v1+s3+$0x0], $0xffff  }
0x318: {  	[tilespmem:s9+$0x16D90] =	vst v8;
	v8 =	vld.idx.msk [tilespmem:v0+s22+$0x0], $0xffff  }
0x319: {  	[tilespmem:s10+$0x16D80] =	vst v10;
	v9 =	vld.idx.msk [tilespmem:v6+s23+$0x0], $0xffff  }
0x31a: {  	[tilespmem:s11+$0x10990] =	vst v12;
	v6 =	vld.idx.msk [tilespmem:v4+s23+$0x0], $0xffff  }
0x31b: {  	s13 =	simm.s32 $0x406;
	s14 =	simm.s32 $0x200;
	v10 =	vmov v5;
	v4 =	vmov v5;
	[tilespmem:s10+$0x1D190] =	vst v11;
	v11 =	vld.idx.msk [tilespmem:v2+s22+$0x0], $0xffff  }
.LBB2_24:
0x31c: {  	s15 =	sshra.s32 s14, $0x2;
	s13 =	sadd.s32 $0x2, s13;
	v12 =	vld.idx.msk [tilespmem:v5+s3+$0x0], $0xffff;
	[tilespmem:s11+$0x10980] =	vst v7  }
0x31d: {  	v5 =	vld [tilespmem:s15+$0xA590];
	p0 =	slt.u32 s13, $0x63E;
	[tilespmem:s9+$0x16D80] =	vst v8  }
0x31e: {  	v13 =	vld [tilespmem:s15+$0xA580];
	[tilespmem:s9+$0x1D190] =	vst v9  }
0x31f: {  	v7 =	vld.idx.msk [tilespmem:v3+s3+$0x0], $0xffff;
	[tilespmem:s10+$0x1D180] =	vst v6;
	s10 =	smov.u32 s9;
	s9 =	smov.u32 s11;
	s11 =	smov.u32 s12  }
.Ltmp11:
0x320: {  	s12 =	smov.u32 s15;
	v8 =	vld.idx.msk [tilespmem:v1+s22+$0x0], $0xffff;
	[tilespmem:s9+$0x16D90] =	vst v11;
	(pc) =	sbr.rel @p0 .LBB2_24-.Ltmp11, $4  }
0x321: {  	v9 =	vld.idx.msk [tilespmem:v2+s23+$0x0], $0xffff;
	v2 =	vmov v4  }
0x322: {  	[tilespmem:s11+$0x10990] =	vst v12;
	v6 =	vld.idx.msk [tilespmem:v0+s23+$0x0], $0xffff;
	v4 =	vmov v5;
	v0 =	vmov v1;
	v1 =	vmov v3  }
0x323: {  	v11 =	vld.idx.msk [tilespmem:v10+s22+$0x0], $0xffff;
	v10 =	vmov v5;
	v3 =	vmov v13  }
0x324: {  	s14 =	sadd.s32 $0x80, s14  }
0x325: {  	_ =	sdelay $0x3  }
0x326: {  	v5 =	vld.idx.msk [tilespmem:v5+s3+$0x0], $0xffff  }
0x327: {  	v12 =	vld.idx.msk [tilespmem:v3+s3+$0x0], $0xffff;
	_ =	sdelay $0x2  }
0x328: {  	[tilespmem:s11+$0x10980] =	vst v7  }
0x329: {  	v7 =	vld.idx.msk [tilespmem:v1+s22+$0x0], $0xffff;
	[tilespmem:s12+$0x10990] =	vst v5  }
0x32a: {  	[tilespmem:s12+$0x10980] =	vst v12;
	v5 =	vld.idx.msk [tilespmem:v10+s22+$0x0], $0xffff  }
0x32b: {  	[tilespmem:s9+$0x16D80] =	vst v8;
	v61 =	vld.idx.msk [tilespmem:v3+s22+$0x0], $0xffff  }
0x32c: {  	[tilespmem:s9+$0x1D190] =	vst v9  }
0x32d: {  	v0 =	vld.idx.msk [tilespmem:v0+s23+$0x0], $0xffff;
	[tilespmem:s11+$0x16D90] =	vst v11  }
0x32e: {  	v2 =	vld.idx.msk [tilespmem:v2+s23+$0x0], $0xffff;
	[tilespmem:s11+$0x16D80] =	vst v7  }
0x32f: {  	v62 =	vld.idx.msk [tilespmem:v1+s23+$0x0], $0xffff;
	[tilespmem:s12+$0x16D90] =	vst v5  }
0x330: {  	[tilespmem:s12+$0x16D80] =	vst v61;
	v4 =	vld.idx.msk [tilespmem:v4+s23+$0x0], $0xffff  }
0x331: {  	[tilespmem:s10+$0x1D180] =	vst v6;
	v63 =	vld.idx.msk [tilespmem:v3+s23+$0x0], $0xffff  }
0x332: {  	[tilespmem:s9+$0x1D180] =	vst v0  }
0x333: {  	[tilespmem:s11+$0x1D190] =	vst v2  }
0x334: {  	[tilespmem:s11+$0x1D180] =	vst v62  }
0x335: {  	[tilespmem:s12+$0x1D190] =	vst v4  }
0x336: {  	[tilespmem:s12+$0x1D180] =	vst v63  }
0x337: {  	s9 =	sld [smem:$0x7FD];
	_ =	sdelay $0x2  }
0x338: {  	[hbm4b:s9+s18] =	stream.strided.scatter [tilespmem:s31], [sflag:$0x5], $0x2400, s19, s18, $0x38;
	[tilespmem:$0x1F580] =	vst v63  }
0x339: {  	_ = 	snop  }
0x33a: {  	[hbm4b:s16+s18] =	stream.strided.scatter [tilespmem:s0], [sflag:$0x5], $0x2400, s19, s18, $0x38;
	[tilespmem:$0x1F580] =	vst v63  }
0x33b: {  	_ = 	snop  }
0x33c: {  	[hbm4b:s17+s18] =	stream.strided.scatter [tilespmem:s2], [sflag:$0x5], $0x2400, s19, s18, $0x38;
	[tilespmem:$0x1F580] =	vst v63  }
0x33d: {  	_ =	swait.ge [sflag:s4], $0x2000  }
0x33e: {  	[sflag:s4] =	ssyncset.done $0x0  }
0x33f: {  	[sflag:s4] =	ssyncadd.s32 $0xFFFFE000  }
0x340: {  	_ =	swait.ge [sflag:s4], $0x2000  }
0x341: {  	[sflag:s4] =	ssyncset.done $0x0  }
0x342: {  	[sflag:s4] =	ssyncadd.s32 $0xFFFFE000  }
0x343: {  	_ =	swait.ge [sflag:s4], $0x2000  }
0x344: {  	[sflag:s4] =	ssyncset.done $0x0  }
0x345: {  	[sflag:s4] =	ssyncadd.s32 $0xFFFFE000  }
0x346: {  	_ =	swait.ge [sflag:s5], $0x2000  }
0x347: {  	[sflag:s5] =	ssyncset.done $0x0  }
0x348: {  	[sflag:s5] =	ssyncadd.s32 $0xFFFFE000  }
0x349: {  	_ =	swait.ge [sflag:s5], $0x2000  }
0x34a: {  	[sflag:s5] =	ssyncset.done $0x0  }
0x34b: {  	[sflag:s5] =	ssyncadd.s32 $0xFFFFE000  }
0x34c: {  	_ =	swait.ge [sflag:s5], $0x2000  }
0x34d: {  	[sflag:s5] =	ssyncset.done $0x0  }
0x34e: {  	[sflag:s5] =	ssyncadd.s32 $0xFFFFE000  }
0x34f: {  	_ =	swait.ge [sflag:s6], $0x2400  }
0x350: {  	[sflag:s6] =	ssyncset.done $0x0  }
0x351: {  	[sflag:s6] =	ssyncadd.s32 $0xFFFFDC00  }
0x352: {  	_ =	swait.ge [sflag:s6], $0x2400  }
0x353: {  	[sflag:s6] =	ssyncset.done $0x0  }
0x354: {  	[sflag:s6] =	ssyncadd.s32 $0xFFFFDC00  }
0x355: {  	_ =	swait.ge [sflag:s6], $0x2400  }
0x356: {  	s8 =	sadd.s32 $0x1, s8;
	s15 =	rddreg [dreg:$0x18]  }
0x357: {  	p0 =	sne.s32 s8, s15  }
.Ltmp12:
0x358: {  	_ = 	snop;
	(pc) =	sbr.rel @p0 .LBB2_1-.Ltmp12, $3  }
0x359: {  	_ =	sdelay $0x1  }
0x35a: {  	[sflag:s6] =	ssyncset.done $0x0  }
0x35b: {  	[sflag:s6] =	ssyncadd.s32 $0xFFFFDC00  }
0x35c: {  	_ =	sfence.sel $0x180000  }
0x35d: {  	[bflag:$0x0] =	sbarrier.arrive $0xFFFF  }
0x35e: {  	_ =	strace $0x90000047  }
0x35f: {  	s0 =	stileid.u32;
	[bflag:$0x2] =	sbarrier.arrive $0xFFFF  }
0x360: {  	p0 =	sne.s32 s0, $0x0;
	s0 =	rddreg [dreg:$0x3]  }
0x361: {  	s0 =	sadd.s32 @!p0 $0x100000, s0  }
0x362: {  	[sflag:s0] =	ssyncadd.tile.s32 @!p0 $0x1;
	_ =	shalt  }
.Lfunc_end2:
_tile_overlayer_lowered:
.L_overlay_start_2:
0x363: {  	(tag) =	ssettag $0x2  }
0x364: {  	s0 =	rddreg [dreg:$0x0];
	s2 =	stileid.u32  }
0x365: {  	s1 =	rddreg [dreg:$0x1];
	p0 =	sne.s32 s2, $0x0  }
0x366: {  	s3 =	rddreg [dreg:$0x2];
	[bflag:$0x3] =	sbarrier.arrive $0xFFFF;
	s2 =	simm.s32 @!p0 $0x1C07  }
0x367: {  	[timem:s3], [sflag:s2] =	dma.local @!p0 [hbm:s0], s1  }
0x368: {  	s0 =	simm.s32 @!p0 $0x7  }
0x369: {  	_ =	swait.ge @!p0 [sflag:s0], s1  }
0x36a: {  	s1 =	ssub.s32 @!p0 $0x0, s1;
	[sflag:s0] =	ssyncset.done @!p0 $0x0  }
0x36b: {  	[sflag:s0] =	ssyncadd.s32 @!p0 s1  }
0x36c: {  	[bflag:$0x3] =	sbarrier.arrive $0xFFFF  }
0x36d: {  	_ =	shalt  }

</sc_bundles>
